<compile_context>
chip_gen: v7x
topology: tpu7x:2x2x1
jax: 0.10.2.dev20260603
libtpu: 0.0.44.dev20260713+nightly
codegen_flags: <defaults>
</compile_context>

<pallas_src>
import functools

import jax
import jax.numpy as jnp
from jax import lax
from jax.experimental import pallas as pl
from jax.experimental.pallas import tpu as pltpu
from jax.experimental.pallas import tpu_sc as plsc

_NUM_CORES = 2
_NUM_SUBCORES = 16
_NUM_WORKERS = _NUM_CORES * _NUM_SUBCORES
_BLK = 256
_SUB = 128


def _make_gather(rows: int, cols: int, dim: int):
    batch = rows * cols
    per_w = batch // _NUM_WORKERS
    n_items = per_w // _BLK
    assert per_w * _NUM_WORKERS == batch and n_items % 2 == 0
    items_per_col = rows // _BLK
    n_pairs = n_items // 2

    mesh = plsc.VectorSubcoreMesh(core_axis_name="c", subcore_axis_name="s")

    scratch = {
        "idx_all": pltpu.VMEM((per_w,), jnp.int32),
        "idx4_all": pltpu.VMEM((per_w,), jnp.int32),
        "rows_a0": pltpu.VMEM((_SUB, 4 * dim), jnp.float32),
        "rows_a1": pltpu.VMEM((_SUB, 4 * dim), jnp.float32),
        "rows_b0": pltpu.VMEM((_SUB, 4 * dim), jnp.float32),
        "rows_b1": pltpu.VMEM((_SUB, 4 * dim), jnp.float32),
        "t_a": pltpu.VMEM((1, dim, _BLK), jnp.float32),
        "t_b": pltpu.VMEM((1, dim, _BLK), jnp.float32),
        "gsem_a": pltpu.SemaphoreType.DMA,
        "gsem_b": pltpu.SemaphoreType.DMA,
        "wsem_a": pltpu.SemaphoreType.DMA,
        "wsem_b": pltpu.SemaphoreType.DMA,
    }

    @functools.partial(
        pl.kernel,
        mesh=mesh,
        out_type=jax.ShapeDtypeStruct((cols, dim, rows), jnp.float32),
        scratch_types=list(scratch.values()),
        compiler_params=pltpu.CompilerParams(
            needs_layout_passes=False, disable_bounds_checks=True
        ),
    )
    def emb(idx_hbm, table_hbm, out_hbm, *scr):
        s = dict(zip(scratch.keys(), scr))
        wid = lax.axis_index("s") * _NUM_CORES + lax.axis_index("c")
        base = wid * per_w
        item0 = wid * n_items
        iota16 = lax.iota(jnp.int32, 16)
        idx_all, idx4_all = s["idx_all"], s["idx4_all"]

        pltpu.sync_copy(idx_hbm.at[pl.ds(base, per_w)], idx_all)

        def shift(k, carry):
            o = pl.multiple_of(k * 16, 16)
            idx4_all[pl.ds(o, 16)] = idx_all[pl.ds(o, 16)] >> 2
            return carry

        lax.fori_loop(0, per_w // 16, shift, 0)

        def coords(g):
            goff = item0 + g
            return goff // items_per_col, (goff % items_per_col) * _BLK

        def fire(g, rows, gsem):
            for j in range(2):
                o = pl.multiple_of(g * _BLK + j * _SUB, _SUB)
                pltpu.async_copy(
                    table_hbm.at[idx4_all.at[pl.ds(o, _SUB)]], rows[j], gsem
                )

        def drain_g(rows, gsem):
            for j in range(2):
                pltpu.make_async_copy(
                    table_hbm.at[idx4_all.at[pl.ds(0, _SUB)]], rows[j], gsem
                ).wait()

        def transpose(g, rows, t_v):
            for half in range(2):

                def group(k, carry, half=half):
                    oo = pl.multiple_of(k * 16, 16)
                    raw = idx_all[pl.ds(g * _BLK + half * _SUB + oo, 16)]
                    cb = (raw & 3) << 5
                    row_ids = oo + iota16
                    vs = [
                        plsc.load_gather(rows[half], [row_ids, cb + f])
                        for f in range(dim)
                    ]
                    for f in range(dim):
                        t_v[0, f, pl.ds(half * _SUB + oo, 16)] = vs[f]
                    return carry

                lax.fori_loop(0, _SUB // 16, group, 0)

        def write(g, t_v, wsem):
            col, b0 = coords(g)
            pltpu.async_copy(t_v, out_hbm.at[pl.ds(col, 1), :, pl.ds(b0, _BLK)], wsem)

        def drain_write(t_v, wsem):
            col, b0 = coords(0)
            pltpu.make_async_copy(
                t_v, out_hbm.at[pl.ds(col, 1), :, pl.ds(b0, _BLK)], wsem
            ).wait()

        rows_a = [s["rows_a0"], s["rows_a1"]]
        rows_b = [s["rows_b0"], s["rows_b1"]]

        fire(0, rows_a, s["gsem_a"])

        def pair(q, carry):
            ga = 2 * q
            gb = ga + 1
            fire(gb, rows_b, s["gsem_b"])
            drain_g(rows_a, s["gsem_a"])

            @pl.when(q > 0)
            def _():
                drain_write(s["t_a"], s["wsem_a"])

            transpose(ga, rows_a, s["t_a"])
            write(ga, s["t_a"], s["wsem_a"])

            @pl.when(q < n_pairs - 1)
            def _():
                fire(ga + 2, rows_a, s["gsem_a"])

            drain_g(rows_b, s["gsem_b"])

            @pl.when(q > 0)
            def _():
                drain_write(s["t_b"], s["wsem_b"])

            transpose(gb, rows_b, s["t_b"])
            write(gb, s["t_b"], s["wsem_b"])
            return carry

        lax.fori_loop(0, n_pairs, pair, 0)
        drain_write(s["t_a"], s["wsem_a"])
        drain_write(s["t_b"], s["wsem_b"])

    return emb


def kernel(x, weight):
    rows, cols = x.shape
    vocab, dim = weight.shape
    idx = x.T.reshape(rows * cols).astype(jnp.int32)
    w4 = weight.reshape(vocab // 4, 4 * dim)
    out = _make_gather(rows, cols, dim)(idx, w4)
    return out.transpose(2, 0, 1)

# --- scband reference (transcript-rebuilt; emitter-appended) ---
"""Pipeline reference for scband-simple-embedding-14877766714028 (READ-ONLY COPY).

The authoritative reference and input builder live on the scoring server;
editing this copy changes nothing except your own understanding.
"""

import jax, jax.numpy as jnp
import numpy as np

NUM_EMBEDDINGS = 1000000
EMBEDDING_DIM = 32

def setup_inputs(seed: int = 0) -> dict:
    key = jax.random.key(seed)
    k_idx, k_w = jax.random.split(key)
    x = jax.random.randint(k_idx, (16384, 26), 0, NUM_EMBEDDINGS, dtype=jnp.int64 if jax.config.jax_enable_x64 else jnp.int32)
    weight = jax.random.normal(k_w, (NUM_EMBEDDINGS, EMBEDDING_DIM), dtype=jnp.float32)
    return {"x": x, "weight": weight}

def reference(x, weight):
    # nn.Embedding forward: row gather from the embedding table
    return jnp.take(weight, x, axis=0)

if __name__ == "__main__":
    import jax
    _d = setup_inputs()
    print(jax.jit(kernel)(*tuple(_d.values())))

</pallas_src>

<mosaic_0001>
#map = affine_map<(d0, d1) -> (0)>
#map1 = affine_map<(d0, d1) -> (0, 0)>
#map2 = affine_map<(d0, d1) -> (0, 0, 0)>
module attributes {stable_mosaic.version = 14 : i64} {
  func.func @emb(%arg0: i32, %arg1: i32, %arg2: memref<425984xi32, #tpu.memory_space<hbm>>, %arg3: memref<250000x128xf32, #tpu.memory_space<hbm>>, %arg4: memref<26x32x16384xf32, #tpu.memory_space<hbm>>, %arg5: memref<13312xi32, #tpu.memory_space<vmem>>, %arg6: memref<13312xi32, #tpu.memory_space<vmem>>, %arg7: memref<128x128xf32, #tpu.memory_space<vmem>>, %arg8: memref<128x128xf32, #tpu.memory_space<vmem>>, %arg9: memref<128x128xf32, #tpu.memory_space<vmem>>, %arg10: memref<128x128xf32, #tpu.memory_space<vmem>>, %arg11: memref<1x32x256xf32, #tpu.memory_space<vmem>>, %arg12: memref<1x32x256xf32, #tpu.memory_space<vmem>>, %arg13: memref<!tpu.dma_semaphore, #tpu.memory_space<semaphore_mem>>, %arg14: memref<!tpu.dma_semaphore, #tpu.memory_space<semaphore_mem>>, %arg15: memref<!tpu.dma_semaphore, #tpu.memory_space<semaphore_mem>>, %arg16: memref<!tpu.dma_semaphore, #tpu.memory_space<semaphore_mem>>) attributes {dimension_semantics = [#tpu.dimension_semantics<core_parallel>, #tpu.dimension_semantics<subcore_parallel>], iteration_bounds = array<i64: 2, 16>, scalar_prefetch = 0 : i64, scratch_operands = 12 : i64, tpu.core_type = #tpu.core_type<sc_vector_subcore>, window_params = [{transform_indices = #map}, {transform_indices = #map1}, {transform_indices = #map2}]} {
    %mul3A = arith.constant 2 : i32
    %mul3A_0 = arith.muli %arg1, %mul3A : i32
    %add3A = arith.addi %mul3A_0, %arg0 : i32
    %mul3A_1 = arith.constant 13312 : i32
    %mul3A_2 = arith.muli %add3A, %mul3A_1 : i32
    %mul3A_3 = arith.constant 52 : i32
    %mul3A_4 = arith.muli %add3A, %mul3A_3 : i32
    %iota3A = tpu.iota {dimensions = array<i32: 0>} : vector<16xi32>
    "tpu.region"() ({
      %run_scoped3A = tpu.sem_alloc : memref<!tpu.dma_semaphore, #tpu.memory_space<semaphore_mem>>
      %dma_start3A_111 = tpu.memref_slice %arg2[%mul3A_2] : memref<425984xi32, #tpu.memory_space<hbm>> -> memref<13312xi32, #tpu.memory_space<hbm>>
      %dma_start3A_112 = tpu.memref_slice %arg2[%mul3A_2] : memref<425984xi32, #tpu.memory_space<hbm>> -> memref<13312xi32, #tpu.memory_space<hbm>>
      tpu.enqueue_dma source(%dma_start3A_112 : memref<13312xi32, #tpu.memory_space<hbm>>) target(%arg5 : memref<13312xi32, #tpu.memory_space<vmem>>) target_semaphore(%run_scoped3A : memref<!tpu.dma_semaphore, #tpu.memory_space<semaphore_mem>>)
      %dma_wait3A_113 = tpu.memref_slice %arg2[%mul3A_2] : memref<425984xi32, #tpu.memory_space<hbm>> -> memref<13312xi32, #tpu.memory_space<hbm>>
      %dma_wait3A_114 = tpu.memref_slice %arg2[%mul3A_2] : memref<425984xi32, #tpu.memory_space<hbm>> -> memref<13312xi32, #tpu.memory_space<hbm>>
      tpu.wait_dma2 semaphore(%run_scoped3A : memref<!tpu.dma_semaphore, #tpu.memory_space<semaphore_mem>>) src(%dma_wait3A_114 : memref<13312xi32, #tpu.memory_space<hbm>>) dst(%arg5 : memref<13312xi32, #tpu.memory_space<vmem>>)
      tpu.yield
    }) : () -> ()
    %scan3A = arith.constant 0 : i32
    %scan3A_5 = arith.constant 0 : i32
    %scan3A_6 = arith.constant 832 : i32
    %scan3A_7 = arith.addi %scan3A_5, %scan3A_6 : i32
    %scan3A_8 = arith.constant 1 : i32
    scf.for %scan3A_111 = %scan3A_5 to %scan3A_7 step %scan3A_8  : i32 {
      %mul3A_112 = arith.constant 16 : i32
      %mul3A_113 = arith.muli %scan3A_111, %mul3A_112 : i32
      %multiple_of3A_114 = tpu.assume_multiple %mul3A_113, 16 : i32
      %get3A = arith.index_cast %multiple_of3A_114 : i32 to index
      %get3A_115 = tpu.vector_load %arg5[%get3A] {strides = array<i32>} : memref<13312xi32, #tpu.memory_space<vmem>>, vector<16xi32>,
      %shift_right_arithmetic3A = arith.constant 2 : i32
      %shift_right_arithmetic3A_116 = vector.broadcast %shift_right_arithmetic3A : i32 to vector<16xi32>
      %shift_right_arithmetic3A_117 = arith.shrsi %get3A_115, %shift_right_arithmetic3A_116 : vector<16xi32>
      %swap3A = arith.index_cast %multiple_of3A_114 : i32 to index
      %swap3A_118 = tpu.vector_load %arg6[%swap3A] {strides = array<i32>} : memref<13312xi32, #tpu.memory_space<vmem>>, vector<16xi32>,
      tpu.vector_store %arg6[%swap3A], %shift_right_arithmetic3A_117 {strides = array<i32>} : memref<13312xi32, #tpu.memory_space<vmem>>, vector<16xi32>,
    }
    %scan3A_9 = arith.constant 832 : i32
    %multiple_of3A = arith.constant 0 : i32
    %multiple_of3A_10 = tpu.assume_multiple %multiple_of3A, 128 : i32
    %dma_start3A = tpu.memref_slice %arg6[%multiple_of3A_10] : memref<13312xi32, #tpu.memory_space<vmem>> -> memref<128xi32, #tpu.memory_space<vmem>>
    %dma_start3A_11 = arith.constant 0 : i32
    %dma_start3A_12 = arith.constant 0 : i32
    %dma_start3A_13 = tpu.memref_slice %arg3[%dma_start3A_11, %dma_start3A_12] : memref<250000x128xf32, #tpu.memory_space<hbm>> -> memref<250000x128xf32, #tpu.memory_space<hbm>>
    tpu.enqueue_indirect_dma source(%dma_start3A_13 : memref<250000x128xf32, #tpu.memory_space<hbm>>) target(%arg7 : memref<128x128xf32, #tpu.memory_space<vmem>>) offsets(%dma_start3A : memref<128xi32, #tpu.memory_space<vmem>>) semaphore(%arg13 : memref<!tpu.dma_semaphore, #tpu.memory_space<semaphore_mem>>)
    %multiple_of3A_14 = arith.constant 128 : i32
    %multiple_of3A_15 = tpu.assume_multiple %multiple_of3A_14, 128 : i32
    %dma_start3A_16 = tpu.memref_slice %arg6[%multiple_of3A_15] : memref<13312xi32, #tpu.memory_space<vmem>> -> memref<128xi32, #tpu.memory_space<vmem>>
    %dma_start3A_17 = arith.constant 0 : i32
    %dma_start3A_18 = arith.constant 0 : i32
    %dma_start3A_19 = tpu.memref_slice %arg3[%dma_start3A_17, %dma_start3A_18] : memref<250000x128xf32, #tpu.memory_space<hbm>> -> memref<250000x128xf32, #tpu.memory_space<hbm>>
    tpu.enqueue_indirect_dma source(%dma_start3A_19 : memref<250000x128xf32, #tpu.memory_space<hbm>>) target(%arg8 : memref<128x128xf32, #tpu.memory_space<vmem>>) offsets(%dma_start3A_16 : memref<128xi32, #tpu.memory_space<vmem>>) semaphore(%arg13 : memref<!tpu.dma_semaphore, #tpu.memory_space<semaphore_mem>>)
    %scan3A_20 = arith.constant 0 : i32
    %scan3A_21 = arith.constant 0 : i32
    %scan3A_22 = arith.constant 26 : i32
    %scan3A_23 = arith.addi %scan3A_21, %scan3A_22 : i32
    %scan3A_24 = arith.constant 1 : i32
    scf.for %scan3A_111 = %scan3A_21 to %scan3A_23 step %scan3A_24  : i32 {
      %mul3A_112 = arith.constant 2 : i32
      %mul3A_113 = arith.muli %mul3A_112, %scan3A_111 : i32
      %add3A_114 = arith.constant 1 : i32
      %add3A_115 = arith.addi %mul3A_113, %add3A_114 : i32
      %mul3A_116 = arith.constant 256 : i32
      %mul3A_117 = arith.muli %add3A_115, %mul3A_116 : i32
      %add3A_118 = arith.constant 0 : i32
      %add3A_119 = arith.addi %mul3A_117, %add3A_118 : i32
      %multiple_of3A_120 = tpu.assume_multiple %add3A_119, 128 : i32
      %dma_start3A_121 = tpu.memref_slice %arg6[%multiple_of3A_120] : memref<13312xi32, #tpu.memory_space<vmem>> -> memref<128xi32, #tpu.memory_space<vmem>>
      %dma_start3A_122 = arith.constant 0 : i32
      %dma_start3A_123 = arith.constant 0 : i32
      %dma_start3A_124 = tpu.memref_slice %arg3[%dma_start3A_122, %dma_start3A_123] : memref<250000x128xf32, #tpu.memory_space<hbm>> -> memref<250000x128xf32, #tpu.memory_space<hbm>>
      tpu.enqueue_indirect_dma source(%dma_start3A_124 : memref<250000x128xf32, #tpu.memory_space<hbm>>) target(%arg9 : memref<128x128xf32, #tpu.memory_space<vmem>>) offsets(%dma_start3A_121 : memref<128xi32, #tpu.memory_space<vmem>>) semaphore(%arg14 : memref<!tpu.dma_semaphore, #tpu.memory_space<semaphore_mem>>)
      %mul3A_125 = arith.constant 256 : i32
      %mul3A_126 = arith.muli %add3A_115, %mul3A_125 : i32
      %add3A_127 = arith.constant 128 : i32
      %add3A_128 = arith.addi %mul3A_126, %add3A_127 : i32
      %multiple_of3A_129 = tpu.assume_multiple %add3A_128, 128 : i32
      %dma_start3A_130 = tpu.memref_slice %arg6[%multiple_of3A_129] : memref<13312xi32, #tpu.memory_space<vmem>> -> memref<128xi32, #tpu.memory_space<vmem>>
      %dma_start3A_131 = arith.constant 0 : i32
      %dma_start3A_132 = arith.constant 0 : i32
      %dma_start3A_133 = tpu.memref_slice %arg3[%dma_start3A_131, %dma_start3A_132] : memref<250000x128xf32, #tpu.memory_space<hbm>> -> memref<250000x128xf32, #tpu.memory_space<hbm>>
      tpu.enqueue_indirect_dma source(%dma_start3A_133 : memref<250000x128xf32, #tpu.memory_space<hbm>>) target(%arg10 : memref<128x128xf32, #tpu.memory_space<vmem>>) offsets(%dma_start3A_130 : memref<128xi32, #tpu.memory_space<vmem>>) semaphore(%arg14 : memref<!tpu.dma_semaphore, #tpu.memory_space<semaphore_mem>>)
      %dma_wait3A_134 = arith.constant 0 : i32
      %dma_wait3A_135 = tpu.memref_slice %arg6[%dma_wait3A_134] : memref<13312xi32, #tpu.memory_space<vmem>> -> memref<128xi32, #tpu.memory_space<vmem>>
      %dma_wait3A_136 = arith.constant 0 : i32
      %dma_wait3A_137 = arith.constant 0 : i32
      %dma_wait3A_138 = tpu.memref_slice %arg3[%dma_wait3A_136, %dma_wait3A_137] : memref<250000x128xf32, #tpu.memory_space<hbm>> -> memref<250000x128xf32, #tpu.memory_space<hbm>>
      tpu.wait_indirect_dma semaphore(%arg13 : memref<!tpu.dma_semaphore, #tpu.memory_space<semaphore_mem>>) src(%dma_wait3A_138 : memref<250000x128xf32, #tpu.memory_space<hbm>>) dst(%arg7 : memref<128x128xf32, #tpu.memory_space<vmem>>)
      %dma_wait3A_139 = arith.constant 0 : i32
      %dma_wait3A_140 = tpu.memref_slice %arg6[%dma_wait3A_139] : memref<13312xi32, #tpu.memory_space<vmem>> -> memref<128xi32, #tpu.memory_space<vmem>>
      %dma_wait3A_141 = arith.constant 0 : i32
      %dma_wait3A_142 = arith.constant 0 : i32
      %dma_wait3A_143 = tpu.memref_slice %arg3[%dma_wait3A_141, %dma_wait3A_142] : memref<250000x128xf32, #tpu.memory_space<hbm>> -> memref<250000x128xf32, #tpu.memory_space<hbm>>
      tpu.wait_indirect_dma semaphore(%arg13 : memref<!tpu.dma_semaphore, #tpu.memory_space<semaphore_mem>>) src(%dma_wait3A_143 : memref<250000x128xf32, #tpu.memory_space<hbm>>) dst(%arg8 : memref<128x128xf32, #tpu.memory_space<vmem>>)
      %gt3A = arith.constant 0 : i32
      %gt3A_144 = arith.cmpi sgt, %scan3A_111, %gt3A : i32
      %convert_element_type3A = arith.extui %gt3A_144 : i1 to i32
      %cond3A = arith.constant 0 : i32
      %cond3A_145 = arith.cmpi ne, %convert_element_type3A, %cond3A : i32
      scf.if %cond3A_145 {
        %add3A_284 = arith.constant 0 : i32
        %add3A_285 = arith.addi %mul3A_4, %add3A_284 : i32
        %jit3A_286 = arith.constant 64 : i32
        %div3A_287 = arith.divsi %add3A_285, %jit3A_286 : i32
        %sign3A_288 = arith.constant 0 : i32
        %sign3A_289 = arith.cmpi sgt, %add3A_285, %sign3A_288 : i32
        %sign3A_290 = arith.extui %sign3A_289 : i1 to i32
        %sign3A_291 = arith.constant 0 : i32
        %sign3A_292 = arith.cmpi slt, %add3A_285, %sign3A_291 : i32
        %sign3A_293 = arith.extui %sign3A_292 : i1 to i32
        %sign3A_294 = arith.subi %sign3A_290, %sign3A_293 : i32
        %sign3A_295 = arith.constant 0 : i32
        %sign3A_296 = arith.cmpi sgt, %jit3A_286, %sign3A_295 : i32
        %sign3A_297 = arith.extui %sign3A_296 : i1 to i32
        %sign3A_298 = arith.constant 0 : i32
        %sign3A_299 = arith.cmpi slt, %jit3A_286, %sign3A_298 : i32
        %sign3A_300 = arith.extui %sign3A_299 : i1 to i32
        %sign3A_301 = arith.subi %sign3A_297, %sign3A_300 : i32
        %ne3A_302 = arith.cmpi ne, %sign3A_294, %sign3A_301 : i32
        %rem3A_303 = arith.remsi %add3A_285, %jit3A_286 : i32
        %ne3A_304 = arith.constant 0 : i32
        %ne3A_305 = arith.cmpi ne, %rem3A_303, %ne3A_304 : i32
        %and3A_306 = arith.andi %ne3A_302, %ne3A_305 : i1
        %sub3A_307 = arith.constant 1 : i32
        %sub3A_308 = arith.subi %div3A_287, %sub3A_307 : i32
        %select_n3A_309 = arith.select %and3A_306, %sub3A_308, %div3A_287 : i32
        %jit3A_310 = arith.constant 64 : i32
        %eq3A_311 = arith.constant 0 : i32
        %eq3A_312 = arith.cmpi eq, %jit3A_310, %eq3A_311 : i32
        %jit3A_313 = arith.constant 1 : i32
        %select_n3A_314 = arith.select %eq3A_312, %jit3A_313, %jit3A_310 : i32
        %rem3A_315 = arith.remsi %add3A_285, %select_n3A_314 : i32
        %ne3A_316 = arith.constant 0 : i32
        %ne3A_317 = arith.cmpi ne, %rem3A_315, %ne3A_316 : i32
        %lt3A_318 = arith.constant 0 : i32
        %lt3A_319 = arith.cmpi slt, %rem3A_315, %lt3A_318 : i32
        %lt3A_320 = arith.constant 0 : i32
        %lt3A_321 = arith.cmpi slt, %select_n3A_314, %lt3A_320 : i32
        %ne3A_322 = arith.xori %lt3A_319, %lt3A_321 : i1
        %and3A_323 = arith.andi %ne3A_322, %ne3A_317 : i1
        %add3A_324 = arith.addi %rem3A_315, %select_n3A_314 : i32
        %select_n3A_325 = arith.select %and3A_323, %add3A_324, %rem3A_315 : i32
        %mul3A_326 = arith.constant 256 : i32
        %mul3A_327 = arith.muli %select_n3A_325, %mul3A_326 : i32
        %dma_wait3A_328 = arith.constant 0 : i32
        %dma_wait3A_329 = tpu.memref_slice %arg4[%select_n3A_309, %dma_wait3A_328, %mul3A_327] : memref<26x32x16384xf32, #tpu.memory_space<hbm>> -> memref<1x32x256xf32, #tpu.memory_space<hbm>>
        %dma_wait3A_330 = arith.constant 0 : i32
        %dma_wait3A_331 = tpu.memref_slice %arg4[%select_n3A_309, %dma_wait3A_330, %mul3A_327] : memref<26x32x16384xf32, #tpu.memory_space<hbm>> -> memref<1x32x256xf32, #tpu.memory_space<hbm>>
        tpu.wait_dma2 semaphore(%arg15 : memref<!tpu.dma_semaphore, #tpu.memory_space<semaphore_mem>>) src(%arg11 : memref<1x32x256xf32, #tpu.memory_space<vmem>>) dst(%dma_wait3A_331 : memref<1x32x256xf32, #tpu.memory_space<hbm>>)
      } else {
      }
      %scan3A_146 = arith.constant 0 : i32
      %scan3A_147 = arith.constant 0 : i32
      %scan3A_148 = arith.constant 8 : i32
      %scan3A_149 = arith.addi %scan3A_147, %scan3A_148 : i32
      %scan3A_150 = arith.constant 1 : i32
      scf.for %scan3A_284 = %scan3A_147 to %scan3A_149 step %scan3A_150  : i32 {
        %mul3A_285 = arith.constant 16 : i32
        %mul3A_286 = arith.muli %scan3A_284, %mul3A_285 : i32
        %multiple_of3A_287 = tpu.assume_multiple %mul3A_286, 16 : i32
        %mul3A_288 = arith.constant 256 : i32
        %mul3A_289 = arith.muli %mul3A_113, %mul3A_288 : i32
        %add3A_290 = arith.constant 0 : i32
        %add3A_291 = arith.addi %mul3A_289, %add3A_290 : i32
        %add3A_292 = arith.addi %add3A_291, %multiple_of3A_287 : i32
        %get3A = arith.index_cast %add3A_292 : i32 to index
        %get3A_293 = tpu.vector_load %arg5[%get3A] {strides = array<i32>} : memref<13312xi32, #tpu.memory_space<vmem>>, vector<16xi32>,
        %and3A_294 = arith.constant 3 : i32
        %and3A_295 = vector.broadcast %and3A_294 : i32 to vector<16xi32>
        %and3A_296 = arith.andi %get3A_293, %and3A_295 : vector<16xi32>
        %shift_left3A = arith.constant 5 : i32
        %shift_left3A_297 = vector.broadcast %shift_left3A : i32 to vector<16xi32>
        %shift_left3A_298 = arith.shli %and3A_296, %shift_left3A_297 : vector<16xi32>
        %add3A_299 = vector.broadcast %multiple_of3A_287 : i32 to vector<16xi32>
        %add3A_300 = arith.addi %add3A_299, %iota3A : vector<16xi32>
        %add3A_301 = arith.constant 0 : i32
        %add3A_302 = vector.broadcast %add3A_301 : i32 to vector<16xi32>
        %add3A_303 = arith.addi %shift_left3A_298, %add3A_302 : vector<16xi32>
        %gather3A = tpu.vector_load_idx %arg7[%add3A_300, %add3A_303] : memref<128x128xf32, #tpu.memory_space<vmem>>[vector<16xi32>, vector<16xi32>], vector<16xf32>,
        %add3A_304 = arith.constant 1 : i32
        %add3A_305 = vector.broadcast %add3A_304 : i32 to vector<16xi32>
        %add3A_306 = arith.addi %shift_left3A_298, %add3A_305 : vector<16xi32>
        %gather3A_307 = tpu.vector_load_idx %arg7[%add3A_300, %add3A_306] : memref<128x128xf32, #tpu.memory_space<vmem>>[vector<16xi32>, vector<16xi32>], vector<16xf32>,
        %add3A_308 = arith.constant 2 : i32
        %add3A_309 = vector.broadcast %add3A_308 : i32 to vector<16xi32>
        %add3A_310 = arith.addi %shift_left3A_298, %add3A_309 : vector<16xi32>
        %gather3A_311 = tpu.vector_load_idx %arg7[%add3A_300, %add3A_310] : memref<128x128xf32, #tpu.memory_space<vmem>>[vector<16xi32>, vector<16xi32>], vector<16xf32>,
        %add3A_312 = arith.constant 3 : i32
        %add3A_313 = vector.broadcast %add3A_312 : i32 to vector<16xi32>
        %add3A_314 = arith.addi %shift_left3A_298, %add3A_313 : vector<16xi32>
        %gather3A_315 = tpu.vector_load_idx %arg7[%add3A_300, %add3A_314] : memref<128x128xf32, #tpu.memory_space<vmem>>[vector<16xi32>, vector<16xi32>], vector<16xf32>,
        %add3A_316 = arith.constant 4 : i32
        %add3A_317 = vector.broadcast %add3A_316 : i32 to vector<16xi32>
        %add3A_318 = arith.addi %shift_left3A_298, %add3A_317 : vector<16xi32>
        %gather3A_319 = tpu.vector_load_idx %arg7[%add3A_300, %add3A_318] : memref<128x128xf32, #tpu.memory_space<vmem>>[vector<16xi32>, vector<16xi32>], vector<16xf32>,
        %add3A_320 = arith.constant 5 : i32
        %add3A_321 = vector.broadcast %add3A_320 : i32 to vector<16xi32>
        %add3A_322 = arith.addi %shift_left3A_298, %add3A_321 : vector<16xi32>
        %gather3A_323 = tpu.vector_load_idx %arg7[%add3A_300, %add3A_322] : memref<128x128xf32, #tpu.memory_space<vmem>>[vector<16xi32>, vector<16xi32>], vector<16xf32>,
        %add3A_324 = arith.constant 6 : i32
        %add3A_325 = vector.broadcast %add3A_324 : i32 to vector<16xi32>
        %add3A_326 = arith.addi %shift_left3A_298, %add3A_325 : vector<16xi32>
        %gather3A_327 = tpu.vector_load_idx %arg7[%add3A_300, %add3A_326] : memref<128x128xf32, #tpu.memory_space<vmem>>[vector<16xi32>, vector<16xi32>], vector<16xf32>,
        %add3A_328 = arith.constant 7 : i32
        %add3A_329 = vector.broadcast %add3A_328 : i32 to vector<16xi32>
        %add3A_330 = arith.addi %shift_left3A_298, %add3A_329 : vector<16xi32>
        %gather3A_331 = tpu.vector_load_idx %arg7[%add3A_300, %add3A_330] : memref<128x128xf32, #tpu.memory_space<vmem>>[vector<16xi32>, vector<16xi32>], vector<16xf32>,
        %add3A_332 = arith.constant 8 : i32
        %add3A_333 = vector.broadcast %add3A_332 : i32 to vector<16xi32>
        %add3A_334 = arith.addi %shift_left3A_298, %add3A_333 : vector<16xi32>
        %gather3A_335 = tpu.vector_load_idx %arg7[%add3A_300, %add3A_334] : memref<128x128xf32, #tpu.memory_space<vmem>>[vector<16xi32>, vector<16xi32>], vector<16xf32>,
        %add3A_336 = arith.constant 9 : i32
        %add3A_337 = vector.broadcast %add3A_336 : i32 to vector<16xi32>
        %add3A_338 = arith.addi %shift_left3A_298, %add3A_337 : vector<16xi32>
        %gather3A_339 = tpu.vector_load_idx %arg7[%add3A_300, %add3A_338] : memref<128x128xf32, #tpu.memory_space<vmem>>[vector<16xi32>, vector<16xi32>], vector<16xf32>,
        %add3A_340 = arith.constant 10 : i32
        %add3A_341 = vector.broadcast %add3A_340 : i32 to vector<16xi32>
        %add3A_342 = arith.addi %shift_left3A_298, %add3A_341 : vector<16xi32>
        %gather3A_343 = tpu.vector_load_idx %arg7[%add3A_300, %add3A_342] : memref<128x128xf32, #tpu.memory_space<vmem>>[vector<16xi32>, vector<16xi32>], vector<16xf32>,
        %add3A_344 = arith.constant 11 : i32
        %add3A_345 = vector.broadcast %add3A_344 : i32 to vector<16xi32>
        %add3A_346 = arith.addi %shift_left3A_298, %add3A_345 : vector<16xi32>
        %gather3A_347 = tpu.vector_load_idx %arg7[%add3A_300, %add3A_346] : memref<128x128xf32, #tpu.memory_space<vmem>>[vector<16xi32>, vector<16xi32>], vector<16xf32>,
        %add3A_348 = arith.constant 12 : i32
        %add3A_349 = vector.broadcast %add3A_348 : i32 to vector<16xi32>
        %add3A_350 = arith.addi %shift_left3A_298, %add3A_349 : vector<16xi32>
        %gather3A_351 = tpu.vector_load_idx %arg7[%add3A_300, %add3A_350] : memref<128x128xf32, #tpu.memory_space<vmem>>[vector<16xi32>, vector<16xi32>], vector<16xf32>,
        %add3A_352 = arith.constant 13 : i32
        %add3A_353 = vector.broadcast %add3A_352 : i32 to vector<16xi32>
        %add3A_354 = arith.addi %shift_left3A_298, %add3A_353 : vector<16xi32>
        %gather3A_355 = tpu.vector_load_idx %arg7[%add3A_300, %add3A_354] : memref<128x128xf32, #tpu.memory_space<vmem>>[vector<16xi32>, vector<16xi32>], vector<16xf32>,
        %add3A_356 = arith.constant 14 : i32
        %add3A_357 = vector.broadcast %add3A_356 : i32 to vector<16xi32>
        %add3A_358 = arith.addi %shift_left3A_298, %add3A_357 : vector<16xi32>
        %gather3A_359 = tpu.vector_load_idx %arg7[%add3A_300, %add3A_358] : memref<128x128xf32, #tpu.memory_space<vmem>>[vector<16xi32>, vector<16xi32>], vector<16xf32>,
        %add3A_360 = arith.constant 15 : i32
        %add3A_361 = vector.broadcast %add3A_360 : i32 to vector<16xi32>
        %add3A_362 = arith.addi %shift_left3A_298, %add3A_361 : vector<16xi32>
        %gather3A_363 = tpu.vector_load_idx %arg7[%add3A_300, %add3A_362] : memref<128x128xf32, #tpu.memory_space<vmem>>[vector<16xi32>, vector<16xi32>], vector<16xf32>,
        %add3A_364 = arith.constant 16 : i32
        %add3A_365 = vector.broadcast %add3A_364 : i32 to vector<16xi32>
        %add3A_366 = arith.addi %shift_left3A_298, %add3A_365 : vector<16xi32>
        %gather3A_367 = tpu.vector_load_idx %arg7[%add3A_300, %add3A_366] : memref<128x128xf32, #tpu.memory_space<vmem>>[vector<16xi32>, vector<16xi32>], vector<16xf32>,
        %add3A_368 = arith.constant 17 : i32
        %add3A_369 = vector.broadcast %add3A_368 : i32 to vector<16xi32>
        %add3A_370 = arith.addi %shift_left3A_298, %add3A_369 : vector<16xi32>
        %gather3A_371 = tpu.vector_load_idx %arg7[%add3A_300, %add3A_370] : memref<128x128xf32, #tpu.memory_space<vmem>>[vector<16xi32>, vector<16xi32>], vector<16xf32>,
        %add3A_372 = arith.constant 18 : i32
        %add3A_373 = vector.broadcast %add3A_372 : i32 to vector<16xi32>
        %add3A_374 = arith.addi %shift_left3A_298, %add3A_373 : vector<16xi32>
        %gather3A_375 = tpu.vector_load_idx %arg7[%add3A_300, %add3A_374] : memref<128x128xf32, #tpu.memory_space<vmem>>[vector<16xi32>, vector<16xi32>], vector<16xf32>,
        %add3A_376 = arith.constant 19 : i32
        %add3A_377 = vector.broadcast %add3A_376 : i32 to vector<16xi32>
        %add3A_378 = arith.addi %shift_left3A_298, %add3A_377 : vector<16xi32>
        %gather3A_379 = tpu.vector_load_idx %arg7[%add3A_300, %add3A_378] : memref<128x128xf32, #tpu.memory_space<vmem>>[vector<16xi32>, vector<16xi32>], vector<16xf32>,
        %add3A_380 = arith.constant 20 : i32
        %add3A_381 = vector.broadcast %add3A_380 : i32 to vector<16xi32>
        %add3A_382 = arith.addi %shift_left3A_298, %add3A_381 : vector<16xi32>
        %gather3A_383 = tpu.vector_load_idx %arg7[%add3A_300, %add3A_382] : memref<128x128xf32, #tpu.memory_space<vmem>>[vector<16xi32>, vector<16xi32>], vector<16xf32>,
        %add3A_384 = arith.constant 21 : i32
        %add3A_385 = vector.broadcast %add3A_384 : i32 to vector<16xi32>
        %add3A_386 = arith.addi %shift_left3A_298, %add3A_385 : vector<16xi32>
        %gather3A_387 = tpu.vector_load_idx %arg7[%add3A_300, %add3A_386] : memref<128x128xf32, #tpu.memory_space<vmem>>[vector<16xi32>, vector<16xi32>], vector<16xf32>,
        %add3A_388 = arith.constant 22 : i32
        %add3A_389 = vector.broadcast %add3A_388 : i32 to vector<16xi32>
        %add3A_390 = arith.addi %shift_left3A_298, %add3A_389 : vector<16xi32>
        %gather3A_391 = tpu.vector_load_idx %arg7[%add3A_300, %add3A_390] : memref<128x128xf32, #tpu.memory_space<vmem>>[vector<16xi32>, vector<16xi32>], vector<16xf32>,
        %add3A_392 = arith.constant 23 : i32
        %add3A_393 = vector.broadcast %add3A_392 : i32 to vector<16xi32>
        %add3A_394 = arith.addi %shift_left3A_298, %add3A_393 : vector<16xi32>
        %gather3A_395 = tpu.vector_load_idx %arg7[%add3A_300, %add3A_394] : memref<128x128xf32, #tpu.memory_space<vmem>>[vector<16xi32>, vector<16xi32>], vector<16xf32>,
        %add3A_396 = arith.constant 24 : i32
        %add3A_397 = vector.broadcast %add3A_396 : i32 to vector<16xi32>
        %add3A_398 = arith.addi %shift_left3A_298, %add3A_397 : vector<16xi32>
        %gather3A_399 = tpu.vector_load_idx %arg7[%add3A_300, %add3A_398] : memref<128x128xf32, #tpu.memory_space<vmem>>[vector<16xi32>, vector<16xi32>], vector<16xf32>,
        %add3A_400 = arith.constant 25 : i32
        %add3A_401 = vector.broadcast %add3A_400 : i32 to vector<16xi32>
        %add3A_402 = arith.addi %shift_left3A_298, %add3A_401 : vector<16xi32>
        %gather3A_403 = tpu.vector_load_idx %arg7[%add3A_300, %add3A_402] : memref<128x128xf32, #tpu.memory_space<vmem>>[vector<16xi32>, vector<16xi32>], vector<16xf32>,
        %add3A_404 = arith.constant 26 : i32
        %add3A_405 = vector.broadcast %add3A_404 : i32 to vector<16xi32>
        %add3A_406 = arith.addi %shift_left3A_298, %add3A_405 : vector<16xi32>
        %gather3A_407 = tpu.vector_load_idx %arg7[%add3A_300, %add3A_406] : memref<128x128xf32, #tpu.memory_space<vmem>>[vector<16xi32>, vector<16xi32>], vector<16xf32>,
        %add3A_408 = arith.constant 27 : i32
        %add3A_409 = vector.broadcast %add3A_408 : i32 to vector<16xi32>
        %add3A_410 = arith.addi %shift_left3A_298, %add3A_409 : vector<16xi32>
        %gather3A_411 = tpu.vector_load_idx %arg7[%add3A_300, %add3A_410] : memref<128x128xf32, #tpu.memory_space<vmem>>[vector<16xi32>, vector<16xi32>], vector<16xf32>,
        %add3A_412 = arith.constant 28 : i32
        %add3A_413 = vector.broadcast %add3A_412 : i32 to vector<16xi32>
        %add3A_414 = arith.addi %shift_left3A_298, %add3A_413 : vector<16xi32>
        %gather3A_415 = tpu.vector_load_idx %arg7[%add3A_300, %add3A_414] : memref<128x128xf32, #tpu.memory_space<vmem>>[vector<16xi32>, vector<16xi32>], vector<16xf32>,
        %add3A_416 = arith.constant 29 : i32
        %add3A_417 = vector.broadcast %add3A_416 : i32 to vector<16xi32>
        %add3A_418 = arith.addi %shift_left3A_298, %add3A_417 : vector<16xi32>
        %gather3A_419 = tpu.vector_load_idx %arg7[%add3A_300, %add3A_418] : memref<128x128xf32, #tpu.memory_space<vmem>>[vector<16xi32>, vector<16xi32>], vector<16xf32>,
        %add3A_420 = arith.constant 30 : i32
        %add3A_421 = vector.broadcast %add3A_420 : i32 to vector<16xi32>
        %add3A_422 = arith.addi %shift_left3A_298, %add3A_421 : vector<16xi32>
        %gather3A_423 = tpu.vector_load_idx %arg7[%add3A_300, %add3A_422] : memref<128x128xf32, #tpu.memory_space<vmem>>[vector<16xi32>, vector<16xi32>], vector<16xf32>,
        %add3A_424 = arith.constant 31 : i32
        %add3A_425 = vector.broadcast %add3A_424 : i32 to vector<16xi32>
        %add3A_426 = arith.addi %shift_left3A_298, %add3A_425 : vector<16xi32>
        %gather3A_427 = tpu.vector_load_idx %arg7[%add3A_300, %add3A_426] : memref<128x128xf32, #tpu.memory_space<vmem>>[vector<16xi32>, vector<16xi32>], vector<16xf32>,
        %add3A_428 = arith.constant 0 : i32
        %add3A_429 = arith.addi %add3A_428, %multiple_of3A_287 : i32
        %swap3A = arith.constant 0 : i32
        %swap3A_430 = arith.constant 0 : i32
        %swap3A_431 = arith.index_cast %swap3A : i32 to index
        %swap3A_432 = arith.index_cast %swap3A_430 : i32 to index
        %swap3A_433 = arith.index_cast %add3A_429 : i32 to index
        %swap3A_434 = tpu.vector_load %arg11[%swap3A_431, %swap3A_432, %swap3A_433] {strides = array<i32>} : memref<1x32x256xf32, #tpu.memory_space<vmem>>, vector<16xf32>,
        tpu.vector_store %arg11[%swap3A_431, %swap3A_432, %swap3A_433], %gather3A {strides = array<i32>} : memref<1x32x256xf32, #tpu.memory_space<vmem>>, vector<16xf32>,
        %add3A_435 = arith.constant 0 : i32
        %add3A_436 = arith.addi %add3A_435, %multiple_of3A_287 : i32
        %swap3A_437 = arith.constant 0 : i32
        %swap3A_438 = arith.constant 1 : i32
        %swap3A_439 = arith.index_cast %swap3A_437 : i32 to index
        %swap3A_440 = arith.index_cast %swap3A_438 : i32 to index
        %swap3A_441 = arith.index_cast %add3A_436 : i32 to index
        %swap3A_442 = tpu.vector_load %arg11[%swap3A_439, %swap3A_440, %swap3A_441] {strides = array<i32>} : memref<1x32x256xf32, #tpu.memory_space<vmem>>, vector<16xf32>,
        tpu.vector_store %arg11[%swap3A_439, %swap3A_440, %swap3A_441], %gather3A_307 {strides = array<i32>} : memref<1x32x256xf32, #tpu.memory_space<vmem>>, vector<16xf32>,
        %add3A_443 = arith.constant 0 : i32
        %add3A_444 = arith.addi %add3A_443, %multiple_of3A_287 : i32
        %swap3A_445 = arith.constant 0 : i32
        %swap3A_446 = arith.constant 2 : i32
        %swap3A_447 = arith.index_cast %swap3A_445 : i32 to index
        %swap3A_448 = arith.index_cast %swap3A_446 : i32 to index
        %swap3A_449 = arith.index_cast %add3A_444 : i32 to index
        %swap3A_450 = tpu.vector_load %arg11[%swap3A_447, %swap3A_448, %swap3A_449] {strides = array<i32>} : memref<1x32x256xf32, #tpu.memory_space<vmem>>, vector<16xf32>,
        tpu.vector_store %arg11[%swap3A_447, %swap3A_448, %swap3A_449], %gather3A_311 {strides = array<i32>} : memref<1x32x256xf32, #tpu.memory_space<vmem>>, vector<16xf32>,
        %add3A_451 = arith.constant 0 : i32
        %add3A_452 = arith.addi %add3A_451, %multiple_of3A_287 : i32
        %swap3A_453 = arith.constant 0 : i32
        %swap3A_454 = arith.constant 3 : i32
        %swap3A_455 = arith.index_cast %swap3A_453 : i32 to index
        %swap3A_456 = arith.index_cast %swap3A_454 : i32 to index
        %swap3A_457 = arith.index_cast %add3A_452 : i32 to index
        %swap3A_458 = tpu.vector_load %arg11[%swap3A_455, %swap3A_456, %swap3A_457] {strides = array<i32>} : memref<1x32x256xf32, #tpu.memory_space<vmem>>, vector<16xf32>,
        tpu.vector_store %arg11[%swap3A_455, %swap3A_456, %swap3A_457], %gather3A_315 {strides = array<i32>} : memref<1x32x256xf32, #tpu.memory_space<vmem>>, vector<16xf32>,
        %add3A_459 = arith.constant 0 : i32
        %add3A_460 = arith.addi %add3A_459, %multiple_of3A_287 : i32
        %swap3A_461 = arith.constant 0 : i32
        %swap3A_462 = arith.constant 4 : i32
        %swap3A_463 = arith.index_cast %swap3A_461 : i32 to index
        %swap3A_464 = arith.index_cast %swap3A_462 : i32 to index
        %swap3A_465 = arith.index_cast %add3A_460 : i32 to index
        %swap3A_466 = tpu.vector_load %arg11[%swap3A_463, %swap3A_464, %swap3A_465] {strides = array<i32>} : memref<1x32x256xf32, #tpu.memory_space<vmem>>, vector<16xf32>,
        tpu.vector_store %arg11[%swap3A_463, %swap3A_464, %swap3A_465], %gather3A_319 {strides = array<i32>} : memref<1x32x256xf32, #tpu.memory_space<vmem>>, vector<16xf32>,
        %add3A_467 = arith.constant 0 : i32
        %add3A_468 = arith.addi %add3A_467, %multiple_of3A_287 : i32
        %swap3A_469 = arith.constant 0 : i32
        %swap3A_470 = arith.constant 5 : i32
        %swap3A_471 = arith.index_cast %swap3A_469 : i32 to index
        %swap3A_472 = arith.index_cast %swap3A_470 : i32 to index
        %swap3A_473 = arith.index_cast %add3A_468 : i32 to index
        %swap3A_474 = tpu.vector_load %arg11[%swap3A_471, %swap3A_472, %swap3A_473] {strides = array<i32>} : memref<1x32x256xf32, #tpu.memory_space<vmem>>, vector<16xf32>,
        tpu.vector_store %arg11[%swap3A_471, %swap3A_472, %swap3A_473], %gather3A_323 {strides = array<i32>} : memref<1x32x256xf32, #tpu.memory_space<vmem>>, vector<16xf32>,
        %add3A_475 = arith.constant 0 : i32
        %add3A_476 = arith.addi %add3A_475, %multiple_of3A_287 : i32
        %swap3A_477 = arith.constant 0 : i32
        %swap3A_478 = arith.constant 6 : i32
        %swap3A_479 = arith.index_cast %swap3A_477 : i32 to index
        %swap3A_480 = arith.index_cast %swap3A_478 : i32 to index
        %swap3A_481 = arith.index_cast %add3A_476 : i32 to index
        %swap3A_482 = tpu.vector_load %arg11[%swap3A_479, %swap3A_480, %swap3A_481] {strides = array<i32>} : memref<1x32x256xf32, #tpu.memory_space<vmem>>, vector<16xf32>,
        tpu.vector_store %arg11[%swap3A_479, %swap3A_480, %swap3A_481], %gather3A_327 {strides = array<i32>} : memref<1x32x256xf32, #tpu.memory_space<vmem>>, vector<16xf32>,
        %add3A_483 = arith.constant 0 : i32
        %add3A_484 = arith.addi %add3A_483, %multiple_of3A_287 : i32
        %swap3A_485 = arith.constant 0 : i32
        %swap3A_486 = arith.constant 7 : i32
        %swap3A_487 = arith.index_cast %swap3A_485 : i32 to index
        %swap3A_488 = arith.index_cast %swap3A_486 : i32 to index
        %swap3A_489 = arith.index_cast %add3A_484 : i32 to index
        %swap3A_490 = tpu.vector_load %arg11[%swap3A_487, %swap3A_488, %swap3A_489] {strides = array<i32>} : memref<1x32x256xf32, #tpu.memory_space<vmem>>, vector<16xf32>,
        tpu.vector_store %arg11[%swap3A_487, %swap3A_488, %swap3A_489], %gather3A_331 {strides = array<i32>} : memref<1x32x256xf32, #tpu.memory_space<vmem>>, vector<16xf32>,
        %add3A_491 = arith.constant 0 : i32
        %add3A_492 = arith.addi %add3A_491, %multiple_of3A_287 : i32
        %swap3A_493 = arith.constant 0 : i32
        %swap3A_494 = arith.constant 8 : i32
        %swap3A_495 = arith.index_cast %swap3A_493 : i32 to index
        %swap3A_496 = arith.index_cast %swap3A_494 : i32 to index
        %swap3A_497 = arith.index_cast %add3A_492 : i32 to index
        %swap3A_498 = tpu.vector_load %arg11[%swap3A_495, %swap3A_496, %swap3A_497] {strides = array<i32>} : memref<1x32x256xf32, #tpu.memory_space<vmem>>, vector<16xf32>,
        tpu.vector_store %arg11[%swap3A_495, %swap3A_496, %swap3A_497], %gather3A_335 {strides = array<i32>} : memref<1x32x256xf32, #tpu.memory_space<vmem>>, vector<16xf32>,
        %add3A_499 = arith.constant 0 : i32
        %add3A_500 = arith.addi %add3A_499, %multiple_of3A_287 : i32
        %swap3A_501 = arith.constant 0 : i32
        %swap3A_502 = arith.constant 9 : i32
        %swap3A_503 = arith.index_cast %swap3A_501 : i32 to index
        %swap3A_504 = arith.index_cast %swap3A_502 : i32 to index
        %swap3A_505 = arith.index_cast %add3A_500 : i32 to index
        %swap3A_506 = tpu.vector_load %arg11[%swap3A_503, %swap3A_504, %swap3A_505] {strides = array<i32>} : memref<1x32x256xf32, #tpu.memory_space<vmem>>, vector<16xf32>,
        tpu.vector_store %arg11[%swap3A_503, %swap3A_504, %swap3A_505], %gather3A_339 {strides = array<i32>} : memref<1x32x256xf32, #tpu.memory_space<vmem>>, vector<16xf32>,
        %add3A_507 = arith.constant 0 : i32
        %add3A_508 = arith.addi %add3A_507, %multiple_of3A_287 : i32
        %swap3A_509 = arith.constant 0 : i32
        %swap3A_510 = arith.constant 10 : i32
        %swap3A_511 = arith.index_cast %swap3A_509 : i32 to index
        %swap3A_512 = arith.index_cast %swap3A_510 : i32 to index
        %swap3A_513 = arith.index_cast %add3A_508 : i32 to index
        %swap3A_514 = tpu.vector_load %arg11[%swap3A_511, %swap3A_512, %swap3A_513] {strides = array<i32>} : memref<1x32x256xf32, #tpu.memory_space<vmem>>, vector<16xf32>,
        tpu.vector_store %arg11[%swap3A_511, %swap3A_512, %swap3A_513], %gather3A_343 {strides = array<i32>} : memref<1x32x256xf32, #tpu.memory_space<vmem>>, vector<16xf32>,
        %add3A_515 = arith.constant 0 : i32
        %add3A_516 = arith.addi %add3A_515, %multiple_of3A_287 : i32
        %swap3A_517 = arith.constant 0 : i32
        %swap3A_518 = arith.constant 11 : i32
        %swap3A_519 = arith.index_cast %swap3A_517 : i32 to index
        %swap3A_520 = arith.index_cast %swap3A_518 : i32 to index
        %swap3A_521 = arith.index_cast %add3A_516 : i32 to index
        %swap3A_522 = tpu.vector_load %arg11[%swap3A_519, %swap3A_520, %swap3A_521] {strides = array<i32>} : memref<1x32x256xf32, #tpu.memory_space<vmem>>, vector<16xf32>,
        tpu.vector_store %arg11[%swap3A_519, %swap3A_520, %swap3A_521], %gather3A_347 {strides = array<i32>} : memref<1x32x256xf32, #tpu.memory_space<vmem>>, vector<16xf32>,
        %add3A_523 = arith.constant 0 : i32
        %add3A_524 = arith.addi %add3A_523, %multiple_of3A_287 : i32
        %swap3A_525 = arith.constant 0 : i32
        %swap3A_526 = arith.constant 12 : i32
        %swap3A_527 = arith.index_cast %swap3A_525 : i32 to index
        %swap3A_528 = arith.index_cast %swap3A_526 : i32 to index
        %swap3A_529 = arith.index_cast %add3A_524 : i32 to index
        %swap3A_530 = tpu.vector_load %arg11[%swap3A_527, %swap3A_528, %swap3A_529] {strides = array<i32>} : memref<1x32x256xf32, #tpu.memory_space<vmem>>, vector<16xf32>,
        tpu.vector_store %arg11[%swap3A_527, %swap3A_528, %swap3A_529], %gather3A_351 {strides = array<i32>} : memref<1x32x256xf32, #tpu.memory_space<vmem>>, vector<16xf32>,
        %add3A_531 = arith.constant 0 : i32
        %add3A_532 = arith.addi %add3A_531, %multiple_of3A_287 : i32
        %swap3A_533 = arith.constant 0 : i32
        %swap3A_534 = arith.constant 13 : i32
        %swap3A_535 = arith.index_cast %swap3A_533 : i32 to index
        %swap3A_536 = arith.index_cast %swap3A_534 : i32 to index
        %swap3A_537 = arith.index_cast %add3A_532 : i32 to index
        %swap3A_538 = tpu.vector_load %arg11[%swap3A_535, %swap3A_536, %swap3A_537] {strides = array<i32>} : memref<1x32x256xf32, #tpu.memory_space<vmem>>, vector<16xf32>,
        tpu.vector_store %arg11[%swap3A_535, %swap3A_536, %swap3A_537], %gather3A_355 {strides = array<i32>} : memref<1x32x256xf32, #tpu.memory_space<vmem>>, vector<16xf32>,
        %add3A_539 = arith.constant 0 : i32
        %add3A_540 = arith.addi %add3A_539, %multiple_of3A_287 : i32
        %swap3A_541 = arith.constant 0 : i32
        %swap3A_542 = arith.constant 14 : i32
        %swap3A_543 = arith.index_cast %swap3A_541 : i32 to index
        %swap3A_544 = arith.index_cast %swap3A_542 : i32 to index
        %swap3A_545 = arith.index_cast %add3A_540 : i32 to index
        %swap3A_546 = tpu.vector_load %arg11[%swap3A_543, %swap3A_544, %swap3A_545] {strides = array<i32>} : memref<1x32x256xf32, #tpu.memory_space<vmem>>, vector<16xf32>,
        tpu.vector_store %arg11[%swap3A_543, %swap3A_544, %swap3A_545], %gather3A_359 {strides = array<i32>} : memref<1x32x256xf32, #tpu.memory_space<vmem>>, vector<16xf32>,
        %add3A_547 = arith.constant 0 : i32
        %add3A_548 = arith.addi %add3A_547, %multiple_of3A_287 : i32
        %swap3A_549 = arith.constant 0 : i32
        %swap3A_550 = arith.constant 15 : i32
        %swap3A_551 = arith.index_cast %swap3A_549 : i32 to index
        %swap3A_552 = arith.index_cast %swap3A_550 : i32 to index
        %swap3A_553 = arith.index_cast %add3A_548 : i32 to index
        %swap3A_554 = tpu.vector_load %arg11[%swap3A_551, %swap3A_552, %swap3A_553] {strides = array<i32>} : memref<1x32x256xf32, #tpu.memory_space<vmem>>, vector<16xf32>,
        tpu.vector_store %arg11[%swap3A_551, %swap3A_552, %swap3A_553], %gather3A_363 {strides = array<i32>} : memref<1x32x256xf32, #tpu.memory_space<vmem>>, vector<16xf32>,
        %add3A_555 = arith.constant 0 : i32
        %add3A_556 = arith.addi %add3A_555, %multiple_of3A_287 : i32
        %swap3A_557 = arith.constant 0 : i32
        %swap3A_558 = arith.constant 16 : i32
        %swap3A_559 = arith.index_cast %swap3A_557 : i32 to index
        %swap3A_560 = arith.index_cast %swap3A_558 : i32 to index
        %swap3A_561 = arith.index_cast %add3A_556 : i32 to index
        %swap3A_562 = tpu.vector_load %arg11[%swap3A_559, %swap3A_560, %swap3A_561] {strides = array<i32>} : memref<1x32x256xf32, #tpu.memory_space<vmem>>, vector<16xf32>,
        tpu.vector_store %arg11[%swap3A_559, %swap3A_560, %swap3A_561], %gather3A_367 {strides = array<i32>} : memref<1x32x256xf32, #tpu.memory_space<vmem>>, vector<16xf32>,
        %add3A_563 = arith.constant 0 : i32
        %add3A_564 = arith.addi %add3A_563, %multiple_of3A_287 : i32
        %swap3A_565 = arith.constant 0 : i32
        %swap3A_566 = arith.constant 17 : i32
        %swap3A_567 = arith.index_cast %swap3A_565 : i32 to index
        %swap3A_568 = arith.index_cast %swap3A_566 : i32 to index
        %swap3A_569 = arith.index_cast %add3A_564 : i32 to index
        %swap3A_570 = tpu.vector_load %arg11[%swap3A_567, %swap3A_568, %swap3A_569] {strides = array<i32>} : memref<1x32x256xf32, #tpu.memory_space<vmem>>, vector<16xf32>,
        tpu.vector_store %arg11[%swap3A_567, %swap3A_568, %swap3A_569], %gather3A_371 {strides = array<i32>} : memref<1x32x256xf32, #tpu.memory_space<vmem>>, vector<16xf32>,
        %add3A_571 = arith.constant 0 : i32
        %add3A_572 = arith.addi %add3A_571, %multiple_of3A_287 : i32
        %swap3A_573 = arith.constant 0 : i32
        %swap3A_574 = arith.constant 18 : i32
        %swap3A_575 = arith.index_cast %swap3A_573 : i32 to index
        %swap3A_576 = arith.index_cast %swap3A_574 : i32 to index
        %swap3A_577 = arith.index_cast %add3A_572 : i32 to index
        %swap3A_578 = tpu.vector_load %arg11[%swap3A_575, %swap3A_576, %swap3A_577] {strides = array<i32>} : memref<1x32x256xf32, #tpu.memory_space<vmem>>, vector<16xf32>,
        tpu.vector_store %arg11[%swap3A_575, %swap3A_576, %swap3A_577], %gather3A_375 {strides = array<i32>} : memref<1x32x256xf32, #tpu.memory_space<vmem>>, vector<16xf32>,
        %add3A_579 = arith.constant 0 : i32
        %add3A_580 = arith.addi %add3A_579, %multiple_of3A_287 : i32
        %swap3A_581 = arith.constant 0 : i32
        %swap3A_582 = arith.constant 19 : i32
        %swap3A_583 = arith.index_cast %swap3A_581 : i32 to index
        %swap3A_584 = arith.index_cast %swap3A_582 : i32 to index
        %swap3A_585 = arith.index_cast %add3A_580 : i32 to index
        %swap3A_586 = tpu.vector_load %arg11[%swap3A_583, %swap3A_584, %swap3A_585] {strides = array<i32>} : memref<1x32x256xf32, #tpu.memory_space<vmem>>, vector<16xf32>,
        tpu.vector_store %arg11[%swap3A_583, %swap3A_584, %swap3A_585], %gather3A_379 {strides = array<i32>} : memref<1x32x256xf32, #tpu.memory_space<vmem>>, vector<16xf32>,
        %add3A_587 = arith.constant 0 : i32
        %add3A_588 = arith.addi %add3A_587, %multiple_of3A_287 : i32
        %swap3A_589 = arith.constant 0 : i32
        %swap3A_590 = arith.constant 20 : i32
        %swap3A_591 = arith.index_cast %swap3A_589 : i32 to index
        %swap3A_592 = arith.index_cast %swap3A_590 : i32 to index
        %swap3A_593 = arith.index_cast %add3A_588 : i32 to index
        %swap3A_594 = tpu.vector_load %arg11[%swap3A_591, %swap3A_592, %swap3A_593] {strides = array<i32>} : memref<1x32x256xf32, #tpu.memory_space<vmem>>, vector<16xf32>,
        tpu.vector_store %arg11[%swap3A_591, %swap3A_592, %swap3A_593], %gather3A_383 {strides = array<i32>} : memref<1x32x256xf32, #tpu.memory_space<vmem>>, vector<16xf32>,
        %add3A_595 = arith.constant 0 : i32
        %add3A_596 = arith.addi %add3A_595, %multiple_of3A_287 : i32
        %swap3A_597 = arith.constant 0 : i32
        %swap3A_598 = arith.constant 21 : i32
        %swap3A_599 = arith.index_cast %swap3A_597 : i32 to index
        %swap3A_600 = arith.index_cast %swap3A_598 : i32 to index
        %swap3A_601 = arith.index_cast %add3A_596 : i32 to index
        %swap3A_602 = tpu.vector_load %arg11[%swap3A_599, %swap3A_600, %swap3A_601] {strides = array<i32>} : memref<1x32x256xf32, #tpu.memory_space<vmem>>, vector<16xf32>,
        tpu.vector_store %arg11[%swap3A_599, %swap3A_600, %swap3A_601], %gather3A_387 {strides = array<i32>} : memref<1x32x256xf32, #tpu.memory_space<vmem>>, vector<16xf32>,
        %add3A_603 = arith.constant 0 : i32
        %add3A_604 = arith.addi %add3A_603, %multiple_of3A_287 : i32
        %swap3A_605 = arith.constant 0 : i32
        %swap3A_606 = arith.constant 22 : i32
        %swap3A_607 = arith.index_cast %swap3A_605 : i32 to index
        %swap3A_608 = arith.index_cast %swap3A_606 : i32 to index
        %swap3A_609 = arith.index_cast %add3A_604 : i32 to index
        %swap3A_610 = tpu.vector_load %arg11[%swap3A_607, %swap3A_608, %swap3A_609] {strides = array<i32>} : memref<1x32x256xf32, #tpu.memory_space<vmem>>, vector<16xf32>,
        tpu.vector_store %arg11[%swap3A_607, %swap3A_608, %swap3A_609], %gather3A_391 {strides = array<i32>} : memref<1x32x256xf32, #tpu.memory_space<vmem>>, vector<16xf32>,
        %add3A_611 = arith.constant 0 : i32
        %add3A_612 = arith.addi %add3A_611, %multiple_of3A_287 : i32
        %swap3A_613 = arith.constant 0 : i32
        %swap3A_614 = arith.constant 23 : i32
        %swap3A_615 = arith.index_cast %swap3A_613 : i32 to index
        %swap3A_616 = arith.index_cast %swap3A_614 : i32 to index
        %swap3A_617 = arith.index_cast %add3A_612 : i32 to index
        %swap3A_618 = tpu.vector_load %arg11[%swap3A_615, %swap3A_616, %swap3A_617] {strides = array<i32>} : memref<1x32x256xf32, #tpu.memory_space<vmem>>, vector<16xf32>,
        tpu.vector_store %arg11[%swap3A_615, %swap3A_616, %swap3A_617], %gather3A_395 {strides = array<i32>} : memref<1x32x256xf32, #tpu.memory_space<vmem>>, vector<16xf32>,
        %add3A_619 = arith.constant 0 : i32
        %add3A_620 = arith.addi %add3A_619, %multiple_of3A_287 : i32
        %swap3A_621 = arith.constant 0 : i32
        %swap3A_622 = arith.constant 24 : i32
        %swap3A_623 = arith.index_cast %swap3A_621 : i32 to index
        %swap3A_624 = arith.index_cast %swap3A_622 : i32 to index
        %swap3A_625 = arith.index_cast %add3A_620 : i32 to index
        %swap3A_626 = tpu.vector_load %arg11[%swap3A_623, %swap3A_624, %swap3A_625] {strides = array<i32>} : memref<1x32x256xf32, #tpu.memory_space<vmem>>, vector<16xf32>,
        tpu.vector_store %arg11[%swap3A_623, %swap3A_624, %swap3A_625], %gather3A_399 {strides = array<i32>} : memref<1x32x256xf32, #tpu.memory_space<vmem>>, vector<16xf32>,
        %add3A_627 = arith.constant 0 : i32
        %add3A_628 = arith.addi %add3A_627, %multiple_of3A_287 : i32
        %swap3A_629 = arith.constant 0 : i32
        %swap3A_630 = arith.constant 25 : i32
        %swap3A_631 = arith.index_cast %swap3A_629 : i32 to index
        %swap3A_632 = arith.index_cast %swap3A_630 : i32 to index
        %swap3A_633 = arith.index_cast %add3A_628 : i32 to index
        %swap3A_634 = tpu.vector_load %arg11[%swap3A_631, %swap3A_632, %swap3A_633] {strides = array<i32>} : memref<1x32x256xf32, #tpu.memory_space<vmem>>, vector<16xf32>,
        tpu.vector_store %arg11[%swap3A_631, %swap3A_632, %swap3A_633], %gather3A_403 {strides = array<i32>} : memref<1x32x256xf32, #tpu.memory_space<vmem>>, vector<16xf32>,
        %add3A_635 = arith.constant 0 : i32
        %add3A_636 = arith.addi %add3A_635, %multiple_of3A_287 : i32
        %swap3A_637 = arith.constant 0 : i32
        %swap3A_638 = arith.constant 26 : i32
        %swap3A_639 = arith.index_cast %swap3A_637 : i32 to index
        %swap3A_640 = arith.index_cast %swap3A_638 : i32 to index
        %swap3A_641 = arith.index_cast %add3A_636 : i32 to index
        %swap3A_642 = tpu.vector_load %arg11[%swap3A_639, %swap3A_640, %swap3A_641] {strides = array<i32>} : memref<1x32x256xf32, #tpu.memory_space<vmem>>, vector<16xf32>,
        tpu.vector_store %arg11[%swap3A_639, %swap3A_640, %swap3A_641], %gather3A_407 {strides = array<i32>} : memref<1x32x256xf32, #tpu.memory_space<vmem>>, vector<16xf32>,
        %add3A_643 = arith.constant 0 : i32
        %add3A_644 = arith.addi %add3A_643, %multiple_of3A_287 : i32
        %swap3A_645 = arith.constant 0 : i32
        %swap3A_646 = arith.constant 27 : i32
        %swap3A_647 = arith.index_cast %swap3A_645 : i32 to index
        %swap3A_648 = arith.index_cast %swap3A_646 : i32 to index
        %swap3A_649 = arith.index_cast %add3A_644 : i32 to index
        %swap3A_650 = tpu.vector_load %arg11[%swap3A_647, %swap3A_648, %swap3A_649] {strides = array<i32>} : memref<1x32x256xf32, #tpu.memory_space<vmem>>, vector<16xf32>,
        tpu.vector_store %arg11[%swap3A_647, %swap3A_648, %swap3A_649], %gather3A_411 {strides = array<i32>} : memref<1x32x256xf32, #tpu.memory_space<vmem>>, vector<16xf32>,
        %add3A_651 = arith.constant 0 : i32
        %add3A_652 = arith.addi %add3A_651, %multiple_of3A_287 : i32
        %swap3A_653 = arith.constant 0 : i32
        %swap3A_654 = arith.constant 28 : i32
        %swap3A_655 = arith.index_cast %swap3A_653 : i32 to index
        %swap3A_656 = arith.index_cast %swap3A_654 : i32 to index
        %swap3A_657 = arith.index_cast %add3A_652 : i32 to index
        %swap3A_658 = tpu.vector_load %arg11[%swap3A_655, %swap3A_656, %swap3A_657] {strides = array<i32>} : memref<1x32x256xf32, #tpu.memory_space<vmem>>, vector<16xf32>,
        tpu.vector_store %arg11[%swap3A_655, %swap3A_656, %swap3A_657], %gather3A_415 {strides = array<i32>} : memref<1x32x256xf32, #tpu.memory_space<vmem>>, vector<16xf32>,
        %add3A_659 = arith.constant 0 : i32
        %add3A_660 = arith.addi %add3A_659, %multiple_of3A_287 : i32
        %swap3A_661 = arith.constant 0 : i32
        %swap3A_662 = arith.constant 29 : i32
        %swap3A_663 = arith.index_cast %swap3A_661 : i32 to index
        %swap3A_664 = arith.index_cast %swap3A_662 : i32 to index
        %swap3A_665 = arith.index_cast %add3A_660 : i32 to index
        %swap3A_666 = tpu.vector_load %arg11[%swap3A_663, %swap3A_664, %swap3A_665] {strides = array<i32>} : memref<1x32x256xf32, #tpu.memory_space<vmem>>, vector<16xf32>,
        tpu.vector_store %arg11[%swap3A_663, %swap3A_664, %swap3A_665], %gather3A_419 {strides = array<i32>} : memref<1x32x256xf32, #tpu.memory_space<vmem>>, vector<16xf32>,
        %add3A_667 = arith.constant 0 : i32
        %add3A_668 = arith.addi %add3A_667, %multiple_of3A_287 : i32
        %swap3A_669 = arith.constant 0 : i32
        %swap3A_670 = arith.constant 30 : i32
        %swap3A_671 = arith.index_cast %swap3A_669 : i32 to index
        %swap3A_672 = arith.index_cast %swap3A_670 : i32 to index
        %swap3A_673 = arith.index_cast %add3A_668 : i32 to index
        %swap3A_674 = tpu.vector_load %arg11[%swap3A_671, %swap3A_672, %swap3A_673] {strides = array<i32>} : memref<1x32x256xf32, #tpu.memory_space<vmem>>, vector<16xf32>,
        tpu.vector_store %arg11[%swap3A_671, %swap3A_672, %swap3A_673], %gather3A_423 {strides = array<i32>} : memref<1x32x256xf32, #tpu.memory_space<vmem>>, vector<16xf32>,
        %add3A_675 = arith.constant 0 : i32
        %add3A_676 = arith.addi %add3A_675, %multiple_of3A_287 : i32
        %swap3A_677 = arith.constant 0 : i32
        %swap3A_678 = arith.constant 31 : i32
        %swap3A_679 = arith.index_cast %swap3A_677 : i32 to index
        %swap3A_680 = arith.index_cast %swap3A_678 : i32 to index
        %swap3A_681 = arith.index_cast %add3A_676 : i32 to index
        %swap3A_682 = tpu.vector_load %arg11[%swap3A_679, %swap3A_680, %swap3A_681] {strides = array<i32>} : memref<1x32x256xf32, #tpu.memory_space<vmem>>, vector<16xf32>,
        tpu.vector_store %arg11[%swap3A_679, %swap3A_680, %swap3A_681], %gather3A_427 {strides = array<i32>} : memref<1x32x256xf32, #tpu.memory_space<vmem>>, vector<16xf32>,
      }
      %scan3A_151 = arith.constant 8 : i32
      %scan3A_152 = arith.constant 0 : i32
      %scan3A_153 = arith.constant 0 : i32
      %scan3A_154 = arith.constant 8 : i32
      %scan3A_155 = arith.addi %scan3A_153, %scan3A_154 : i32
      %scan3A_156 = arith.constant 1 : i32
      scf.for %scan3A_284 = %scan3A_153 to %scan3A_155 step %scan3A_156  : i32 {
        %mul3A_285 = arith.constant 16 : i32
        %mul3A_286 = arith.muli %scan3A_284, %mul3A_285 : i32
        %multiple_of3A_287 = tpu.assume_multiple %mul3A_286, 16 : i32
        %mul3A_288 = arith.constant 256 : i32
        %mul3A_289 = arith.muli %mul3A_113, %mul3A_288 : i32
        %add3A_290 = arith.constant 128 : i32
        %add3A_291 = arith.addi %mul3A_289, %add3A_290 : i32
        %add3A_292 = arith.addi %add3A_291, %multiple_of3A_287 : i32
        %get3A = arith.index_cast %add3A_292 : i32 to index
        %get3A_293 = tpu.vector_load %arg5[%get3A] {strides = array<i32>} : memref<13312xi32, #tpu.memory_space<vmem>>, vector<16xi32>,
        %and3A_294 = arith.constant 3 : i32
        %and3A_295 = vector.broadcast %and3A_294 : i32 to vector<16xi32>
        %and3A_296 = arith.andi %get3A_293, %and3A_295 : vector<16xi32>
        %shift_left3A = arith.constant 5 : i32
        %shift_left3A_297 = vector.broadcast %shift_left3A : i32 to vector<16xi32>
        %shift_left3A_298 = arith.shli %and3A_296, %shift_left3A_297 : vector<16xi32>
        %add3A_299 = vector.broadcast %multiple_of3A_287 : i32 to vector<16xi32>
        %add3A_300 = arith.addi %add3A_299, %iota3A : vector<16xi32>
        %add3A_301 = arith.constant 0 : i32
        %add3A_302 = vector.broadcast %add3A_301 : i32 to vector<16xi32>
        %add3A_303 = arith.addi %shift_left3A_298, %add3A_302 : vector<16xi32>
        %gather3A = tpu.vector_load_idx %arg8[%add3A_300, %add3A_303] : memref<128x128xf32, #tpu.memory_space<vmem>>[vector<16xi32>, vector<16xi32>], vector<16xf32>,
        %add3A_304 = arith.constant 1 : i32
        %add3A_305 = vector.broadcast %add3A_304 : i32 to vector<16xi32>
        %add3A_306 = arith.addi %shift_left3A_298, %add3A_305 : vector<16xi32>
        %gather3A_307 = tpu.vector_load_idx %arg8[%add3A_300, %add3A_306] : memref<128x128xf32, #tpu.memory_space<vmem>>[vector<16xi32>, vector<16xi32>], vector<16xf32>,
        %add3A_308 = arith.constant 2 : i32
        %add3A_309 = vector.broadcast %add3A_308 : i32 to vector<16xi32>
        %add3A_310 = arith.addi %shift_left3A_298, %add3A_309 : vector<16xi32>
        %gather3A_311 = tpu.vector_load_idx %arg8[%add3A_300, %add3A_310] : memref<128x128xf32, #tpu.memory_space<vmem>>[vector<16xi32>, vector<16xi32>], vector<16xf32>,
        %add3A_312 = arith.constant 3 : i32
        %add3A_313 = vector.broadcast %add3A_312 : i32 to vector<16xi32>
        %add3A_314 = arith.addi %shift_left3A_298, %add3A_313 : vector<16xi32>
        %gather3A_315 = tpu.vector_load_idx %arg8[%add3A_300, %add3A_314] : memref<128x128xf32, #tpu.memory_space<vmem>>[vector<16xi32>, vector<16xi32>], vector<16xf32>,
        %add3A_316 = arith.constant 4 : i32
        %add3A_317 = vector.broadcast %add3A_316 : i32 to vector<16xi32>
        %add3A_318 = arith.addi %shift_left3A_298, %add3A_317 : vector<16xi32>
        %gather3A_319 = tpu.vector_load_idx %arg8[%add3A_300, %add3A_318] : memref<128x128xf32, #tpu.memory_space<vmem>>[vector<16xi32>, vector<16xi32>], vector<16xf32>,
        %add3A_320 = arith.constant 5 : i32
        %add3A_321 = vector.broadcast %add3A_320 : i32 to vector<16xi32>
        %add3A_322 = arith.addi %shift_left3A_298, %add3A_321 : vector<16xi32>
        %gather3A_323 = tpu.vector_load_idx %arg8[%add3A_300, %add3A_322] : memref<128x128xf32, #tpu.memory_space<vmem>>[vector<16xi32>, vector<16xi32>], vector<16xf32>,
        %add3A_324 = arith.constant 6 : i32
        %add3A_325 = vector.broadcast %add3A_324 : i32 to vector<16xi32>
        %add3A_326 = arith.addi %shift_left3A_298, %add3A_325 : vector<16xi32>
        %gather3A_327 = tpu.vector_load_idx %arg8[%add3A_300, %add3A_326] : memref<128x128xf32, #tpu.memory_space<vmem>>[vector<16xi32>, vector<16xi32>], vector<16xf32>,
        %add3A_328 = arith.constant 7 : i32
        %add3A_329 = vector.broadcast %add3A_328 : i32 to vector<16xi32>
        %add3A_330 = arith.addi %shift_left3A_298, %add3A_329 : vector<16xi32>
        %gather3A_331 = tpu.vector_load_idx %arg8[%add3A_300, %add3A_330] : memref<128x128xf32, #tpu.memory_space<vmem>>[vector<16xi32>, vector<16xi32>], vector<16xf32>,
        %add3A_332 = arith.constant 8 : i32
        %add3A_333 = vector.broadcast %add3A_332 : i32 to vector<16xi32>
        %add3A_334 = arith.addi %shift_left3A_298, %add3A_333 : vector<16xi32>
        %gather3A_335 = tpu.vector_load_idx %arg8[%add3A_300, %add3A_334] : memref<128x128xf32, #tpu.memory_space<vmem>>[vector<16xi32>, vector<16xi32>], vector<16xf32>,
        %add3A_336 = arith.constant 9 : i32
        %add3A_337 = vector.broadcast %add3A_336 : i32 to vector<16xi32>
        %add3A_338 = arith.addi %shift_left3A_298, %add3A_337 : vector<16xi32>
        %gather3A_339 = tpu.vector_load_idx %arg8[%add3A_300, %add3A_338] : memref<128x128xf32, #tpu.memory_space<vmem>>[vector<16xi32>, vector<16xi32>], vector<16xf32>,
        %add3A_340 = arith.constant 10 : i32
        %add3A_341 = vector.broadcast %add3A_340 : i32 to vector<16xi32>
        %add3A_342 = arith.addi %shift_left3A_298, %add3A_341 : vector<16xi32>
        %gather3A_343 = tpu.vector_load_idx %arg8[%add3A_300, %add3A_342] : memref<128x128xf32, #tpu.memory_space<vmem>>[vector<16xi32>, vector<16xi32>], vector<16xf32>,
        %add3A_344 = arith.constant 11 : i32
        %add3A_345 = vector.broadcast %add3A_344 : i32 to vector<16xi32>
        %add3A_346 = arith.addi %shift_left3A_298, %add3A_345 : vector<16xi32>
        %gather3A_347 = tpu.vector_load_idx %arg8[%add3A_300, %add3A_346] : memref<128x128xf32, #tpu.memory_space<vmem>>[vector<16xi32>, vector<16xi32>], vector<16xf32>,
        %add3A_348 = arith.constant 12 : i32
        %add3A_349 = vector.broadcast %add3A_348 : i32 to vector<16xi32>
        %add3A_350 = arith.addi %shift_left3A_298, %add3A_349 : vector<16xi32>
        %gather3A_351 = tpu.vector_load_idx %arg8[%add3A_300, %add3A_350] : memref<128x128xf32, #tpu.memory_space<vmem>>[vector<16xi32>, vector<16xi32>], vector<16xf32>,
        %add3A_352 = arith.constant 13 : i32
        %add3A_353 = vector.broadcast %add3A_352 : i32 to vector<16xi32>
        %add3A_354 = arith.addi %shift_left3A_298, %add3A_353 : vector<16xi32>
        %gather3A_355 = tpu.vector_load_idx %arg8[%add3A_300, %add3A_354] : memref<128x128xf32, #tpu.memory_space<vmem>>[vector<16xi32>, vector<16xi32>], vector<16xf32>,
        %add3A_356 = arith.constant 14 : i32
        %add3A_357 = vector.broadcast %add3A_356 : i32 to vector<16xi32>
        %add3A_358 = arith.addi %shift_left3A_298, %add3A_357 : vector<16xi32>
        %gather3A_359 = tpu.vector_load_idx %arg8[%add3A_300, %add3A_358] : memref<128x128xf32, #tpu.memory_space<vmem>>[vector<16xi32>, vector<16xi32>], vector<16xf32>,
        %add3A_360 = arith.constant 15 : i32
        %add3A_361 = vector.broadcast %add3A_360 : i32 to vector<16xi32>
        %add3A_362 = arith.addi %shift_left3A_298, %add3A_361 : vector<16xi32>
        %gather3A_363 = tpu.vector_load_idx %arg8[%add3A_300, %add3A_362] : memref<128x128xf32, #tpu.memory_space<vmem>>[vector<16xi32>, vector<16xi32>], vector<16xf32>,
        %add3A_364 = arith.constant 16 : i32
        %add3A_365 = vector.broadcast %add3A_364 : i32 to vector<16xi32>
        %add3A_366 = arith.addi %shift_left3A_298, %add3A_365 : vector<16xi32>
        %gather3A_367 = tpu.vector_load_idx %arg8[%add3A_300, %add3A_366] : memref<128x128xf32, #tpu.memory_space<vmem>>[vector<16xi32>, vector<16xi32>], vector<16xf32>,
        %add3A_368 = arith.constant 17 : i32
        %add3A_369 = vector.broadcast %add3A_368 : i32 to vector<16xi32>
        %add3A_370 = arith.addi %shift_left3A_298, %add3A_369 : vector<16xi32>
        %gather3A_371 = tpu.vector_load_idx %arg8[%add3A_300, %add3A_370] : memref<128x128xf32, #tpu.memory_space<vmem>>[vector<16xi32>, vector<16xi32>], vector<16xf32>,
        %add3A_372 = arith.constant 18 : i32
        %add3A_373 = vector.broadcast %add3A_372 : i32 to vector<16xi32>
        %add3A_374 = arith.addi %shift_left3A_298, %add3A_373 : vector<16xi32>
        %gather3A_375 = tpu.vector_load_idx %arg8[%add3A_300, %add3A_374] : memref<128x128xf32, #tpu.memory_space<vmem>>[vector<16xi32>, vector<16xi32>], vector<16xf32>,
        %add3A_376 = arith.constant 19 : i32
        %add3A_377 = vector.broadcast %add3A_376 : i32 to vector<16xi32>
        %add3A_378 = arith.addi %shift_left3A_298, %add3A_377 : vector<16xi32>
        %gather3A_379 = tpu.vector_load_idx %arg8[%add3A_300, %add3A_378] : memref<128x128xf32, #tpu.memory_space<vmem>>[vector<16xi32>, vector<16xi32>], vector<16xf32>,
        %add3A_380 = arith.constant 20 : i32
        %add3A_381 = vector.broadcast %add3A_380 : i32 to vector<16xi32>
        %add3A_382 = arith.addi %shift_left3A_298, %add3A_381 : vector<16xi32>
        %gather3A_383 = tpu.vector_load_idx %arg8[%add3A_300, %add3A_382] : memref<128x128xf32, #tpu.memory_space<vmem>>[vector<16xi32>, vector<16xi32>], vector<16xf32>,
        %add3A_384 = arith.constant 21 : i32
        %add3A_385 = vector.broadcast %add3A_384 : i32 to vector<16xi32>
        %add3A_386 = arith.addi %shift_left3A_298, %add3A_385 : vector<16xi32>
        %gather3A_387 = tpu.vector_load_idx %arg8[%add3A_300, %add3A_386] : memref<128x128xf32, #tpu.memory_space<vmem>>[vector<16xi32>, vector<16xi32>], vector<16xf32>,
        %add3A_388 = arith.constant 22 : i32
        %add3A_389 = vector.broadcast %add3A_388 : i32 to vector<16xi32>
        %add3A_390 = arith.addi %shift_left3A_298, %add3A_389 : vector<16xi32>
        %gather3A_391 = tpu.vector_load_idx %arg8[%add3A_300, %add3A_390] : memref<128x128xf32, #tpu.memory_space<vmem>>[vector<16xi32>, vector<16xi32>], vector<16xf32>,
        %add3A_392 = arith.constant 23 : i32
        %add3A_393 = vector.broadcast %add3A_392 : i32 to vector<16xi32>
        %add3A_394 = arith.addi %shift_left3A_298, %add3A_393 : vector<16xi32>
        %gather3A_395 = tpu.vector_load_idx %arg8[%add3A_300, %add3A_394] : memref<128x128xf32, #tpu.memory_space<vmem>>[vector<16xi32>, vector<16xi32>], vector<16xf32>,
        %add3A_396 = arith.constant 24 : i32
        %add3A_397 = vector.broadcast %add3A_396 : i32 to vector<16xi32>
        %add3A_398 = arith.addi %shift_left3A_298, %add3A_397 : vector<16xi32>
        %gather3A_399 = tpu.vector_load_idx %arg8[%add3A_300, %add3A_398] : memref<128x128xf32, #tpu.memory_space<vmem>>[vector<16xi32>, vector<16xi32>], vector<16xf32>,
        %add3A_400 = arith.constant 25 : i32
        %add3A_401 = vector.broadcast %add3A_400 : i32 to vector<16xi32>
        %add3A_402 = arith.addi %shift_left3A_298, %add3A_401 : vector<16xi32>
        %gather3A_403 = tpu.vector_load_idx %arg8[%add3A_300, %add3A_402] : memref<128x128xf32, #tpu.memory_space<vmem>>[vector<16xi32>, vector<16xi32>], vector<16xf32>,
        %add3A_404 = arith.constant 26 : i32
        %add3A_405 = vector.broadcast %add3A_404 : i32 to vector<16xi32>
        %add3A_406 = arith.addi %shift_left3A_298, %add3A_405 : vector<16xi32>
        %gather3A_407 = tpu.vector_load_idx %arg8[%add3A_300, %add3A_406] : memref<128x128xf32, #tpu.memory_space<vmem>>[vector<16xi32>, vector<16xi32>], vector<16xf32>,
        %add3A_408 = arith.constant 27 : i32
        %add3A_409 = vector.broadcast %add3A_408 : i32 to vector<16xi32>
        %add3A_410 = arith.addi %shift_left3A_298, %add3A_409 : vector<16xi32>
        %gather3A_411 = tpu.vector_load_idx %arg8[%add3A_300, %add3A_410] : memref<128x128xf32, #tpu.memory_space<vmem>>[vector<16xi32>, vector<16xi32>], vector<16xf32>,
        %add3A_412 = arith.constant 28 : i32
        %add3A_413 = vector.broadcast %add3A_412 : i32 to vector<16xi32>
        %add3A_414 = arith.addi %shift_left3A_298, %add3A_413 : vector<16xi32>
        %gather3A_415 = tpu.vector_load_idx %arg8[%add3A_300, %add3A_414] : memref<128x128xf32, #tpu.memory_space<vmem>>[vector<16xi32>, vector<16xi32>], vector<16xf32>,
        %add3A_416 = arith.constant 29 : i32
        %add3A_417 = vector.broadcast %add3A_416 : i32 to vector<16xi32>
        %add3A_418 = arith.addi %shift_left3A_298, %add3A_417 : vector<16xi32>
        %gather3A_419 = tpu.vector_load_idx %arg8[%add3A_300, %add3A_418] : memref<128x128xf32, #tpu.memory_space<vmem>>[vector<16xi32>, vector<16xi32>], vector<16xf32>,
        %add3A_420 = arith.constant 30 : i32
        %add3A_421 = vector.broadcast %add3A_420 : i32 to vector<16xi32>
        %add3A_422 = arith.addi %shift_left3A_298, %add3A_421 : vector<16xi32>
        %gather3A_423 = tpu.vector_load_idx %arg8[%add3A_300, %add3A_422] : memref<128x128xf32, #tpu.memory_space<vmem>>[vector<16xi32>, vector<16xi32>], vector<16xf32>,
        %add3A_424 = arith.constant 31 : i32
        %add3A_425 = vector.broadcast %add3A_424 : i32 to vector<16xi32>
        %add3A_426 = arith.addi %shift_left3A_298, %add3A_425 : vector<16xi32>
        %gather3A_427 = tpu.vector_load_idx %arg8[%add3A_300, %add3A_426] : memref<128x128xf32, #tpu.memory_space<vmem>>[vector<16xi32>, vector<16xi32>], vector<16xf32>,
        %add3A_428 = arith.constant 128 : i32
        %add3A_429 = arith.addi %add3A_428, %multiple_of3A_287 : i32
        %swap3A = arith.constant 0 : i32
        %swap3A_430 = arith.constant 0 : i32
        %swap3A_431 = arith.index_cast %swap3A : i32 to index
        %swap3A_432 = arith.index_cast %swap3A_430 : i32 to index
        %swap3A_433 = arith.index_cast %add3A_429 : i32 to index
        %swap3A_434 = tpu.vector_load %arg11[%swap3A_431, %swap3A_432, %swap3A_433] {strides = array<i32>} : memref<1x32x256xf32, #tpu.memory_space<vmem>>, vector<16xf32>,
        tpu.vector_store %arg11[%swap3A_431, %swap3A_432, %swap3A_433], %gather3A {strides = array<i32>} : memref<1x32x256xf32, #tpu.memory_space<vmem>>, vector<16xf32>,
        %add3A_435 = arith.constant 128 : i32
        %add3A_436 = arith.addi %add3A_435, %multiple_of3A_287 : i32
        %swap3A_437 = arith.constant 0 : i32
        %swap3A_438 = arith.constant 1 : i32
        %swap3A_439 = arith.index_cast %swap3A_437 : i32 to index
        %swap3A_440 = arith.index_cast %swap3A_438 : i32 to index
        %swap3A_441 = arith.index_cast %add3A_436 : i32 to index
        %swap3A_442 = tpu.vector_load %arg11[%swap3A_439, %swap3A_440, %swap3A_441] {strides = array<i32>} : memref<1x32x256xf32, #tpu.memory_space<vmem>>, vector<16xf32>,
        tpu.vector_store %arg11[%swap3A_439, %swap3A_440, %swap3A_441], %gather3A_307 {strides = array<i32>} : memref<1x32x256xf32, #tpu.memory_space<vmem>>, vector<16xf32>,
        %add3A_443 = arith.constant 128 : i32
        %add3A_444 = arith.addi %add3A_443, %multiple_of3A_287 : i32
        %swap3A_445 = arith.constant 0 : i32
        %swap3A_446 = arith.constant 2 : i32
        %swap3A_447 = arith.index_cast %swap3A_445 : i32 to index
        %swap3A_448 = arith.index_cast %swap3A_446 : i32 to index
        %swap3A_449 = arith.index_cast %add3A_444 : i32 to index
        %swap3A_450 = tpu.vector_load %arg11[%swap3A_447, %swap3A_448, %swap3A_449] {strides = array<i32>} : memref<1x32x256xf32, #tpu.memory_space<vmem>>, vector<16xf32>,
        tpu.vector_store %arg11[%swap3A_447, %swap3A_448, %swap3A_449], %gather3A_311 {strides = array<i32>} : memref<1x32x256xf32, #tpu.memory_space<vmem>>, vector<16xf32>,
        %add3A_451 = arith.constant 128 : i32
        %add3A_452 = arith.addi %add3A_451, %multiple_of3A_287 : i32
        %swap3A_453 = arith.constant 0 : i32
        %swap3A_454 = arith.constant 3 : i32
        %swap3A_455 = arith.index_cast %swap3A_453 : i32 to index
        %swap3A_456 = arith.index_cast %swap3A_454 : i32 to index
        %swap3A_457 = arith.index_cast %add3A_452 : i32 to index
        %swap3A_458 = tpu.vector_load %arg11[%swap3A_455, %swap3A_456, %swap3A_457] {strides = array<i32>} : memref<1x32x256xf32, #tpu.memory_space<vmem>>, vector<16xf32>,
        tpu.vector_store %arg11[%swap3A_455, %swap3A_456, %swap3A_457], %gather3A_315 {strides = array<i32>} : memref<1x32x256xf32, #tpu.memory_space<vmem>>, vector<16xf32>,
        %add3A_459 = arith.constant 128 : i32
        %add3A_460 = arith.addi %add3A_459, %multiple_of3A_287 : i32
        %swap3A_461 = arith.constant 0 : i32
        %swap3A_462 = arith.constant 4 : i32
        %swap3A_463 = arith.index_cast %swap3A_461 : i32 to index
        %swap3A_464 = arith.index_cast %swap3A_462 : i32 to index
        %swap3A_465 = arith.index_cast %add3A_460 : i32 to index
        %swap3A_466 = tpu.vector_load %arg11[%swap3A_463, %swap3A_464, %swap3A_465] {strides = array<i32>} : memref<1x32x256xf32, #tpu.memory_space<vmem>>, vector<16xf32>,
        tpu.vector_store %arg11[%swap3A_463, %swap3A_464, %swap3A_465], %gather3A_319 {strides = array<i32>} : memref<1x32x256xf32, #tpu.memory_space<vmem>>, vector<16xf32>,
        %add3A_467 = arith.constant 128 : i32
        %add3A_468 = arith.addi %add3A_467, %multiple_of3A_287 : i32
        %swap3A_469 = arith.constant 0 : i32
        %swap3A_470 = arith.constant 5 : i32
        %swap3A_471 = arith.index_cast %swap3A_469 : i32 to index
        %swap3A_472 = arith.index_cast %swap3A_470 : i32 to index
        %swap3A_473 = arith.index_cast %add3A_468 : i32 to index
        %swap3A_474 = tpu.vector_load %arg11[%swap3A_471, %swap3A_472, %swap3A_473] {strides = array<i32>} : memref<1x32x256xf32, #tpu.memory_space<vmem>>, vector<16xf32>,
        tpu.vector_store %arg11[%swap3A_471, %swap3A_472, %swap3A_473], %gather3A_323 {strides = array<i32>} : memref<1x32x256xf32, #tpu.memory_space<vmem>>, vector<16xf32>,
        %add3A_475 = arith.constant 128 : i32
        %add3A_476 = arith.addi %add3A_475, %multiple_of3A_287 : i32
        %swap3A_477 = arith.constant 0 : i32
        %swap3A_478 = arith.constant 6 : i32
        %swap3A_479 = arith.index_cast %swap3A_477 : i32 to index
        %swap3A_480 = arith.index_cast %swap3A_478 : i32 to index
        %swap3A_481 = arith.index_cast %add3A_476 : i32 to index
        %swap3A_482 = tpu.vector_load %arg11[%swap3A_479, %swap3A_480, %swap3A_481] {strides = array<i32>} : memref<1x32x256xf32, #tpu.memory_space<vmem>>, vector<16xf32>,
        tpu.vector_store %arg11[%swap3A_479, %swap3A_480, %swap3A_481], %gather3A_327 {strides = array<i32>} : memref<1x32x256xf32, #tpu.memory_space<vmem>>, vector<16xf32>,
        %add3A_483 = arith.constant 128 : i32
        %add3A_484 = arith.addi %add3A_483, %multiple_of3A_287 : i32
        %swap3A_485 = arith.constant 0 : i32
        %swap3A_486 = arith.constant 7 : i32
        %swap3A_487 = arith.index_cast %swap3A_485 : i32 to index
        %swap3A_488 = arith.index_cast %swap3A_486 : i32 to index
        %swap3A_489 = arith.index_cast %add3A_484 : i32 to index
        %swap3A_490 = tpu.vector_load %arg11[%swap3A_487, %swap3A_488, %swap3A_489] {strides = array<i32>} : memref<1x32x256xf32, #tpu.memory_space<vmem>>, vector<16xf32>,
        tpu.vector_store %arg11[%swap3A_487, %swap3A_488, %swap3A_489], %gather3A_331 {strides = array<i32>} : memref<1x32x256xf32, #tpu.memory_space<vmem>>, vector<16xf32>,
        %add3A_491 = arith.constant 128 : i32
        %add3A_492 = arith.addi %add3A_491, %multiple_of3A_287 : i32
        %swap3A_493 = arith.constant 0 : i32
        %swap3A_494 = arith.constant 8 : i32
        %swap3A_495 = arith.index_cast %swap3A_493 : i32 to index
        %swap3A_496 = arith.index_cast %swap3A_494 : i32 to index
        %swap3A_497 = arith.index_cast %add3A_492 : i32 to index
        %swap3A_498 = tpu.vector_load %arg11[%swap3A_495, %swap3A_496, %swap3A_497] {strides = array<i32>} : memref<1x32x256xf32, #tpu.memory_space<vmem>>, vector<16xf32>,
        tpu.vector_store %arg11[%swap3A_495, %swap3A_496, %swap3A_497], %gather3A_335 {strides = array<i32>} : memref<1x32x256xf32, #tpu.memory_space<vmem>>, vector<16xf32>,
        %add3A_499 = arith.constant 128 : i32
        %add3A_500 = arith.addi %add3A_499, %multiple_of3A_287 : i32
        %swap3A_501 = arith.constant 0 : i32
        %swap3A_502 = arith.constant 9 : i32
        %swap3A_503 = arith.index_cast %swap3A_501 : i32 to index
        %swap3A_504 = arith.index_cast %swap3A_502 : i32 to index
        %swap3A_505 = arith.index_cast %add3A_500 : i32 to index
        %swap3A_506 = tpu.vector_load %arg11[%swap3A_503, %swap3A_504, %swap3A_505] {strides = array<i32>} : memref<1x32x256xf32, #tpu.memory_space<vmem>>, vector<16xf32>,
        tpu.vector_store %arg11[%swap3A_503, %swap3A_504, %swap3A_505], %gather3A_339 {strides = array<i32>} : memref<1x32x256xf32, #tpu.memory_space<vmem>>, vector<16xf32>,
        %add3A_507 = arith.constant 128 : i32
        %add3A_508 = arith.addi %add3A_507, %multiple_of3A_287 : i32
        %swap3A_509 = arith.constant 0 : i32
        %swap3A_510 = arith.constant 10 : i32
        %swap3A_511 = arith.index_cast %swap3A_509 : i32 to index
        %swap3A_512 = arith.index_cast %swap3A_510 : i32 to index
        %swap3A_513 = arith.index_cast %add3A_508 : i32 to index
        %swap3A_514 = tpu.vector_load %arg11[%swap3A_511, %swap3A_512, %swap3A_513] {strides = array<i32>} : memref<1x32x256xf32, #tpu.memory_space<vmem>>, vector<16xf32>,
        tpu.vector_store %arg11[%swap3A_511, %swap3A_512, %swap3A_513], %gather3A_343 {strides = array<i32>} : memref<1x32x256xf32, #tpu.memory_space<vmem>>, vector<16xf32>,
        %add3A_515 = arith.constant 128 : i32
        %add3A_516 = arith.addi %add3A_515, %multiple_of3A_287 : i32
        %swap3A_517 = arith.constant 0 : i32
        %swap3A_518 = arith.constant 11 : i32
        %swap3A_519 = arith.index_cast %swap3A_517 : i32 to index
        %swap3A_520 = arith.index_cast %swap3A_518 : i32 to index
        %swap3A_521 = arith.index_cast %add3A_516 : i32 to index
        %swap3A_522 = tpu.vector_load %arg11[%swap3A_519, %swap3A_520, %swap3A_521] {strides = array<i32>} : memref<1x32x256xf32, #tpu.memory_space<vmem>>, vector<16xf32>,
        tpu.vector_store %arg11[%swap3A_519, %swap3A_520, %swap3A_521], %gather3A_347 {strides = array<i32>} : memref<1x32x256xf32, #tpu.memory_space<vmem>>, vector<16xf32>,
        %add3A_523 = arith.constant 128 : i32
        %add3A_524 = arith.addi %add3A_523, %multiple_of3A_287 : i32
        %swap3A_525 = arith.constant 0 : i32
        %swap3A_526 = arith.constant 12 : i32
        %swap3A_527 = arith.index_cast %swap3A_525 : i32 to index
        %swap3A_528 = arith.index_cast %swap3A_526 : i32 to index
        %swap3A_529 = arith.index_cast %add3A_524 : i32 to index
        %swap3A_530 = tpu.vector_load %arg11[%swap3A_527, %swap3A_528, %swap3A_529] {strides = array<i32>} : memref<1x32x256xf32, #tpu.memory_space<vmem>>, vector<16xf32>,
        tpu.vector_store %arg11[%swap3A_527, %swap3A_528, %swap3A_529], %gather3A_351 {strides = array<i32>} : memref<1x32x256xf32, #tpu.memory_space<vmem>>, vector<16xf32>,
        %add3A_531 = arith.constant 128 : i32
        %add3A_532 = arith.addi %add3A_531, %multiple_of3A_287 : i32
        %swap3A_533 = arith.constant 0 : i32
        %swap3A_534 = arith.constant 13 : i32
        %swap3A_535 = arith.index_cast %swap3A_533 : i32 to index
        %swap3A_536 = arith.index_cast %swap3A_534 : i32 to index
        %swap3A_537 = arith.index_cast %add3A_532 : i32 to index
        %swap3A_538 = tpu.vector_load %arg11[%swap3A_535, %swap3A_536, %swap3A_537] {strides = array<i32>} : memref<1x32x256xf32, #tpu.memory_space<vmem>>, vector<16xf32>,
        tpu.vector_store %arg11[%swap3A_535, %swap3A_536, %swap3A_537], %gather3A_355 {strides = array<i32>} : memref<1x32x256xf32, #tpu.memory_space<vmem>>, vector<16xf32>,
        %add3A_539 = arith.constant 128 : i32
        %add3A_540 = arith.addi %add3A_539, %multiple_of3A_287 : i32
        %swap3A_541 = arith.constant 0 : i32
        %swap3A_542 = arith.constant 14 : i32
        %swap3A_543 = arith.index_cast %swap3A_541 : i32 to index
        %swap3A_544 = arith.index_cast %swap3A_542 : i32 to index
        %swap3A_545 = arith.index_cast %add3A_540 : i32 to index
        %swap3A_546 = tpu.vector_load %arg11[%swap3A_543, %swap3A_544, %swap3A_545] {strides = array<i32>} : memref<1x32x256xf32, #tpu.memory_space<vmem>>, vector<16xf32>,
        tpu.vector_store %arg11[%swap3A_543, %swap3A_544, %swap3A_545], %gather3A_359 {strides = array<i32>} : memref<1x32x256xf32, #tpu.memory_space<vmem>>, vector<16xf32>,
        %add3A_547 = arith.constant 128 : i32
        %add3A_548 = arith.addi %add3A_547, %multiple_of3A_287 : i32
        %swap3A_549 = arith.constant 0 : i32
        %swap3A_550 = arith.constant 15 : i32
        %swap3A_551 = arith.index_cast %swap3A_549 : i32 to index
        %swap3A_552 = arith.index_cast %swap3A_550 : i32 to index
        %swap3A_553 = arith.index_cast %add3A_548 : i32 to index
        %swap3A_554 = tpu.vector_load %arg11[%swap3A_551, %swap3A_552, %swap3A_553] {strides = array<i32>} : memref<1x32x256xf32, #tpu.memory_space<vmem>>, vector<16xf32>,
        tpu.vector_store %arg11[%swap3A_551, %swap3A_552, %swap3A_553], %gather3A_363 {strides = array<i32>} : memref<1x32x256xf32, #tpu.memory_space<vmem>>, vector<16xf32>,
        %add3A_555 = arith.constant 128 : i32
        %add3A_556 = arith.addi %add3A_555, %multiple_of3A_287 : i32
        %swap3A_557 = arith.constant 0 : i32
        %swap3A_558 = arith.constant 16 : i32
        %swap3A_559 = arith.index_cast %swap3A_557 : i32 to index
        %swap3A_560 = arith.index_cast %swap3A_558 : i32 to index
        %swap3A_561 = arith.index_cast %add3A_556 : i32 to index
        %swap3A_562 = tpu.vector_load %arg11[%swap3A_559, %swap3A_560, %swap3A_561] {strides = array<i32>} : memref<1x32x256xf32, #tpu.memory_space<vmem>>, vector<16xf32>,
        tpu.vector_store %arg11[%swap3A_559, %swap3A_560, %swap3A_561], %gather3A_367 {strides = array<i32>} : memref<1x32x256xf32, #tpu.memory_space<vmem>>, vector<16xf32>,
        %add3A_563 = arith.constant 128 : i32
        %add3A_564 = arith.addi %add3A_563, %multiple_of3A_287 : i32
        %swap3A_565 = arith.constant 0 : i32
        %swap3A_566 = arith.constant 17 : i32
        %swap3A_567 = arith.index_cast %swap3A_565 : i32 to index
        %swap3A_568 = arith.index_cast %swap3A_566 : i32 to index
        %swap3A_569 = arith.index_cast %add3A_564 : i32 to index
        %swap3A_570 = tpu.vector_load %arg11[%swap3A_567, %swap3A_568, %swap3A_569] {strides = array<i32>} : memref<1x32x256xf32, #tpu.memory_space<vmem>>, vector<16xf32>,
        tpu.vector_store %arg11[%swap3A_567, %swap3A_568, %swap3A_569], %gather3A_371 {strides = array<i32>} : memref<1x32x256xf32, #tpu.memory_space<vmem>>, vector<16xf32>,
        %add3A_571 = arith.constant 128 : i32
        %add3A_572 = arith.addi %add3A_571, %multiple_of3A_287 : i32
        %swap3A_573 = arith.constant 0 : i32
        %swap3A_574 = arith.constant 18 : i32
        %swap3A_575 = arith.index_cast %swap3A_573 : i32 to index
        %swap3A_576 = arith.index_cast %swap3A_574 : i32 to index
        %swap3A_577 = arith.index_cast %add3A_572 : i32 to index
        %swap3A_578 = tpu.vector_load %arg11[%swap3A_575, %swap3A_576, %swap3A_577] {strides = array<i32>} : memref<1x32x256xf32, #tpu.memory_space<vmem>>, vector<16xf32>,
        tpu.vector_store %arg11[%swap3A_575, %swap3A_576, %swap3A_577], %gather3A_375 {strides = array<i32>} : memref<1x32x256xf32, #tpu.memory_space<vmem>>, vector<16xf32>,
        %add3A_579 = arith.constant 128 : i32
        %add3A_580 = arith.addi %add3A_579, %multiple_of3A_287 : i32
        %swap3A_581 = arith.constant 0 : i32
        %swap3A_582 = arith.constant 19 : i32
        %swap3A_583 = arith.index_cast %swap3A_581 : i32 to index
        %swap3A_584 = arith.index_cast %swap3A_582 : i32 to index
        %swap3A_585 = arith.index_cast %add3A_580 : i32 to index
        %swap3A_586 = tpu.vector_load %arg11[%swap3A_583, %swap3A_584, %swap3A_585] {strides = array<i32>} : memref<1x32x256xf32, #tpu.memory_space<vmem>>, vector<16xf32>,
        tpu.vector_store %arg11[%swap3A_583, %swap3A_584, %swap3A_585], %gather3A_379 {strides = array<i32>} : memref<1x32x256xf32, #tpu.memory_space<vmem>>, vector<16xf32>,
        %add3A_587 = arith.constant 128 : i32
        %add3A_588 = arith.addi %add3A_587, %multiple_of3A_287 : i32
        %swap3A_589 = arith.constant 0 : i32
        %swap3A_590 = arith.constant 20 : i32
        %swap3A_591 = arith.index_cast %swap3A_589 : i32 to index
        %swap3A_592 = arith.index_cast %swap3A_590 : i32 to index
        %swap3A_593 = arith.index_cast %add3A_588 : i32 to index
        %swap3A_594 = tpu.vector_load %arg11[%swap3A_591, %swap3A_592, %swap3A_593] {strides = array<i32>} : memref<1x32x256xf32, #tpu.memory_space<vmem>>, vector<16xf32>,
        tpu.vector_store %arg11[%swap3A_591, %swap3A_592, %swap3A_593], %gather3A_383 {strides = array<i32>} : memref<1x32x256xf32, #tpu.memory_space<vmem>>, vector<16xf32>,
        %add3A_595 = arith.constant 128 : i32
        %add3A_596 = arith.addi %add3A_595, %multiple_of3A_287 : i32
        %swap3A_597 = arith.constant 0 : i32
        %swap3A_598 = arith.constant 21 : i32
        %swap3A_599 = arith.index_cast %swap3A_597 : i32 to index
        %swap3A_600 = arith.index_cast %swap3A_598 : i32 to index
        %swap3A_601 = arith.index_cast %add3A_596 : i32 to index
        %swap3A_602 = tpu.vector_load %arg11[%swap3A_599, %swap3A_600, %swap3A_601] {strides = array<i32>} : memref<1x32x256xf32, #tpu.memory_space<vmem>>, vector<16xf32>,
        tpu.vector_store %arg11[%swap3A_599, %swap3A_600, %swap3A_601], %gather3A_387 {strides = array<i32>} : memref<1x32x256xf32, #tpu.memory_space<vmem>>, vector<16xf32>,
        %add3A_603 = arith.constant 128 : i32
        %add3A_604 = arith.addi %add3A_603, %multiple_of3A_287 : i32
        %swap3A_605 = arith.constant 0 : i32
        %swap3A_606 = arith.constant 22 : i32
        %swap3A_607 = arith.index_cast %swap3A_605 : i32 to index
        %swap3A_608 = arith.index_cast %swap3A_606 : i32 to index
        %swap3A_609 = arith.index_cast %add3A_604 : i32 to index
        %swap3A_610 = tpu.vector_load %arg11[%swap3A_607, %swap3A_608, %swap3A_609] {strides = array<i32>} : memref<1x32x256xf32, #tpu.memory_space<vmem>>, vector<16xf32>,
        tpu.vector_store %arg11[%swap3A_607, %swap3A_608, %swap3A_609], %gather3A_391 {strides = array<i32>} : memref<1x32x256xf32, #tpu.memory_space<vmem>>, vector<16xf32>,
        %add3A_611 = arith.constant 128 : i32
        %add3A_612 = arith.addi %add3A_611, %multiple_of3A_287 : i32
        %swap3A_613 = arith.constant 0 : i32
        %swap3A_614 = arith.constant 23 : i32
        %swap3A_615 = arith.index_cast %swap3A_613 : i32 to index
        %swap3A_616 = arith.index_cast %swap3A_614 : i32 to index
        %swap3A_617 = arith.index_cast %add3A_612 : i32 to index
        %swap3A_618 = tpu.vector_load %arg11[%swap3A_615, %swap3A_616, %swap3A_617] {strides = array<i32>} : memref<1x32x256xf32, #tpu.memory_space<vmem>>, vector<16xf32>,
        tpu.vector_store %arg11[%swap3A_615, %swap3A_616, %swap3A_617], %gather3A_395 {strides = array<i32>} : memref<1x32x256xf32, #tpu.memory_space<vmem>>, vector<16xf32>,
        %add3A_619 = arith.constant 128 : i32
        %add3A_620 = arith.addi %add3A_619, %multiple_of3A_287 : i32
        %swap3A_621 = arith.constant 0 : i32
        %swap3A_622 = arith.constant 24 : i32
        %swap3A_623 = arith.index_cast %swap3A_621 : i32 to index
        %swap3A_624 = arith.index_cast %swap3A_622 : i32 to index
        %swap3A_625 = arith.index_cast %add3A_620 : i32 to index
        %swap3A_626 = tpu.vector_load %arg11[%swap3A_623, %swap3A_624, %swap3A_625] {strides = array<i32>} : memref<1x32x256xf32, #tpu.memory_space<vmem>>, vector<16xf32>,
        tpu.vector_store %arg11[%swap3A_623, %swap3A_624, %swap3A_625], %gather3A_399 {strides = array<i32>} : memref<1x32x256xf32, #tpu.memory_space<vmem>>, vector<16xf32>,
        %add3A_627 = arith.constant 128 : i32
        %add3A_628 = arith.addi %add3A_627, %multiple_of3A_287 : i32
        %swap3A_629 = arith.constant 0 : i32
        %swap3A_630 = arith.constant 25 : i32
        %swap3A_631 = arith.index_cast %swap3A_629 : i32 to index
        %swap3A_632 = arith.index_cast %swap3A_630 : i32 to index
        %swap3A_633 = arith.index_cast %add3A_628 : i32 to index
        %swap3A_634 = tpu.vector_load %arg11[%swap3A_631, %swap3A_632, %swap3A_633] {strides = array<i32>} : memref<1x32x256xf32, #tpu.memory_space<vmem>>, vector<16xf32>,
        tpu.vector_store %arg11[%swap3A_631, %swap3A_632, %swap3A_633], %gather3A_403 {strides = array<i32>} : memref<1x32x256xf32, #tpu.memory_space<vmem>>, vector<16xf32>,
        %add3A_635 = arith.constant 128 : i32
        %add3A_636 = arith.addi %add3A_635, %multiple_of3A_287 : i32
        %swap3A_637 = arith.constant 0 : i32
        %swap3A_638 = arith.constant 26 : i32
        %swap3A_639 = arith.index_cast %swap3A_637 : i32 to index
        %swap3A_640 = arith.index_cast %swap3A_638 : i32 to index
        %swap3A_641 = arith.index_cast %add3A_636 : i32 to index
        %swap3A_642 = tpu.vector_load %arg11[%swap3A_639, %swap3A_640, %swap3A_641] {strides = array<i32>} : memref<1x32x256xf32, #tpu.memory_space<vmem>>, vector<16xf32>,
        tpu.vector_store %arg11[%swap3A_639, %swap3A_640, %swap3A_641], %gather3A_407 {strides = array<i32>} : memref<1x32x256xf32, #tpu.memory_space<vmem>>, vector<16xf32>,
        %add3A_643 = arith.constant 128 : i32
        %add3A_644 = arith.addi %add3A_643, %multiple_of3A_287 : i32
        %swap3A_645 = arith.constant 0 : i32
        %swap3A_646 = arith.constant 27 : i32
        %swap3A_647 = arith.index_cast %swap3A_645 : i32 to index
        %swap3A_648 = arith.index_cast %swap3A_646 : i32 to index
        %swap3A_649 = arith.index_cast %add3A_644 : i32 to index
        %swap3A_650 = tpu.vector_load %arg11[%swap3A_647, %swap3A_648, %swap3A_649] {strides = array<i32>} : memref<1x32x256xf32, #tpu.memory_space<vmem>>, vector<16xf32>,
        tpu.vector_store %arg11[%swap3A_647, %swap3A_648, %swap3A_649], %gather3A_411 {strides = array<i32>} : memref<1x32x256xf32, #tpu.memory_space<vmem>>, vector<16xf32>,
        %add3A_651 = arith.constant 128 : i32
        %add3A_652 = arith.addi %add3A_651, %multiple_of3A_287 : i32
        %swap3A_653 = arith.constant 0 : i32
        %swap3A_654 = arith.constant 28 : i32
        %swap3A_655 = arith.index_cast %swap3A_653 : i32 to index
        %swap3A_656 = arith.index_cast %swap3A_654 : i32 to index
        %swap3A_657 = arith.index_cast %add3A_652 : i32 to index
        %swap3A_658 = tpu.vector_load %arg11[%swap3A_655, %swap3A_656, %swap3A_657] {strides = array<i32>} : memref<1x32x256xf32, #tpu.memory_space<vmem>>, vector<16xf32>,
        tpu.vector_store %arg11[%swap3A_655, %swap3A_656, %swap3A_657], %gather3A_415 {strides = array<i32>} : memref<1x32x256xf32, #tpu.memory_space<vmem>>, vector<16xf32>,
        %add3A_659 = arith.constant 128 : i32
        %add3A_660 = arith.addi %add3A_659, %multiple_of3A_287 : i32
        %swap3A_661 = arith.constant 0 : i32
        %swap3A_662 = arith.constant 29 : i32
        %swap3A_663 = arith.index_cast %swap3A_661 : i32 to index
        %swap3A_664 = arith.index_cast %swap3A_662 : i32 to index
        %swap3A_665 = arith.index_cast %add3A_660 : i32 to index
        %swap3A_666 = tpu.vector_load %arg11[%swap3A_663, %swap3A_664, %swap3A_665] {strides = array<i32>} : memref<1x32x256xf32, #tpu.memory_space<vmem>>, vector<16xf32>,
        tpu.vector_store %arg11[%swap3A_663, %swap3A_664, %swap3A_665], %gather3A_419 {strides = array<i32>} : memref<1x32x256xf32, #tpu.memory_space<vmem>>, vector<16xf32>,
        %add3A_667 = arith.constant 128 : i32
        %add3A_668 = arith.addi %add3A_667, %multiple_of3A_287 : i32
        %swap3A_669 = arith.constant 0 : i32
        %swap3A_670 = arith.constant 30 : i32
        %swap3A_671 = arith.index_cast %swap3A_669 : i32 to index
        %swap3A_672 = arith.index_cast %swap3A_670 : i32 to index
        %swap3A_673 = arith.index_cast %add3A_668 : i32 to index
        %swap3A_674 = tpu.vector_load %arg11[%swap3A_671, %swap3A_672, %swap3A_673] {strides = array<i32>} : memref<1x32x256xf32, #tpu.memory_space<vmem>>, vector<16xf32>,
        tpu.vector_store %arg11[%swap3A_671, %swap3A_672, %swap3A_673], %gather3A_423 {strides = array<i32>} : memref<1x32x256xf32, #tpu.memory_space<vmem>>, vector<16xf32>,
        %add3A_675 = arith.constant 128 : i32
        %add3A_676 = arith.addi %add3A_675, %multiple_of3A_287 : i32
        %swap3A_677 = arith.constant 0 : i32
        %swap3A_678 = arith.constant 31 : i32
        %swap3A_679 = arith.index_cast %swap3A_677 : i32 to index
        %swap3A_680 = arith.index_cast %swap3A_678 : i32 to index
        %swap3A_681 = arith.index_cast %add3A_676 : i32 to index
        %swap3A_682 = tpu.vector_load %arg11[%swap3A_679, %swap3A_680, %swap3A_681] {strides = array<i32>} : memref<1x32x256xf32, #tpu.memory_space<vmem>>, vector<16xf32>,
        tpu.vector_store %arg11[%swap3A_679, %swap3A_680, %swap3A_681], %gather3A_427 {strides = array<i32>} : memref<1x32x256xf32, #tpu.memory_space<vmem>>, vector<16xf32>,
      }
      %scan3A_157 = arith.constant 8 : i32
      %add3A_158 = arith.addi %mul3A_4, %mul3A_113 : i32
      %jit3A_159 = arith.constant 64 : i32
      %div3A_160 = arith.divsi %add3A_158, %jit3A_159 : i32
      %sign3A_161 = arith.constant 0 : i32
      %sign3A_162 = arith.cmpi sgt, %add3A_158, %sign3A_161 : i32
      %sign3A_163 = arith.extui %sign3A_162 : i1 to i32
      %sign3A_164 = arith.constant 0 : i32
      %sign3A_165 = arith.cmpi slt, %add3A_158, %sign3A_164 : i32
      %sign3A_166 = arith.extui %sign3A_165 : i1 to i32
      %sign3A_167 = arith.subi %sign3A_163, %sign3A_166 : i32
      %sign3A_168 = arith.constant 0 : i32
      %sign3A_169 = arith.cmpi sgt, %jit3A_159, %sign3A_168 : i32
      %sign3A_170 = arith.extui %sign3A_169 : i1 to i32
      %sign3A_171 = arith.constant 0 : i32
      %sign3A_172 = arith.cmpi slt, %jit3A_159, %sign3A_171 : i32
      %sign3A_173 = arith.extui %sign3A_172 : i1 to i32
      %sign3A_174 = arith.subi %sign3A_170, %sign3A_173 : i32
      %ne3A_175 = arith.cmpi ne, %sign3A_167, %sign3A_174 : i32
      %rem3A_176 = arith.remsi %add3A_158, %jit3A_159 : i32
      %ne3A_177 = arith.constant 0 : i32
      %ne3A_178 = arith.cmpi ne, %rem3A_176, %ne3A_177 : i32
      %and3A_179 = arith.andi %ne3A_175, %ne3A_178 : i1
      %sub3A_180 = arith.constant 1 : i32
      %sub3A_181 = arith.subi %div3A_160, %sub3A_180 : i32
      %select_n3A_182 = arith.select %and3A_179, %sub3A_181, %div3A_160 : i32
      %jit3A_183 = arith.constant 64 : i32
      %eq3A_184 = arith.constant 0 : i32
      %eq3A_185 = arith.cmpi eq, %jit3A_183, %eq3A_184 : i32
      %jit3A_186 = arith.constant 1 : i32
      %select_n3A_187 = arith.select %eq3A_185, %jit3A_186, %jit3A_183 : i32
      %rem3A_188 = arith.remsi %add3A_158, %select_n3A_187 : i32
      %ne3A_189 = arith.constant 0 : i32
      %ne3A_190 = arith.cmpi ne, %rem3A_188, %ne3A_189 : i32
      %lt3A_191 = arith.constant 0 : i32
      %lt3A_192 = arith.cmpi slt, %rem3A_188, %lt3A_191 : i32
      %lt3A_193 = arith.constant 0 : i32
      %lt3A_194 = arith.cmpi slt, %select_n3A_187, %lt3A_193 : i32
      %ne3A_195 = arith.xori %lt3A_192, %lt3A_194 : i1
      %and3A_196 = arith.andi %ne3A_195, %ne3A_190 : i1
      %add3A_197 = arith.addi %rem3A_188, %select_n3A_187 : i32
      %select_n3A_198 = arith.select %and3A_196, %add3A_197, %rem3A_188 : i32
      %mul3A_199 = arith.constant 256 : i32
      %mul3A_200 = arith.muli %select_n3A_198, %mul3A_199 : i32
      %dma_start3A_201 = arith.constant 0 : i32
      %dma_start3A_202 = tpu.memref_slice %arg4[%select_n3A_182, %dma_start3A_201, %mul3A_200] : memref<26x32x16384xf32, #tpu.memory_space<hbm>> -> memref<1x32x256xf32, #tpu.memory_space<hbm>>
      %dma_start3A_203 = arith.constant 0 : i32
      %dma_start3A_204 = tpu.memref_slice %arg4[%select_n3A_182, %dma_start3A_203, %mul3A_200] : memref<26x32x16384xf32, #tpu.memory_space<hbm>> -> memref<1x32x256xf32, #tpu.memory_space<hbm>>
      tpu.enqueue_dma source(%arg11 : memref<1x32x256xf32, #tpu.memory_space<vmem>>) target(%dma_start3A_204 : memref<1x32x256xf32, #tpu.memory_space<hbm>>) target_semaphore(%arg15 : memref<!tpu.dma_semaphore, #tpu.memory_space<semaphore_mem>>)
      %lt3A_205 = arith.constant 25 : i32
      %lt3A_206 = arith.cmpi slt, %scan3A_111, %lt3A_205 : i32
      %convert_element_type3A_207 = arith.extui %lt3A_206 : i1 to i32
      %cond3A_208 = arith.constant 0 : i32
      %cond3A_209 = arith.cmpi ne, %convert_element_type3A_207, %cond3A_208 : i32
      scf.if %cond3A_209 {
        %add3A_284 = arith.constant 2 : i32
        %add3A_285 = arith.addi %mul3A_113, %add3A_284 : i32
        %mul3A_286 = arith.constant 256 : i32
        %mul3A_287 = arith.muli %add3A_285, %mul3A_286 : i32
        %add3A_288 = arith.constant 0 : i32
        %add3A_289 = arith.addi %mul3A_287, %add3A_288 : i32
        %multiple_of3A_290 = tpu.assume_multiple %add3A_289, 128 : i32
        %dma_start3A_291 = tpu.memref_slice %arg6[%multiple_of3A_290] : memref<13312xi32, #tpu.memory_space<vmem>> -> memref<128xi32, #tpu.memory_space<vmem>>
        %dma_start3A_292 = arith.constant 0 : i32
        %dma_start3A_293 = arith.constant 0 : i32
        %dma_start3A_294 = tpu.memref_slice %arg3[%dma_start3A_292, %dma_start3A_293] : memref<250000x128xf32, #tpu.memory_space<hbm>> -> memref<250000x128xf32, #tpu.memory_space<hbm>>
        tpu.enqueue_indirect_dma source(%dma_start3A_294 : memref<250000x128xf32, #tpu.memory_space<hbm>>) target(%arg7 : memref<128x128xf32, #tpu.memory_space<vmem>>) offsets(%dma_start3A_291 : memref<128xi32, #tpu.memory_space<vmem>>) semaphore(%arg13 : memref<!tpu.dma_semaphore, #tpu.memory_space<semaphore_mem>>)
        %mul3A_295 = arith.constant 256 : i32
        %mul3A_296 = arith.muli %add3A_285, %mul3A_295 : i32
        %add3A_297 = arith.constant 128 : i32
        %add3A_298 = arith.addi %mul3A_296, %add3A_297 : i32
        %multiple_of3A_299 = tpu.assume_multiple %add3A_298, 128 : i32
        %dma_start3A_300 = tpu.memref_slice %arg6[%multiple_of3A_299] : memref<13312xi32, #tpu.memory_space<vmem>> -> memref<128xi32, #tpu.memory_space<vmem>>
        %dma_start3A_301 = arith.constant 0 : i32
        %dma_start3A_302 = arith.constant 0 : i32
        %dma_start3A_303 = tpu.memref_slice %arg3[%dma_start3A_301, %dma_start3A_302] : memref<250000x128xf32, #tpu.memory_space<hbm>> -> memref<250000x128xf32, #tpu.memory_space<hbm>>
        tpu.enqueue_indirect_dma source(%dma_start3A_303 : memref<250000x128xf32, #tpu.memory_space<hbm>>) target(%arg8 : memref<128x128xf32, #tpu.memory_space<vmem>>) offsets(%dma_start3A_300 : memref<128xi32, #tpu.memory_space<vmem>>) semaphore(%arg13 : memref<!tpu.dma_semaphore, #tpu.memory_space<semaphore_mem>>)
      } else {
      }
      %dma_wait3A_210 = arith.constant 0 : i32
      %dma_wait3A_211 = tpu.memref_slice %arg6[%dma_wait3A_210] : memref<13312xi32, #tpu.memory_space<vmem>> -> memref<128xi32, #tpu.memory_space<vmem>>
      %dma_wait3A_212 = arith.constant 0 : i32
      %dma_wait3A_213 = arith.constant 0 : i32
      %dma_wait3A_214 = tpu.memref_slice %arg3[%dma_wait3A_212, %dma_wait3A_213] : memref<250000x128xf32, #tpu.memory_space<hbm>> -> memref<250000x128xf32, #tpu.memory_space<hbm>>
      tpu.wait_indirect_dma semaphore(%arg14 : memref<!tpu.dma_semaphore, #tpu.memory_space<semaphore_mem>>) src(%dma_wait3A_214 : memref<250000x128xf32, #tpu.memory_space<hbm>>) dst(%arg9 : memref<128x128xf32, #tpu.memory_space<vmem>>)
      %dma_wait3A_215 = arith.constant 0 : i32
      %dma_wait3A_216 = tpu.memref_slice %arg6[%dma_wait3A_215] : memref<13312xi32, #tpu.memory_space<vmem>> -> memref<128xi32, #tpu.memory_space<vmem>>
      %dma_wait3A_217 = arith.constant 0 : i32
      %dma_wait3A_218 = arith.constant 0 : i32
      %dma_wait3A_219 = tpu.memref_slice %arg3[%dma_wait3A_217, %dma_wait3A_218] : memref<250000x128xf32, #tpu.memory_space<hbm>> -> memref<250000x128xf32, #tpu.memory_space<hbm>>
      tpu.wait_indirect_dma semaphore(%arg14 : memref<!tpu.dma_semaphore, #tpu.memory_space<semaphore_mem>>) src(%dma_wait3A_219 : memref<250000x128xf32, #tpu.memory_space<hbm>>) dst(%arg10 : memref<128x128xf32, #tpu.memory_space<vmem>>)
      %gt3A_220 = arith.constant 0 : i32
      %gt3A_221 = arith.cmpi sgt, %scan3A_111, %gt3A_220 : i32
      %convert_element_type3A_222 = arith.extui %gt3A_221 : i1 to i32
      %cond3A_223 = arith.constant 0 : i32
      %cond3A_224 = arith.cmpi ne, %convert_element_type3A_222, %cond3A_223 : i32
      scf.if %cond3A_224 {
        %add3A_284 = arith.constant 0 : i32
        %add3A_285 = arith.addi %mul3A_4, %add3A_284 : i32
        %jit3A_286 = arith.constant 64 : i32
        %div3A_287 = arith.divsi %add3A_285, %jit3A_286 : i32
        %sign3A_288 = arith.constant 0 : i32
        %sign3A_289 = arith.cmpi sgt, %add3A_285, %sign3A_288 : i32
        %sign3A_290 = arith.extui %sign3A_289 : i1 to i32
        %sign3A_291 = arith.constant 0 : i32
        %sign3A_292 = arith.cmpi slt, %add3A_285, %sign3A_291 : i32
        %sign3A_293 = arith.extui %sign3A_292 : i1 to i32
        %sign3A_294 = arith.subi %sign3A_290, %sign3A_293 : i32
        %sign3A_295 = arith.constant 0 : i32
        %sign3A_296 = arith.cmpi sgt, %jit3A_286, %sign3A_295 : i32
        %sign3A_297 = arith.extui %sign3A_296 : i1 to i32
        %sign3A_298 = arith.constant 0 : i32
        %sign3A_299 = arith.cmpi slt, %jit3A_286, %sign3A_298 : i32
        %sign3A_300 = arith.extui %sign3A_299 : i1 to i32
        %sign3A_301 = arith.subi %sign3A_297, %sign3A_300 : i32
        %ne3A_302 = arith.cmpi ne, %sign3A_294, %sign3A_301 : i32
        %rem3A_303 = arith.remsi %add3A_285, %jit3A_286 : i32
        %ne3A_304 = arith.constant 0 : i32
        %ne3A_305 = arith.cmpi ne, %rem3A_303, %ne3A_304 : i32
        %and3A_306 = arith.andi %ne3A_302, %ne3A_305 : i1
        %sub3A_307 = arith.constant 1 : i32
        %sub3A_308 = arith.subi %div3A_287, %sub3A_307 : i32
        %select_n3A_309 = arith.select %and3A_306, %sub3A_308, %div3A_287 : i32
        %jit3A_310 = arith.constant 64 : i32
        %eq3A_311 = arith.constant 0 : i32
        %eq3A_312 = arith.cmpi eq, %jit3A_310, %eq3A_311 : i32
        %jit3A_313 = arith.constant 1 : i32
        %select_n3A_314 = arith.select %eq3A_312, %jit3A_313, %jit3A_310 : i32
        %rem3A_315 = arith.remsi %add3A_285, %select_n3A_314 : i32
        %ne3A_316 = arith.constant 0 : i32
        %ne3A_317 = arith.cmpi ne, %rem3A_315, %ne3A_316 : i32
        %lt3A_318 = arith.constant 0 : i32
        %lt3A_319 = arith.cmpi slt, %rem3A_315, %lt3A_318 : i32
        %lt3A_320 = arith.constant 0 : i32
        %lt3A_321 = arith.cmpi slt, %select_n3A_314, %lt3A_320 : i32
        %ne3A_322 = arith.xori %lt3A_319, %lt3A_321 : i1
        %and3A_323 = arith.andi %ne3A_322, %ne3A_317 : i1
        %add3A_324 = arith.addi %rem3A_315, %select_n3A_314 : i32
        %select_n3A_325 = arith.select %and3A_323, %add3A_324, %rem3A_315 : i32
        %mul3A_326 = arith.constant 256 : i32
        %mul3A_327 = arith.muli %select_n3A_325, %mul3A_326 : i32
        %dma_wait3A_328 = arith.constant 0 : i32
        %dma_wait3A_329 = tpu.memref_slice %arg4[%select_n3A_309, %dma_wait3A_328, %mul3A_327] : memref<26x32x16384xf32, #tpu.memory_space<hbm>> -> memref<1x32x256xf32, #tpu.memory_space<hbm>>
        %dma_wait3A_330 = arith.constant 0 : i32
        %dma_wait3A_331 = tpu.memref_slice %arg4[%select_n3A_309, %dma_wait3A_330, %mul3A_327] : memref<26x32x16384xf32, #tpu.memory_space<hbm>> -> memref<1x32x256xf32, #tpu.memory_space<hbm>>
        tpu.wait_dma2 semaphore(%arg16 : memref<!tpu.dma_semaphore, #tpu.memory_space<semaphore_mem>>) src(%arg12 : memref<1x32x256xf32, #tpu.memory_space<vmem>>) dst(%dma_wait3A_331 : memref<1x32x256xf32, #tpu.memory_space<hbm>>)
      } else {
      }
      %scan3A_225 = arith.constant 0 : i32
      %scan3A_226 = arith.constant 0 : i32
      %scan3A_227 = arith.constant 8 : i32
      %scan3A_228 = arith.addi %scan3A_226, %scan3A_227 : i32
      %scan3A_229 = arith.constant 1 : i32
      scf.for %scan3A_284 = %scan3A_226 to %scan3A_228 step %scan3A_229  : i32 {
        %mul3A_285 = arith.constant 16 : i32
        %mul3A_286 = arith.muli %scan3A_284, %mul3A_285 : i32
        %multiple_of3A_287 = tpu.assume_multiple %mul3A_286, 16 : i32
        %mul3A_288 = arith.constant 256 : i32
        %mul3A_289 = arith.muli %add3A_115, %mul3A_288 : i32
        %add3A_290 = arith.constant 0 : i32
        %add3A_291 = arith.addi %mul3A_289, %add3A_290 : i32
        %add3A_292 = arith.addi %add3A_291, %multiple_of3A_287 : i32
        %get3A = arith.index_cast %add3A_292 : i32 to index
        %get3A_293 = tpu.vector_load %arg5[%get3A] {strides = array<i32>} : memref<13312xi32, #tpu.memory_space<vmem>>, vector<16xi32>,
        %and3A_294 = arith.constant 3 : i32
        %and3A_295 = vector.broadcast %and3A_294 : i32 to vector<16xi32>
        %and3A_296 = arith.andi %get3A_293, %and3A_295 : vector<16xi32>
        %shift_left3A = arith.constant 5 : i32
        %shift_left3A_297 = vector.broadcast %shift_left3A : i32 to vector<16xi32>
        %shift_left3A_298 = arith.shli %and3A_296, %shift_left3A_297 : vector<16xi32>
        %add3A_299 = vector.broadcast %multiple_of3A_287 : i32 to vector<16xi32>
        %add3A_300 = arith.addi %add3A_299, %iota3A : vector<16xi32>
        %add3A_301 = arith.constant 0 : i32
        %add3A_302 = vector.broadcast %add3A_301 : i32 to vector<16xi32>
        %add3A_303 = arith.addi %shift_left3A_298, %add3A_302 : vector<16xi32>
        %gather3A = tpu.vector_load_idx %arg9[%add3A_300, %add3A_303] : memref<128x128xf32, #tpu.memory_space<vmem>>[vector<16xi32>, vector<16xi32>], vector<16xf32>,
        %add3A_304 = arith.constant 1 : i32
        %add3A_305 = vector.broadcast %add3A_304 : i32 to vector<16xi32>
        %add3A_306 = arith.addi %shift_left3A_298, %add3A_305 : vector<16xi32>
        %gather3A_307 = tpu.vector_load_idx %arg9[%add3A_300, %add3A_306] : memref<128x128xf32, #tpu.memory_space<vmem>>[vector<16xi32>, vector<16xi32>], vector<16xf32>,
        %add3A_308 = arith.constant 2 : i32
        %add3A_309 = vector.broadcast %add3A_308 : i32 to vector<16xi32>
        %add3A_310 = arith.addi %shift_left3A_298, %add3A_309 : vector<16xi32>
        %gather3A_311 = tpu.vector_load_idx %arg9[%add3A_300, %add3A_310] : memref<128x128xf32, #tpu.memory_space<vmem>>[vector<16xi32>, vector<16xi32>], vector<16xf32>,
        %add3A_312 = arith.constant 3 : i32
        %add3A_313 = vector.broadcast %add3A_312 : i32 to vector<16xi32>
        %add3A_314 = arith.addi %shift_left3A_298, %add3A_313 : vector<16xi32>
        %gather3A_315 = tpu.vector_load_idx %arg9[%add3A_300, %add3A_314] : memref<128x128xf32, #tpu.memory_space<vmem>>[vector<16xi32>, vector<16xi32>], vector<16xf32>,
        %add3A_316 = arith.constant 4 : i32
        %add3A_317 = vector.broadcast %add3A_316 : i32 to vector<16xi32>
        %add3A_318 = arith.addi %shift_left3A_298, %add3A_317 : vector<16xi32>
        %gather3A_319 = tpu.vector_load_idx %arg9[%add3A_300, %add3A_318] : memref<128x128xf32, #tpu.memory_space<vmem>>[vector<16xi32>, vector<16xi32>], vector<16xf32>,
        %add3A_320 = arith.constant 5 : i32
        %add3A_321 = vector.broadcast %add3A_320 : i32 to vector<16xi32>
        %add3A_322 = arith.addi %shift_left3A_298, %add3A_321 : vector<16xi32>
        %gather3A_323 = tpu.vector_load_idx %arg9[%add3A_300, %add3A_322] : memref<128x128xf32, #tpu.memory_space<vmem>>[vector<16xi32>, vector<16xi32>], vector<16xf32>,
        %add3A_324 = arith.constant 6 : i32
        %add3A_325 = vector.broadcast %add3A_324 : i32 to vector<16xi32>
        %add3A_326 = arith.addi %shift_left3A_298, %add3A_325 : vector<16xi32>
        %gather3A_327 = tpu.vector_load_idx %arg9[%add3A_300, %add3A_326] : memref<128x128xf32, #tpu.memory_space<vmem>>[vector<16xi32>, vector<16xi32>], vector<16xf32>,
        %add3A_328 = arith.constant 7 : i32
        %add3A_329 = vector.broadcast %add3A_328 : i32 to vector<16xi32>
        %add3A_330 = arith.addi %shift_left3A_298, %add3A_329 : vector<16xi32>
        %gather3A_331 = tpu.vector_load_idx %arg9[%add3A_300, %add3A_330] : memref<128x128xf32, #tpu.memory_space<vmem>>[vector<16xi32>, vector<16xi32>], vector<16xf32>,
        %add3A_332 = arith.constant 8 : i32
        %add3A_333 = vector.broadcast %add3A_332 : i32 to vector<16xi32>
        %add3A_334 = arith.addi %shift_left3A_298, %add3A_333 : vector<16xi32>
        %gather3A_335 = tpu.vector_load_idx %arg9[%add3A_300, %add3A_334] : memref<128x128xf32, #tpu.memory_space<vmem>>[vector<16xi32>, vector<16xi32>], vector<16xf32>,
        %add3A_336 = arith.constant 9 : i32
        %add3A_337 = vector.broadcast %add3A_336 : i32 to vector<16xi32>
        %add3A_338 = arith.addi %shift_left3A_298, %add3A_337 : vector<16xi32>
        %gather3A_339 = tpu.vector_load_idx %arg9[%add3A_300, %add3A_338] : memref<128x128xf32, #tpu.memory_space<vmem>>[vector<16xi32>, vector<16xi32>], vector<16xf32>,
        %add3A_340 = arith.constant 10 : i32
        %add3A_341 = vector.broadcast %add3A_340 : i32 to vector<16xi32>
        %add3A_342 = arith.addi %shift_left3A_298, %add3A_341 : vector<16xi32>
        %gather3A_343 = tpu.vector_load_idx %arg9[%add3A_300, %add3A_342] : memref<128x128xf32, #tpu.memory_space<vmem>>[vector<16xi32>, vector<16xi32>], vector<16xf32>,
        %add3A_344 = arith.constant 11 : i32
        %add3A_345 = vector.broadcast %add3A_344 : i32 to vector<16xi32>
        %add3A_346 = arith.addi %shift_left3A_298, %add3A_345 : vector<16xi32>
        %gather3A_347 = tpu.vector_load_idx %arg9[%add3A_300, %add3A_346] : memref<128x128xf32, #tpu.memory_space<vmem>>[vector<16xi32>, vector<16xi32>], vector<16xf32>,
        %add3A_348 = arith.constant 12 : i32
        %add3A_349 = vector.broadcast %add3A_348 : i32 to vector<16xi32>
        %add3A_350 = arith.addi %shift_left3A_298, %add3A_349 : vector<16xi32>
        %gather3A_351 = tpu.vector_load_idx %arg9[%add3A_300, %add3A_350] : memref<128x128xf32, #tpu.memory_space<vmem>>[vector<16xi32>, vector<16xi32>], vector<16xf32>,
        %add3A_352 = arith.constant 13 : i32
        %add3A_353 = vector.broadcast %add3A_352 : i32 to vector<16xi32>
        %add3A_354 = arith.addi %shift_left3A_298, %add3A_353 : vector<16xi32>
        %gather3A_355 = tpu.vector_load_idx %arg9[%add3A_300, %add3A_354] : memref<128x128xf32, #tpu.memory_space<vmem>>[vector<16xi32>, vector<16xi32>], vector<16xf32>,
        %add3A_356 = arith.constant 14 : i32
        %add3A_357 = vector.broadcast %add3A_356 : i32 to vector<16xi32>
        %add3A_358 = arith.addi %shift_left3A_298, %add3A_357 : vector<16xi32>
        %gather3A_359 = tpu.vector_load_idx %arg9[%add3A_300, %add3A_358] : memref<128x128xf32, #tpu.memory_space<vmem>>[vector<16xi32>, vector<16xi32>], vector<16xf32>,
        %add3A_360 = arith.constant 15 : i32
        %add3A_361 = vector.broadcast %add3A_360 : i32 to vector<16xi32>
        %add3A_362 = arith.addi %shift_left3A_298, %add3A_361 : vector<16xi32>
        %gather3A_363 = tpu.vector_load_idx %arg9[%add3A_300, %add3A_362] : memref<128x128xf32, #tpu.memory_space<vmem>>[vector<16xi32>, vector<16xi32>], vector<16xf32>,
        %add3A_364 = arith.constant 16 : i32
        %add3A_365 = vector.broadcast %add3A_364 : i32 to vector<16xi32>
        %add3A_366 = arith.addi %shift_left3A_298, %add3A_365 : vector<16xi32>
        %gather3A_367 = tpu.vector_load_idx %arg9[%add3A_300, %add3A_366] : memref<128x128xf32, #tpu.memory_space<vmem>>[vector<16xi32>, vector<16xi32>], vector<16xf32>,
        %add3A_368 = arith.constant 17 : i32
        %add3A_369 = vector.broadcast %add3A_368 : i32 to vector<16xi32>
        %add3A_370 = arith.addi %shift_left3A_298, %add3A_369 : vector<16xi32>
        %gather3A_371 = tpu.vector_load_idx %arg9[%add3A_300, %add3A_370] : memref<128x128xf32, #tpu.memory_space<vmem>>[vector<16xi32>, vector<16xi32>], vector<16xf32>,
        %add3A_372 = arith.constant 18 : i32
        %add3A_373 = vector.broadcast %add3A_372 : i32 to vector<16xi32>
        %add3A_374 = arith.addi %shift_left3A_298, %add3A_373 : vector<16xi32>
        %gather3A_375 = tpu.vector_load_idx %arg9[%add3A_300, %add3A_374] : memref<128x128xf32, #tpu.memory_space<vmem>>[vector<16xi32>, vector<16xi32>], vector<16xf32>,
        %add3A_376 = arith.constant 19 : i32
        %add3A_377 = vector.broadcast %add3A_376 : i32 to vector<16xi32>
        %add3A_378 = arith.addi %shift_left3A_298, %add3A_377 : vector<16xi32>
        %gather3A_379 = tpu.vector_load_idx %arg9[%add3A_300, %add3A_378] : memref<128x128xf32, #tpu.memory_space<vmem>>[vector<16xi32>, vector<16xi32>], vector<16xf32>,
        %add3A_380 = arith.constant 20 : i32
        %add3A_381 = vector.broadcast %add3A_380 : i32 to vector<16xi32>
        %add3A_382 = arith.addi %shift_left3A_298, %add3A_381 : vector<16xi32>
        %gather3A_383 = tpu.vector_load_idx %arg9[%add3A_300, %add3A_382] : memref<128x128xf32, #tpu.memory_space<vmem>>[vector<16xi32>, vector<16xi32>], vector<16xf32>,
        %add3A_384 = arith.constant 21 : i32
        %add3A_385 = vector.broadcast %add3A_384 : i32 to vector<16xi32>
        %add3A_386 = arith.addi %shift_left3A_298, %add3A_385 : vector<16xi32>
        %gather3A_387 = tpu.vector_load_idx %arg9[%add3A_300, %add3A_386] : memref<128x128xf32, #tpu.memory_space<vmem>>[vector<16xi32>, vector<16xi32>], vector<16xf32>,
        %add3A_388 = arith.constant 22 : i32
        %add3A_389 = vector.broadcast %add3A_388 : i32 to vector<16xi32>
        %add3A_390 = arith.addi %shift_left3A_298, %add3A_389 : vector<16xi32>
        %gather3A_391 = tpu.vector_load_idx %arg9[%add3A_300, %add3A_390] : memref<128x128xf32, #tpu.memory_space<vmem>>[vector<16xi32>, vector<16xi32>], vector<16xf32>,
        %add3A_392 = arith.constant 23 : i32
        %add3A_393 = vector.broadcast %add3A_392 : i32 to vector<16xi32>
        %add3A_394 = arith.addi %shift_left3A_298, %add3A_393 : vector<16xi32>
        %gather3A_395 = tpu.vector_load_idx %arg9[%add3A_300, %add3A_394] : memref<128x128xf32, #tpu.memory_space<vmem>>[vector<16xi32>, vector<16xi32>], vector<16xf32>,
        %add3A_396 = arith.constant 24 : i32
        %add3A_397 = vector.broadcast %add3A_396 : i32 to vector<16xi32>
        %add3A_398 = arith.addi %shift_left3A_298, %add3A_397 : vector<16xi32>
        %gather3A_399 = tpu.vector_load_idx %arg9[%add3A_300, %add3A_398] : memref<128x128xf32, #tpu.memory_space<vmem>>[vector<16xi32>, vector<16xi32>], vector<16xf32>,
        %add3A_400 = arith.constant 25 : i32
        %add3A_401 = vector.broadcast %add3A_400 : i32 to vector<16xi32>
        %add3A_402 = arith.addi %shift_left3A_298, %add3A_401 : vector<16xi32>
        %gather3A_403 = tpu.vector_load_idx %arg9[%add3A_300, %add3A_402] : memref<128x128xf32, #tpu.memory_space<vmem>>[vector<16xi32>, vector<16xi32>], vector<16xf32>,
        %add3A_404 = arith.constant 26 : i32
        %add3A_405 = vector.broadcast %add3A_404 : i32 to vector<16xi32>
        %add3A_406 = arith.addi %shift_left3A_298, %add3A_405 : vector<16xi32>
        %gather3A_407 = tpu.vector_load_idx %arg9[%add3A_300, %add3A_406] : memref<128x128xf32, #tpu.memory_space<vmem>>[vector<16xi32>, vector<16xi32>], vector<16xf32>,
        %add3A_408 = arith.constant 27 : i32
        %add3A_409 = vector.broadcast %add3A_408 : i32 to vector<16xi32>
        %add3A_410 = arith.addi %shift_left3A_298, %add3A_409 : vector<16xi32>
        %gather3A_411 = tpu.vector_load_idx %arg9[%add3A_300, %add3A_410] : memref<128x128xf32, #tpu.memory_space<vmem>>[vector<16xi32>, vector<16xi32>], vector<16xf32>,
        %add3A_412 = arith.constant 28 : i32
        %add3A_413 = vector.broadcast %add3A_412 : i32 to vector<16xi32>
        %add3A_414 = arith.addi %shift_left3A_298, %add3A_413 : vector<16xi32>
        %gather3A_415 = tpu.vector_load_idx %arg9[%add3A_300, %add3A_414] : memref<128x128xf32, #tpu.memory_space<vmem>>[vector<16xi32>, vector<16xi32>], vector<16xf32>,
        %add3A_416 = arith.constant 29 : i32
        %add3A_417 = vector.broadcast %add3A_416 : i32 to vector<16xi32>
        %add3A_418 = arith.addi %shift_left3A_298, %add3A_417 : vector<16xi32>
        %gather3A_419 = tpu.vector_load_idx %arg9[%add3A_300, %add3A_418] : memref<128x128xf32, #tpu.memory_space<vmem>>[vector<16xi32>, vector<16xi32>], vector<16xf32>,
        %add3A_420 = arith.constant 30 : i32
        %add3A_421 = vector.broadcast %add3A_420 : i32 to vector<16xi32>
        %add3A_422 = arith.addi %shift_left3A_298, %add3A_421 : vector<16xi32>
        %gather3A_423 = tpu.vector_load_idx %arg9[%add3A_300, %add3A_422] : memref<128x128xf32, #tpu.memory_space<vmem>>[vector<16xi32>, vector<16xi32>], vector<16xf32>,
        %add3A_424 = arith.constant 31 : i32
        %add3A_425 = vector.broadcast %add3A_424 : i32 to vector<16xi32>
        %add3A_426 = arith.addi %shift_left3A_298, %add3A_425 : vector<16xi32>
        %gather3A_427 = tpu.vector_load_idx %arg9[%add3A_300, %add3A_426] : memref<128x128xf32, #tpu.memory_space<vmem>>[vector<16xi32>, vector<16xi32>], vector<16xf32>,
        %add3A_428 = arith.constant 0 : i32
        %add3A_429 = arith.addi %add3A_428, %multiple_of3A_287 : i32
        %swap3A = arith.constant 0 : i32
        %swap3A_430 = arith.constant 0 : i32
        %swap3A_431 = arith.index_cast %swap3A : i32 to index
        %swap3A_432 = arith.index_cast %swap3A_430 : i32 to index
        %swap3A_433 = arith.index_cast %add3A_429 : i32 to index
        %swap3A_434 = tpu.vector_load %arg12[%swap3A_431, %swap3A_432, %swap3A_433] {strides = array<i32>} : memref<1x32x256xf32, #tpu.memory_space<vmem>>, vector<16xf32>,
        tpu.vector_store %arg12[%swap3A_431, %swap3A_432, %swap3A_433], %gather3A {strides = array<i32>} : memref<1x32x256xf32, #tpu.memory_space<vmem>>, vector<16xf32>,
        %add3A_435 = arith.constant 0 : i32
        %add3A_436 = arith.addi %add3A_435, %multiple_of3A_287 : i32
        %swap3A_437 = arith.constant 0 : i32
        %swap3A_438 = arith.constant 1 : i32
        %swap3A_439 = arith.index_cast %swap3A_437 : i32 to index
        %swap3A_440 = arith.index_cast %swap3A_438 : i32 to index
        %swap3A_441 = arith.index_cast %add3A_436 : i32 to index
        %swap3A_442 = tpu.vector_load %arg12[%swap3A_439, %swap3A_440, %swap3A_441] {strides = array<i32>} : memref<1x32x256xf32, #tpu.memory_space<vmem>>, vector<16xf32>,
        tpu.vector_store %arg12[%swap3A_439, %swap3A_440, %swap3A_441], %gather3A_307 {strides = array<i32>} : memref<1x32x256xf32, #tpu.memory_space<vmem>>, vector<16xf32>,
        %add3A_443 = arith.constant 0 : i32
        %add3A_444 = arith.addi %add3A_443, %multiple_of3A_287 : i32
        %swap3A_445 = arith.constant 0 : i32
        %swap3A_446 = arith.constant 2 : i32
        %swap3A_447 = arith.index_cast %swap3A_445 : i32 to index
        %swap3A_448 = arith.index_cast %swap3A_446 : i32 to index
        %swap3A_449 = arith.index_cast %add3A_444 : i32 to index
        %swap3A_450 = tpu.vector_load %arg12[%swap3A_447, %swap3A_448, %swap3A_449] {strides = array<i32>} : memref<1x32x256xf32, #tpu.memory_space<vmem>>, vector<16xf32>,
        tpu.vector_store %arg12[%swap3A_447, %swap3A_448, %swap3A_449], %gather3A_311 {strides = array<i32>} : memref<1x32x256xf32, #tpu.memory_space<vmem>>, vector<16xf32>,
        %add3A_451 = arith.constant 0 : i32
        %add3A_452 = arith.addi %add3A_451, %multiple_of3A_287 : i32
        %swap3A_453 = arith.constant 0 : i32
        %swap3A_454 = arith.constant 3 : i32
        %swap3A_455 = arith.index_cast %swap3A_453 : i32 to index
        %swap3A_456 = arith.index_cast %swap3A_454 : i32 to index
        %swap3A_457 = arith.index_cast %add3A_452 : i32 to index
        %swap3A_458 = tpu.vector_load %arg12[%swap3A_455, %swap3A_456, %swap3A_457] {strides = array<i32>} : memref<1x32x256xf32, #tpu.memory_space<vmem>>, vector<16xf32>,
        tpu.vector_store %arg12[%swap3A_455, %swap3A_456, %swap3A_457], %gather3A_315 {strides = array<i32>} : memref<1x32x256xf32, #tpu.memory_space<vmem>>, vector<16xf32>,
        %add3A_459 = arith.constant 0 : i32
        %add3A_460 = arith.addi %add3A_459, %multiple_of3A_287 : i32
        %swap3A_461 = arith.constant 0 : i32
        %swap3A_462 = arith.constant 4 : i32
        %swap3A_463 = arith.index_cast %swap3A_461 : i32 to index
        %swap3A_464 = arith.index_cast %swap3A_462 : i32 to index
        %swap3A_465 = arith.index_cast %add3A_460 : i32 to index
        %swap3A_466 = tpu.vector_load %arg12[%swap3A_463, %swap3A_464, %swap3A_465] {strides = array<i32>} : memref<1x32x256xf32, #tpu.memory_space<vmem>>, vector<16xf32>,
        tpu.vector_store %arg12[%swap3A_463, %swap3A_464, %swap3A_465], %gather3A_319 {strides = array<i32>} : memref<1x32x256xf32, #tpu.memory_space<vmem>>, vector<16xf32>,
        %add3A_467 = arith.constant 0 : i32
        %add3A_468 = arith.addi %add3A_467, %multiple_of3A_287 : i32
        %swap3A_469 = arith.constant 0 : i32
        %swap3A_470 = arith.constant 5 : i32
        %swap3A_471 = arith.index_cast %swap3A_469 : i32 to index
        %swap3A_472 = arith.index_cast %swap3A_470 : i32 to index
        %swap3A_473 = arith.index_cast %add3A_468 : i32 to index
        %swap3A_474 = tpu.vector_load %arg12[%swap3A_471, %swap3A_472, %swap3A_473] {strides = array<i32>} : memref<1x32x256xf32, #tpu.memory_space<vmem>>, vector<16xf32>,
        tpu.vector_store %arg12[%swap3A_471, %swap3A_472, %swap3A_473], %gather3A_323 {strides = array<i32>} : memref<1x32x256xf32, #tpu.memory_space<vmem>>, vector<16xf32>,
        %add3A_475 = arith.constant 0 : i32
        %add3A_476 = arith.addi %add3A_475, %multiple_of3A_287 : i32
        %swap3A_477 = arith.constant 0 : i32
        %swap3A_478 = arith.constant 6 : i32
        %swap3A_479 = arith.index_cast %swap3A_477 : i32 to index
        %swap3A_480 = arith.index_cast %swap3A_478 : i32 to index
        %swap3A_481 = arith.index_cast %add3A_476 : i32 to index
        %swap3A_482 = tpu.vector_load %arg12[%swap3A_479, %swap3A_480, %swap3A_481] {strides = array<i32>} : memref<1x32x256xf32, #tpu.memory_space<vmem>>, vector<16xf32>,
        tpu.vector_store %arg12[%swap3A_479, %swap3A_480, %swap3A_481], %gather3A_327 {strides = array<i32>} : memref<1x32x256xf32, #tpu.memory_space<vmem>>, vector<16xf32>,
        %add3A_483 = arith.constant 0 : i32
        %add3A_484 = arith.addi %add3A_483, %multiple_of3A_287 : i32
        %swap3A_485 = arith.constant 0 : i32
        %swap3A_486 = arith.constant 7 : i32
        %swap3A_487 = arith.index_cast %swap3A_485 : i32 to index
        %swap3A_488 = arith.index_cast %swap3A_486 : i32 to index
        %swap3A_489 = arith.index_cast %add3A_484 : i32 to index
        %swap3A_490 = tpu.vector_load %arg12[%swap3A_487, %swap3A_488, %swap3A_489] {strides = array<i32>} : memref<1x32x256xf32, #tpu.memory_space<vmem>>, vector<16xf32>,
        tpu.vector_store %arg12[%swap3A_487, %swap3A_488, %swap3A_489], %gather3A_331 {strides = array<i32>} : memref<1x32x256xf32, #tpu.memory_space<vmem>>, vector<16xf32>,
        %add3A_491 = arith.constant 0 : i32
        %add3A_492 = arith.addi %add3A_491, %multiple_of3A_287 : i32
        %swap3A_493 = arith.constant 0 : i32
        %swap3A_494 = arith.constant 8 : i32
        %swap3A_495 = arith.index_cast %swap3A_493 : i32 to index
        %swap3A_496 = arith.index_cast %swap3A_494 : i32 to index
        %swap3A_497 = arith.index_cast %add3A_492 : i32 to index
        %swap3A_498 = tpu.vector_load %arg12[%swap3A_495, %swap3A_496, %swap3A_497] {strides = array<i32>} : memref<1x32x256xf32, #tpu.memory_space<vmem>>, vector<16xf32>,
        tpu.vector_store %arg12[%swap3A_495, %swap3A_496, %swap3A_497], %gather3A_335 {strides = array<i32>} : memref<1x32x256xf32, #tpu.memory_space<vmem>>, vector<16xf32>,
        %add3A_499 = arith.constant 0 : i32
        %add3A_500 = arith.addi %add3A_499, %multiple_of3A_287 : i32
        %swap3A_501 = arith.constant 0 : i32
        %swap3A_502 = arith.constant 9 : i32
        %swap3A_503 = arith.index_cast %swap3A_501 : i32 to index
        %swap3A_504 = arith.index_cast %swap3A_502 : i32 to index
        %swap3A_505 = arith.index_cast %add3A_500 : i32 to index
        %swap3A_506 = tpu.vector_load %arg12[%swap3A_503, %swap3A_504, %swap3A_505] {strides = array<i32>} : memref<1x32x256xf32, #tpu.memory_space<vmem>>, vector<16xf32>,
        tpu.vector_store %arg12[%swap3A_503, %swap3A_504, %swap3A_505], %gather3A_339 {strides = array<i32>} : memref<1x32x256xf32, #tpu.memory_space<vmem>>, vector<16xf32>,
        %add3A_507 = arith.constant 0 : i32
        %add3A_508 = arith.addi %add3A_507, %multiple_of3A_287 : i32
        %swap3A_509 = arith.constant 0 : i32
        %swap3A_510 = arith.constant 10 : i32
        %swap3A_511 = arith.index_cast %swap3A_509 : i32 to index
        %swap3A_512 = arith.index_cast %swap3A_510 : i32 to index
        %swap3A_513 = arith.index_cast %add3A_508 : i32 to index
        %swap3A_514 = tpu.vector_load %arg12[%swap3A_511, %swap3A_512, %swap3A_513] {strides = array<i32>} : memref<1x32x256xf32, #tpu.memory_space<vmem>>, vector<16xf32>,
        tpu.vector_store %arg12[%swap3A_511, %swap3A_512, %swap3A_513], %gather3A_343 {strides = array<i32>} : memref<1x32x256xf32, #tpu.memory_space<vmem>>, vector<16xf32>,
        %add3A_515 = arith.constant 0 : i32
        %add3A_516 = arith.addi %add3A_515, %multiple_of3A_287 : i32
        %swap3A_517 = arith.constant 0 : i32
        %swap3A_518 = arith.constant 11 : i32
        %swap3A_519 = arith.index_cast %swap3A_517 : i32 to index
        %swap3A_520 = arith.index_cast %swap3A_518 : i32 to index
        %swap3A_521 = arith.index_cast %add3A_516 : i32 to index
        %swap3A_522 = tpu.vector_load %arg12[%swap3A_519, %swap3A_520, %swap3A_521] {strides = array<i32>} : memref<1x32x256xf32, #tpu.memory_space<vmem>>, vector<16xf32>,
        tpu.vector_store %arg12[%swap3A_519, %swap3A_520, %swap3A_521], %gather3A_347 {strides = array<i32>} : memref<1x32x256xf32, #tpu.memory_space<vmem>>, vector<16xf32>,
        %add3A_523 = arith.constant 0 : i32
        %add3A_524 = arith.addi %add3A_523, %multiple_of3A_287 : i32
        %swap3A_525 = arith.constant 0 : i32
        %swap3A_526 = arith.constant 12 : i32
        %swap3A_527 = arith.index_cast %swap3A_525 : i32 to index
        %swap3A_528 = arith.index_cast %swap3A_526 : i32 to index
        %swap3A_529 = arith.index_cast %add3A_524 : i32 to index
        %swap3A_530 = tpu.vector_load %arg12[%swap3A_527, %swap3A_528, %swap3A_529] {strides = array<i32>} : memref<1x32x256xf32, #tpu.memory_space<vmem>>, vector<16xf32>,
        tpu.vector_store %arg12[%swap3A_527, %swap3A_528, %swap3A_529], %gather3A_351 {strides = array<i32>} : memref<1x32x256xf32, #tpu.memory_space<vmem>>, vector<16xf32>,
        %add3A_531 = arith.constant 0 : i32
        %add3A_532 = arith.addi %add3A_531, %multiple_of3A_287 : i32
        %swap3A_533 = arith.constant 0 : i32
        %swap3A_534 = arith.constant 13 : i32
        %swap3A_535 = arith.index_cast %swap3A_533 : i32 to index
        %swap3A_536 = arith.index_cast %swap3A_534 : i32 to index
        %swap3A_537 = arith.index_cast %add3A_532 : i32 to index
        %swap3A_538 = tpu.vector_load %arg12[%swap3A_535, %swap3A_536, %swap3A_537] {strides = array<i32>} : memref<1x32x256xf32, #tpu.memory_space<vmem>>, vector<16xf32>,
        tpu.vector_store %arg12[%swap3A_535, %swap3A_536, %swap3A_537], %gather3A_355 {strides = array<i32>} : memref<1x32x256xf32, #tpu.memory_space<vmem>>, vector<16xf32>,
        %add3A_539 = arith.constant 0 : i32
        %add3A_540 = arith.addi %add3A_539, %multiple_of3A_287 : i32
        %swap3A_541 = arith.constant 0 : i32
        %swap3A_542 = arith.constant 14 : i32
        %swap3A_543 = arith.index_cast %swap3A_541 : i32 to index
        %swap3A_544 = arith.index_cast %swap3A_542 : i32 to index
        %swap3A_545 = arith.index_cast %add3A_540 : i32 to index
        %swap3A_546 = tpu.vector_load %arg12[%swap3A_543, %swap3A_544, %swap3A_545] {strides = array<i32>} : memref<1x32x256xf32, #tpu.memory_space<vmem>>, vector<16xf32>,
        tpu.vector_store %arg12[%swap3A_543, %swap3A_544, %swap3A_545], %gather3A_359 {strides = array<i32>} : memref<1x32x256xf32, #tpu.memory_space<vmem>>, vector<16xf32>,
        %add3A_547 = arith.constant 0 : i32
        %add3A_548 = arith.addi %add3A_547, %multiple_of3A_287 : i32
        %swap3A_549 = arith.constant 0 : i32
        %swap3A_550 = arith.constant 15 : i32
        %swap3A_551 = arith.index_cast %swap3A_549 : i32 to index
        %swap3A_552 = arith.index_cast %swap3A_550 : i32 to index
        %swap3A_553 = arith.index_cast %add3A_548 : i32 to index
        %swap3A_554 = tpu.vector_load %arg12[%swap3A_551, %swap3A_552, %swap3A_553] {strides = array<i32>} : memref<1x32x256xf32, #tpu.memory_space<vmem>>, vector<16xf32>,
        tpu.vector_store %arg12[%swap3A_551, %swap3A_552, %swap3A_553], %gather3A_363 {strides = array<i32>} : memref<1x32x256xf32, #tpu.memory_space<vmem>>, vector<16xf32>,
        %add3A_555 = arith.constant 0 : i32
        %add3A_556 = arith.addi %add3A_555, %multiple_of3A_287 : i32
        %swap3A_557 = arith.constant 0 : i32
        %swap3A_558 = arith.constant 16 : i32
        %swap3A_559 = arith.index_cast %swap3A_557 : i32 to index
        %swap3A_560 = arith.index_cast %swap3A_558 : i32 to index
        %swap3A_561 = arith.index_cast %add3A_556 : i32 to index
        %swap3A_562 = tpu.vector_load %arg12[%swap3A_559, %swap3A_560, %swap3A_561] {strides = array<i32>} : memref<1x32x256xf32, #tpu.memory_space<vmem>>, vector<16xf32>,
        tpu.vector_store %arg12[%swap3A_559, %swap3A_560, %swap3A_561], %gather3A_367 {strides = array<i32>} : memref<1x32x256xf32, #tpu.memory_space<vmem>>, vector<16xf32>,
        %add3A_563 = arith.constant 0 : i32
        %add3A_564 = arith.addi %add3A_563, %multiple_of3A_287 : i32
        %swap3A_565 = arith.constant 0 : i32
        %swap3A_566 = arith.constant 17 : i32
        %swap3A_567 = arith.index_cast %swap3A_565 : i32 to index
        %swap3A_568 = arith.index_cast %swap3A_566 : i32 to index
        %swap3A_569 = arith.index_cast %add3A_564 : i32 to index
        %swap3A_570 = tpu.vector_load %arg12[%swap3A_567, %swap3A_568, %swap3A_569] {strides = array<i32>} : memref<1x32x256xf32, #tpu.memory_space<vmem>>, vector<16xf32>,
        tpu.vector_store %arg12[%swap3A_567, %swap3A_568, %swap3A_569], %gather3A_371 {strides = array<i32>} : memref<1x32x256xf32, #tpu.memory_space<vmem>>, vector<16xf32>,
        %add3A_571 = arith.constant 0 : i32
        %add3A_572 = arith.addi %add3A_571, %multiple_of3A_287 : i32
        %swap3A_573 = arith.constant 0 : i32
        %swap3A_574 = arith.constant 18 : i32
        %swap3A_575 = arith.index_cast %swap3A_573 : i32 to index
        %swap3A_576 = arith.index_cast %swap3A_574 : i32 to index
        %swap3A_577 = arith.index_cast %add3A_572 : i32 to index
        %swap3A_578 = tpu.vector_load %arg12[%swap3A_575, %swap3A_576, %swap3A_577] {strides = array<i32>} : memref<1x32x256xf32, #tpu.memory_space<vmem>>, vector<16xf32>,
        tpu.vector_store %arg12[%swap3A_575, %swap3A_576, %swap3A_577], %gather3A_375 {strides = array<i32>} : memref<1x32x256xf32, #tpu.memory_space<vmem>>, vector<16xf32>,
        %add3A_579 = arith.constant 0 : i32
        %add3A_580 = arith.addi %add3A_579, %multiple_of3A_287 : i32
        %swap3A_581 = arith.constant 0 : i32
        %swap3A_582 = arith.constant 19 : i32
        %swap3A_583 = arith.index_cast %swap3A_581 : i32 to index
        %swap3A_584 = arith.index_cast %swap3A_582 : i32 to index
        %swap3A_585 = arith.index_cast %add3A_580 : i32 to index
        %swap3A_586 = tpu.vector_load %arg12[%swap3A_583, %swap3A_584, %swap3A_585] {strides = array<i32>} : memref<1x32x256xf32, #tpu.memory_space<vmem>>, vector<16xf32>,
        tpu.vector_store %arg12[%swap3A_583, %swap3A_584, %swap3A_585], %gather3A_379 {strides = array<i32>} : memref<1x32x256xf32, #tpu.memory_space<vmem>>, vector<16xf32>,
        %add3A_587 = arith.constant 0 : i32
        %add3A_588 = arith.addi %add3A_587, %multiple_of3A_287 : i32
        %swap3A_589 = arith.constant 0 : i32
        %swap3A_590 = arith.constant 20 : i32
        %swap3A_591 = arith.index_cast %swap3A_589 : i32 to index
        %swap3A_592 = arith.index_cast %swap3A_590 : i32 to index
        %swap3A_593 = arith.index_cast %add3A_588 : i32 to index
        %swap3A_594 = tpu.vector_load %arg12[%swap3A_591, %swap3A_592, %swap3A_593] {strides = array<i32>} : memref<1x32x256xf32, #tpu.memory_space<vmem>>, vector<16xf32>,
        tpu.vector_store %arg12[%swap3A_591, %swap3A_592, %swap3A_593], %gather3A_383 {strides = array<i32>} : memref<1x32x256xf32, #tpu.memory_space<vmem>>, vector<16xf32>,
        %add3A_595 = arith.constant 0 : i32
        %add3A_596 = arith.addi %add3A_595, %multiple_of3A_287 : i32
        %swap3A_597 = arith.constant 0 : i32
        %swap3A_598 = arith.constant 21 : i32
        %swap3A_599 = arith.index_cast %swap3A_597 : i32 to index
        %swap3A_600 = arith.index_cast %swap3A_598 : i32 to index
        %swap3A_601 = arith.index_cast %add3A_596 : i32 to index
        %swap3A_602 = tpu.vector_load %arg12[%swap3A_599, %swap3A_600, %swap3A_601] {strides = array<i32>} : memref<1x32x256xf32, #tpu.memory_space<vmem>>, vector<16xf32>,
        tpu.vector_store %arg12[%swap3A_599, %swap3A_600, %swap3A_601], %gather3A_387 {strides = array<i32>} : memref<1x32x256xf32, #tpu.memory_space<vmem>>, vector<16xf32>,
        %add3A_603 = arith.constant 0 : i32
        %add3A_604 = arith.addi %add3A_603, %multiple_of3A_287 : i32
        %swap3A_605 = arith.constant 0 : i32
        %swap3A_606 = arith.constant 22 : i32
        %swap3A_607 = arith.index_cast %swap3A_605 : i32 to index
        %swap3A_608 = arith.index_cast %swap3A_606 : i32 to index
        %swap3A_609 = arith.index_cast %add3A_604 : i32 to index
        %swap3A_610 = tpu.vector_load %arg12[%swap3A_607, %swap3A_608, %swap3A_609] {strides = array<i32>} : memref<1x32x256xf32, #tpu.memory_space<vmem>>, vector<16xf32>,
        tpu.vector_store %arg12[%swap3A_607, %swap3A_608, %swap3A_609], %gather3A_391 {strides = array<i32>} : memref<1x32x256xf32, #tpu.memory_space<vmem>>, vector<16xf32>,
        %add3A_611 = arith.constant 0 : i32
        %add3A_612 = arith.addi %add3A_611, %multiple_of3A_287 : i32
        %swap3A_613 = arith.constant 0 : i32
        %swap3A_614 = arith.constant 23 : i32
        %swap3A_615 = arith.index_cast %swap3A_613 : i32 to index
        %swap3A_616 = arith.index_cast %swap3A_614 : i32 to index
        %swap3A_617 = arith.index_cast %add3A_612 : i32 to index
        %swap3A_618 = tpu.vector_load %arg12[%swap3A_615, %swap3A_616, %swap3A_617] {strides = array<i32>} : memref<1x32x256xf32, #tpu.memory_space<vmem>>, vector<16xf32>,
        tpu.vector_store %arg12[%swap3A_615, %swap3A_616, %swap3A_617], %gather3A_395 {strides = array<i32>} : memref<1x32x256xf32, #tpu.memory_space<vmem>>, vector<16xf32>,
        %add3A_619 = arith.constant 0 : i32
        %add3A_620 = arith.addi %add3A_619, %multiple_of3A_287 : i32
        %swap3A_621 = arith.constant 0 : i32
        %swap3A_622 = arith.constant 24 : i32
        %swap3A_623 = arith.index_cast %swap3A_621 : i32 to index
        %swap3A_624 = arith.index_cast %swap3A_622 : i32 to index
        %swap3A_625 = arith.index_cast %add3A_620 : i32 to index
        %swap3A_626 = tpu.vector_load %arg12[%swap3A_623, %swap3A_624, %swap3A_625] {strides = array<i32>} : memref<1x32x256xf32, #tpu.memory_space<vmem>>, vector<16xf32>,
        tpu.vector_store %arg12[%swap3A_623, %swap3A_624, %swap3A_625], %gather3A_399 {strides = array<i32>} : memref<1x32x256xf32, #tpu.memory_space<vmem>>, vector<16xf32>,
        %add3A_627 = arith.constant 0 : i32
        %add3A_628 = arith.addi %add3A_627, %multiple_of3A_287 : i32
        %swap3A_629 = arith.constant 0 : i32
        %swap3A_630 = arith.constant 25 : i32
        %swap3A_631 = arith.index_cast %swap3A_629 : i32 to index
        %swap3A_632 = arith.index_cast %swap3A_630 : i32 to index
        %swap3A_633 = arith.index_cast %add3A_628 : i32 to index
        %swap3A_634 = tpu.vector_load %arg12[%swap3A_631, %swap3A_632, %swap3A_633] {strides = array<i32>} : memref<1x32x256xf32, #tpu.memory_space<vmem>>, vector<16xf32>,
        tpu.vector_store %arg12[%swap3A_631, %swap3A_632, %swap3A_633], %gather3A_403 {strides = array<i32>} : memref<1x32x256xf32, #tpu.memory_space<vmem>>, vector<16xf32>,
        %add3A_635 = arith.constant 0 : i32
        %add3A_636 = arith.addi %add3A_635, %multiple_of3A_287 : i32
        %swap3A_637 = arith.constant 0 : i32
        %swap3A_638 = arith.constant 26 : i32
        %swap3A_639 = arith.index_cast %swap3A_637 : i32 to index
        %swap3A_640 = arith.index_cast %swap3A_638 : i32 to index
        %swap3A_641 = arith.index_cast %add3A_636 : i32 to index
        %swap3A_642 = tpu.vector_load %arg12[%swap3A_639, %swap3A_640, %swap3A_641] {strides = array<i32>} : memref<1x32x256xf32, #tpu.memory_space<vmem>>, vector<16xf32>,
        tpu.vector_store %arg12[%swap3A_639, %swap3A_640, %swap3A_641], %gather3A_407 {strides = array<i32>} : memref<1x32x256xf32, #tpu.memory_space<vmem>>, vector<16xf32>,
        %add3A_643 = arith.constant 0 : i32
        %add3A_644 = arith.addi %add3A_643, %multiple_of3A_287 : i32
        %swap3A_645 = arith.constant 0 : i32
        %swap3A_646 = arith.constant 27 : i32
        %swap3A_647 = arith.index_cast %swap3A_645 : i32 to index
        %swap3A_648 = arith.index_cast %swap3A_646 : i32 to index
        %swap3A_649 = arith.index_cast %add3A_644 : i32 to index
        %swap3A_650 = tpu.vector_load %arg12[%swap3A_647, %swap3A_648, %swap3A_649] {strides = array<i32>} : memref<1x32x256xf32, #tpu.memory_space<vmem>>, vector<16xf32>,
        tpu.vector_store %arg12[%swap3A_647, %swap3A_648, %swap3A_649], %gather3A_411 {strides = array<i32>} : memref<1x32x256xf32, #tpu.memory_space<vmem>>, vector<16xf32>,
        %add3A_651 = arith.constant 0 : i32
        %add3A_652 = arith.addi %add3A_651, %multiple_of3A_287 : i32
        %swap3A_653 = arith.constant 0 : i32
        %swap3A_654 = arith.constant 28 : i32
        %swap3A_655 = arith.index_cast %swap3A_653 : i32 to index
        %swap3A_656 = arith.index_cast %swap3A_654 : i32 to index
        %swap3A_657 = arith.index_cast %add3A_652 : i32 to index
        %swap3A_658 = tpu.vector_load %arg12[%swap3A_655, %swap3A_656, %swap3A_657] {strides = array<i32>} : memref<1x32x256xf32, #tpu.memory_space<vmem>>, vector<16xf32>,
        tpu.vector_store %arg12[%swap3A_655, %swap3A_656, %swap3A_657], %gather3A_415 {strides = array<i32>} : memref<1x32x256xf32, #tpu.memory_space<vmem>>, vector<16xf32>,
        %add3A_659 = arith.constant 0 : i32
        %add3A_660 = arith.addi %add3A_659, %multiple_of3A_287 : i32
        %swap3A_661 = arith.constant 0 : i32
        %swap3A_662 = arith.constant 29 : i32
        %swap3A_663 = arith.index_cast %swap3A_661 : i32 to index
        %swap3A_664 = arith.index_cast %swap3A_662 : i32 to index
        %swap3A_665 = arith.index_cast %add3A_660 : i32 to index
        %swap3A_666 = tpu.vector_load %arg12[%swap3A_663, %swap3A_664, %swap3A_665] {strides = array<i32>} : memref<1x32x256xf32, #tpu.memory_space<vmem>>, vector<16xf32>,
        tpu.vector_store %arg12[%swap3A_663, %swap3A_664, %swap3A_665], %gather3A_419 {strides = array<i32>} : memref<1x32x256xf32, #tpu.memory_space<vmem>>, vector<16xf32>,
        %add3A_667 = arith.constant 0 : i32
        %add3A_668 = arith.addi %add3A_667, %multiple_of3A_287 : i32
        %swap3A_669 = arith.constant 0 : i32
        %swap3A_670 = arith.constant 30 : i32
        %swap3A_671 = arith.index_cast %swap3A_669 : i32 to index
        %swap3A_672 = arith.index_cast %swap3A_670 : i32 to index
        %swap3A_673 = arith.index_cast %add3A_668 : i32 to index
        %swap3A_674 = tpu.vector_load %arg12[%swap3A_671, %swap3A_672, %swap3A_673] {strides = array<i32>} : memref<1x32x256xf32, #tpu.memory_space<vmem>>, vector<16xf32>,
        tpu.vector_store %arg12[%swap3A_671, %swap3A_672, %swap3A_673], %gather3A_423 {strides = array<i32>} : memref<1x32x256xf32, #tpu.memory_space<vmem>>, vector<16xf32>,
        %add3A_675 = arith.constant 0 : i32
        %add3A_676 = arith.addi %add3A_675, %multiple_of3A_287 : i32
        %swap3A_677 = arith.constant 0 : i32
        %swap3A_678 = arith.constant 31 : i32
        %swap3A_679 = arith.index_cast %swap3A_677 : i32 to index
        %swap3A_680 = arith.index_cast %swap3A_678 : i32 to index
        %swap3A_681 = arith.index_cast %add3A_676 : i32 to index
        %swap3A_682 = tpu.vector_load %arg12[%swap3A_679, %swap3A_680, %swap3A_681] {strides = array<i32>} : memref<1x32x256xf32, #tpu.memory_space<vmem>>, vector<16xf32>,
        tpu.vector_store %arg12[%swap3A_679, %swap3A_680, %swap3A_681], %gather3A_427 {strides = array<i32>} : memref<1x32x256xf32, #tpu.memory_space<vmem>>, vector<16xf32>,
      }
      %scan3A_230 = arith.constant 8 : i32
      %scan3A_231 = arith.constant 0 : i32
      %scan3A_232 = arith.constant 0 : i32
      %scan3A_233 = arith.constant 8 : i32
      %scan3A_234 = arith.addi %scan3A_232, %scan3A_233 : i32
      %scan3A_235 = arith.constant 1 : i32
      scf.for %scan3A_284 = %scan3A_232 to %scan3A_234 step %scan3A_235  : i32 {
        %mul3A_285 = arith.constant 16 : i32
        %mul3A_286 = arith.muli %scan3A_284, %mul3A_285 : i32
        %multiple_of3A_287 = tpu.assume_multiple %mul3A_286, 16 : i32
        %mul3A_288 = arith.constant 256 : i32
        %mul3A_289 = arith.muli %add3A_115, %mul3A_288 : i32
        %add3A_290 = arith.constant 128 : i32
        %add3A_291 = arith.addi %mul3A_289, %add3A_290 : i32
        %add3A_292 = arith.addi %add3A_291, %multiple_of3A_287 : i32
        %get3A = arith.index_cast %add3A_292 : i32 to index
        %get3A_293 = tpu.vector_load %arg5[%get3A] {strides = array<i32>} : memref<13312xi32, #tpu.memory_space<vmem>>, vector<16xi32>,
        %and3A_294 = arith.constant 3 : i32
        %and3A_295 = vector.broadcast %and3A_294 : i32 to vector<16xi32>
        %and3A_296 = arith.andi %get3A_293, %and3A_295 : vector<16xi32>
        %shift_left3A = arith.constant 5 : i32
        %shift_left3A_297 = vector.broadcast %shift_left3A : i32 to vector<16xi32>
        %shift_left3A_298 = arith.shli %and3A_296, %shift_left3A_297 : vector<16xi32>
        %add3A_299 = vector.broadcast %multiple_of3A_287 : i32 to vector<16xi32>
        %add3A_300 = arith.addi %add3A_299, %iota3A : vector<16xi32>
        %add3A_301 = arith.constant 0 : i32
        %add3A_302 = vector.broadcast %add3A_301 : i32 to vector<16xi32>
        %add3A_303 = arith.addi %shift_left3A_298, %add3A_302 : vector<16xi32>
        %gather3A = tpu.vector_load_idx %arg10[%add3A_300, %add3A_303] : memref<128x128xf32, #tpu.memory_space<vmem>>[vector<16xi32>, vector<16xi32>], vector<16xf32>,
        %add3A_304 = arith.constant 1 : i32
        %add3A_305 = vector.broadcast %add3A_304 : i32 to vector<16xi32>
        %add3A_306 = arith.addi %shift_left3A_298, %add3A_305 : vector<16xi32>
        %gather3A_307 = tpu.vector_load_idx %arg10[%add3A_300, %add3A_306] : memref<128x128xf32, #tpu.memory_space<vmem>>[vector<16xi32>, vector<16xi32>], vector<16xf32>,
        %add3A_308 = arith.constant 2 : i32
        %add3A_309 = vector.broadcast %add3A_308 : i32 to vector<16xi32>
        %add3A_310 = arith.addi %shift_left3A_298, %add3A_309 : vector<16xi32>
        %gather3A_311 = tpu.vector_load_idx %arg10[%add3A_300, %add3A_310] : memref<128x128xf32, #tpu.memory_space<vmem>>[vector<16xi32>, vector<16xi32>], vector<16xf32>,
        %add3A_312 = arith.constant 3 : i32
        %add3A_313 = vector.broadcast %add3A_312 : i32 to vector<16xi32>
        %add3A_314 = arith.addi %shift_left3A_298, %add3A_313 : vector<16xi32>
        %gather3A_315 = tpu.vector_load_idx %arg10[%add3A_300, %add3A_314] : memref<128x128xf32, #tpu.memory_space<vmem>>[vector<16xi32>, vector<16xi32>], vector<16xf32>,
        %add3A_316 = arith.constant 4 : i32
        %add3A_317 = vector.broadcast %add3A_316 : i32 to vector<16xi32>
        %add3A_318 = arith.addi %shift_left3A_298, %add3A_317 : vector<16xi32>
        %gather3A_319 = tpu.vector_load_idx %arg10[%add3A_300, %add3A_318] : memref<128x128xf32, #tpu.memory_space<vmem>>[vector<16xi32>, vector<16xi32>], vector<16xf32>,
        %add3A_320 = arith.constant 5 : i32
        %add3A_321 = vector.broadcast %add3A_320 : i32 to vector<16xi32>
        %add3A_322 = arith.addi %shift_left3A_298, %add3A_321 : vector<16xi32>
        %gather3A_323 = tpu.vector_load_idx %arg10[%add3A_300, %add3A_322] : memref<128x128xf32, #tpu.memory_space<vmem>>[vector<16xi32>, vector<16xi32>], vector<16xf32>,
        %add3A_324 = arith.constant 6 : i32
        %add3A_325 = vector.broadcast %add3A_324 : i32 to vector<16xi32>
        %add3A_326 = arith.addi %shift_left3A_298, %add3A_325 : vector<16xi32>
        %gather3A_327 = tpu.vector_load_idx %arg10[%add3A_300, %add3A_326] : memref<128x128xf32, #tpu.memory_space<vmem>>[vector<16xi32>, vector<16xi32>], vector<16xf32>,
        %add3A_328 = arith.constant 7 : i32
        %add3A_329 = vector.broadcast %add3A_328 : i32 to vector<16xi32>
        %add3A_330 = arith.addi %shift_left3A_298, %add3A_329 : vector<16xi32>
        %gather3A_331 = tpu.vector_load_idx %arg10[%add3A_300, %add3A_330] : memref<128x128xf32, #tpu.memory_space<vmem>>[vector<16xi32>, vector<16xi32>], vector<16xf32>,
        %add3A_332 = arith.constant 8 : i32
        %add3A_333 = vector.broadcast %add3A_332 : i32 to vector<16xi32>
        %add3A_334 = arith.addi %shift_left3A_298, %add3A_333 : vector<16xi32>
        %gather3A_335 = tpu.vector_load_idx %arg10[%add3A_300, %add3A_334] : memref<128x128xf32, #tpu.memory_space<vmem>>[vector<16xi32>, vector<16xi32>], vector<16xf32>,
        %add3A_336 = arith.constant 9 : i32
        %add3A_337 = vector.broadcast %add3A_336 : i32 to vector<16xi32>
        %add3A_338 = arith.addi %shift_left3A_298, %add3A_337 : vector<16xi32>
        %gather3A_339 = tpu.vector_load_idx %arg10[%add3A_300, %add3A_338] : memref<128x128xf32, #tpu.memory_space<vmem>>[vector<16xi32>, vector<16xi32>], vector<16xf32>,
        %add3A_340 = arith.constant 10 : i32
        %add3A_341 = vector.broadcast %add3A_340 : i32 to vector<16xi32>
        %add3A_342 = arith.addi %shift_left3A_298, %add3A_341 : vector<16xi32>
        %gather3A_343 = tpu.vector_load_idx %arg10[%add3A_300, %add3A_342] : memref<128x128xf32, #tpu.memory_space<vmem>>[vector<16xi32>, vector<16xi32>], vector<16xf32>,
        %add3A_344 = arith.constant 11 : i32
        %add3A_345 = vector.broadcast %add3A_344 : i32 to vector<16xi32>
        %add3A_346 = arith.addi %shift_left3A_298, %add3A_345 : vector<16xi32>
        %gather3A_347 = tpu.vector_load_idx %arg10[%add3A_300, %add3A_346] : memref<128x128xf32, #tpu.memory_space<vmem>>[vector<16xi32>, vector<16xi32>], vector<16xf32>,
        %add3A_348 = arith.constant 12 : i32
        %add3A_349 = vector.broadcast %add3A_348 : i32 to vector<16xi32>
        %add3A_350 = arith.addi %shift_left3A_298, %add3A_349 : vector<16xi32>
        %gather3A_351 = tpu.vector_load_idx %arg10[%add3A_300, %add3A_350] : memref<128x128xf32, #tpu.memory_space<vmem>>[vector<16xi32>, vector<16xi32>], vector<16xf32>,
        %add3A_352 = arith.constant 13 : i32
        %add3A_353 = vector.broadcast %add3A_352 : i32 to vector<16xi32>
        %add3A_354 = arith.addi %shift_left3A_298, %add3A_353 : vector<16xi32>
        %gather3A_355 = tpu.vector_load_idx %arg10[%add3A_300, %add3A_354] : memref<128x128xf32, #tpu.memory_space<vmem>>[vector<16xi32>, vector<16xi32>], vector<16xf32>,
        %add3A_356 = arith.constant 14 : i32
        %add3A_357 = vector.broadcast %add3A_356 : i32 to vector<16xi32>
        %add3A_358 = arith.addi %shift_left3A_298, %add3A_357 : vector<16xi32>
        %gather3A_359 = tpu.vector_load_idx %arg10[%add3A_300, %add3A_358] : memref<128x128xf32, #tpu.memory_space<vmem>>[vector<16xi32>, vector<16xi32>], vector<16xf32>,
        %add3A_360 = arith.constant 15 : i32
        %add3A_361 = vector.broadcast %add3A_360 : i32 to vector<16xi32>
        %add3A_362 = arith.addi %shift_left3A_298, %add3A_361 : vector<16xi32>
        %gather3A_363 = tpu.vector_load_idx %arg10[%add3A_300, %add3A_362] : memref<128x128xf32, #tpu.memory_space<vmem>>[vector<16xi32>, vector<16xi32>], vector<16xf32>,
        %add3A_364 = arith.constant 16 : i32
        %add3A_365 = vector.broadcast %add3A_364 : i32 to vector<16xi32>
        %add3A_366 = arith.addi %shift_left3A_298, %add3A_365 : vector<16xi32>
        %gather3A_367 = tpu.vector_load_idx %arg10[%add3A_300, %add3A_366] : memref<128x128xf32, #tpu.memory_space<vmem>>[vector<16xi32>, vector<16xi32>], vector<16xf32>,
        %add3A_368 = arith.constant 17 : i32
        %add3A_369 = vector.broadcast %add3A_368 : i32 to vector<16xi32>
        %add3A_370 = arith.addi %shift_left3A_298, %add3A_369 : vector<16xi32>
        %gather3A_371 = tpu.vector_load_idx %arg10[%add3A_300, %add3A_370] : memref<128x128xf32, #tpu.memory_space<vmem>>[vector<16xi32>, vector<16xi32>], vector<16xf32>,
        %add3A_372 = arith.constant 18 : i32
        %add3A_373 = vector.broadcast %add3A_372 : i32 to vector<16xi32>
        %add3A_374 = arith.addi %shift_left3A_298, %add3A_373 : vector<16xi32>
        %gather3A_375 = tpu.vector_load_idx %arg10[%add3A_300, %add3A_374] : memref<128x128xf32, #tpu.memory_space<vmem>>[vector<16xi32>, vector<16xi32>], vector<16xf32>,
        %add3A_376 = arith.constant 19 : i32
        %add3A_377 = vector.broadcast %add3A_376 : i32 to vector<16xi32>
        %add3A_378 = arith.addi %shift_left3A_298, %add3A_377 : vector<16xi32>
        %gather3A_379 = tpu.vector_load_idx %arg10[%add3A_300, %add3A_378] : memref<128x128xf32, #tpu.memory_space<vmem>>[vector<16xi32>, vector<16xi32>], vector<16xf32>,
        %add3A_380 = arith.constant 20 : i32
        %add3A_381 = vector.broadcast %add3A_380 : i32 to vector<16xi32>
        %add3A_382 = arith.addi %shift_left3A_298, %add3A_381 : vector<16xi32>
        %gather3A_383 = tpu.vector_load_idx %arg10[%add3A_300, %add3A_382] : memref<128x128xf32, #tpu.memory_space<vmem>>[vector<16xi32>, vector<16xi32>], vector<16xf32>,
        %add3A_384 = arith.constant 21 : i32
        %add3A_385 = vector.broadcast %add3A_384 : i32 to vector<16xi32>
        %add3A_386 = arith.addi %shift_left3A_298, %add3A_385 : vector<16xi32>
        %gather3A_387 = tpu.vector_load_idx %arg10[%add3A_300, %add3A_386] : memref<128x128xf32, #tpu.memory_space<vmem>>[vector<16xi32>, vector<16xi32>], vector<16xf32>,
        %add3A_388 = arith.constant 22 : i32
        %add3A_389 = vector.broadcast %add3A_388 : i32 to vector<16xi32>
        %add3A_390 = arith.addi %shift_left3A_298, %add3A_389 : vector<16xi32>
        %gather3A_391 = tpu.vector_load_idx %arg10[%add3A_300, %add3A_390] : memref<128x128xf32, #tpu.memory_space<vmem>>[vector<16xi32>, vector<16xi32>], vector<16xf32>,
        %add3A_392 = arith.constant 23 : i32
        %add3A_393 = vector.broadcast %add3A_392 : i32 to vector<16xi32>
        %add3A_394 = arith.addi %shift_left3A_298, %add3A_393 : vector<16xi32>
        %gather3A_395 = tpu.vector_load_idx %arg10[%add3A_300, %add3A_394] : memref<128x128xf32, #tpu.memory_space<vmem>>[vector<16xi32>, vector<16xi32>], vector<16xf32>,
        %add3A_396 = arith.constant 24 : i32
        %add3A_397 = vector.broadcast %add3A_396 : i32 to vector<16xi32>
        %add3A_398 = arith.addi %shift_left3A_298, %add3A_397 : vector<16xi32>
        %gather3A_399 = tpu.vector_load_idx %arg10[%add3A_300, %add3A_398] : memref<128x128xf32, #tpu.memory_space<vmem>>[vector<16xi32>, vector<16xi32>], vector<16xf32>,
        %add3A_400 = arith.constant 25 : i32
        %add3A_401 = vector.broadcast %add3A_400 : i32 to vector<16xi32>
        %add3A_402 = arith.addi %shift_left3A_298, %add3A_401 : vector<16xi32>
        %gather3A_403 = tpu.vector_load_idx %arg10[%add3A_300, %add3A_402] : memref<128x128xf32, #tpu.memory_space<vmem>>[vector<16xi32>, vector<16xi32>], vector<16xf32>,
        %add3A_404 = arith.constant 26 : i32
        %add3A_405 = vector.broadcast %add3A_404 : i32 to vector<16xi32>
        %add3A_406 = arith.addi %shift_left3A_298, %add3A_405 : vector<16xi32>
        %gather3A_407 = tpu.vector_load_idx %arg10[%add3A_300, %add3A_406] : memref<128x128xf32, #tpu.memory_space<vmem>>[vector<16xi32>, vector<16xi32>], vector<16xf32>,
        %add3A_408 = arith.constant 27 : i32
        %add3A_409 = vector.broadcast %add3A_408 : i32 to vector<16xi32>
        %add3A_410 = arith.addi %shift_left3A_298, %add3A_409 : vector<16xi32>
        %gather3A_411 = tpu.vector_load_idx %arg10[%add3A_300, %add3A_410] : memref<128x128xf32, #tpu.memory_space<vmem>>[vector<16xi32>, vector<16xi32>], vector<16xf32>,
        %add3A_412 = arith.constant 28 : i32
        %add3A_413 = vector.broadcast %add3A_412 : i32 to vector<16xi32>
        %add3A_414 = arith.addi %shift_left3A_298, %add3A_413 : vector<16xi32>
        %gather3A_415 = tpu.vector_load_idx %arg10[%add3A_300, %add3A_414] : memref<128x128xf32, #tpu.memory_space<vmem>>[vector<16xi32>, vector<16xi32>], vector<16xf32>,
        %add3A_416 = arith.constant 29 : i32
        %add3A_417 = vector.broadcast %add3A_416 : i32 to vector<16xi32>
        %add3A_418 = arith.addi %shift_left3A_298, %add3A_417 : vector<16xi32>
        %gather3A_419 = tpu.vector_load_idx %arg10[%add3A_300, %add3A_418] : memref<128x128xf32, #tpu.memory_space<vmem>>[vector<16xi32>, vector<16xi32>], vector<16xf32>,
        %add3A_420 = arith.constant 30 : i32
        %add3A_421 = vector.broadcast %add3A_420 : i32 to vector<16xi32>
        %add3A_422 = arith.addi %shift_left3A_298, %add3A_421 : vector<16xi32>
        %gather3A_423 = tpu.vector_load_idx %arg10[%add3A_300, %add3A_422] : memref<128x128xf32, #tpu.memory_space<vmem>>[vector<16xi32>, vector<16xi32>], vector<16xf32>,
        %add3A_424 = arith.constant 31 : i32
        %add3A_425 = vector.broadcast %add3A_424 : i32 to vector<16xi32>
        %add3A_426 = arith.addi %shift_left3A_298, %add3A_425 : vector<16xi32>
        %gather3A_427 = tpu.vector_load_idx %arg10[%add3A_300, %add3A_426] : memref<128x128xf32, #tpu.memory_space<vmem>>[vector<16xi32>, vector<16xi32>], vector<16xf32>,
        %add3A_428 = arith.constant 128 : i32
        %add3A_429 = arith.addi %add3A_428, %multiple_of3A_287 : i32
        %swap3A = arith.constant 0 : i32
        %swap3A_430 = arith.constant 0 : i32
        %swap3A_431 = arith.index_cast %swap3A : i32 to index
        %swap3A_432 = arith.index_cast %swap3A_430 : i32 to index
        %swap3A_433 = arith.index_cast %add3A_429 : i32 to index
        %swap3A_434 = tpu.vector_load %arg12[%swap3A_431, %swap3A_432, %swap3A_433] {strides = array<i32>} : memref<1x32x256xf32, #tpu.memory_space<vmem>>, vector<16xf32>,
        tpu.vector_store %arg12[%swap3A_431, %swap3A_432, %swap3A_433], %gather3A {strides = array<i32>} : memref<1x32x256xf32, #tpu.memory_space<vmem>>, vector<16xf32>,
        %add3A_435 = arith.constant 128 : i32
        %add3A_436 = arith.addi %add3A_435, %multiple_of3A_287 : i32
        %swap3A_437 = arith.constant 0 : i32
        %swap3A_438 = arith.constant 1 : i32
        %swap3A_439 = arith.index_cast %swap3A_437 : i32 to index
        %swap3A_440 = arith.index_cast %swap3A_438 : i32 to index
        %swap3A_441 = arith.index_cast %add3A_436 : i32 to index
        %swap3A_442 = tpu.vector_load %arg12[%swap3A_439, %swap3A_440, %swap3A_441] {strides = array<i32>} : memref<1x32x256xf32, #tpu.memory_space<vmem>>, vector<16xf32>,
        tpu.vector_store %arg12[%swap3A_439, %swap3A_440, %swap3A_441], %gather3A_307 {strides = array<i32>} : memref<1x32x256xf32, #tpu.memory_space<vmem>>, vector<16xf32>,
        %add3A_443 = arith.constant 128 : i32
        %add3A_444 = arith.addi %add3A_443, %multiple_of3A_287 : i32
        %swap3A_445 = arith.constant 0 : i32
        %swap3A_446 = arith.constant 2 : i32
        %swap3A_447 = arith.index_cast %swap3A_445 : i32 to index
        %swap3A_448 = arith.index_cast %swap3A_446 : i32 to index
        %swap3A_449 = arith.index_cast %add3A_444 : i32 to index
        %swap3A_450 = tpu.vector_load %arg12[%swap3A_447, %swap3A_448, %swap3A_449] {strides = array<i32>} : memref<1x32x256xf32, #tpu.memory_space<vmem>>, vector<16xf32>,
        tpu.vector_store %arg12[%swap3A_447, %swap3A_448, %swap3A_449], %gather3A_311 {strides = array<i32>} : memref<1x32x256xf32, #tpu.memory_space<vmem>>, vector<16xf32>,
        %add3A_451 = arith.constant 128 : i32
        %add3A_452 = arith.addi %add3A_451, %multiple_of3A_287 : i32
        %swap3A_453 = arith.constant 0 : i32
        %swap3A_454 = arith.constant 3 : i32
        %swap3A_455 = arith.index_cast %swap3A_453 : i32 to index
        %swap3A_456 = arith.index_cast %swap3A_454 : i32 to index
        %swap3A_457 = arith.index_cast %add3A_452 : i32 to index
        %swap3A_458 = tpu.vector_load %arg12[%swap3A_455, %swap3A_456, %swap3A_457] {strides = array<i32>} : memref<1x32x256xf32, #tpu.memory_space<vmem>>, vector<16xf32>,
        tpu.vector_store %arg12[%swap3A_455, %swap3A_456, %swap3A_457], %gather3A_315 {strides = array<i32>} : memref<1x32x256xf32, #tpu.memory_space<vmem>>, vector<16xf32>,
        %add3A_459 = arith.constant 128 : i32
        %add3A_460 = arith.addi %add3A_459, %multiple_of3A_287 : i32
        %swap3A_461 = arith.constant 0 : i32
        %swap3A_462 = arith.constant 4 : i32
        %swap3A_463 = arith.index_cast %swap3A_461 : i32 to index
        %swap3A_464 = arith.index_cast %swap3A_462 : i32 to index
        %swap3A_465 = arith.index_cast %add3A_460 : i32 to index
        %swap3A_466 = tpu.vector_load %arg12[%swap3A_463, %swap3A_464, %swap3A_465] {strides = array<i32>} : memref<1x32x256xf32, #tpu.memory_space<vmem>>, vector<16xf32>,
        tpu.vector_store %arg12[%swap3A_463, %swap3A_464, %swap3A_465], %gather3A_319 {strides = array<i32>} : memref<1x32x256xf32, #tpu.memory_space<vmem>>, vector<16xf32>,
        %add3A_467 = arith.constant 128 : i32
        %add3A_468 = arith.addi %add3A_467, %multiple_of3A_287 : i32
        %swap3A_469 = arith.constant 0 : i32
        %swap3A_470 = arith.constant 5 : i32
        %swap3A_471 = arith.index_cast %swap3A_469 : i32 to index
        %swap3A_472 = arith.index_cast %swap3A_470 : i32 to index
        %swap3A_473 = arith.index_cast %add3A_468 : i32 to index
        %swap3A_474 = tpu.vector_load %arg12[%swap3A_471, %swap3A_472, %swap3A_473] {strides = array<i32>} : memref<1x32x256xf32, #tpu.memory_space<vmem>>, vector<16xf32>,
        tpu.vector_store %arg12[%swap3A_471, %swap3A_472, %swap3A_473], %gather3A_323 {strides = array<i32>} : memref<1x32x256xf32, #tpu.memory_space<vmem>>, vector<16xf32>,
        %add3A_475 = arith.constant 128 : i32
        %add3A_476 = arith.addi %add3A_475, %multiple_of3A_287 : i32
        %swap3A_477 = arith.constant 0 : i32
        %swap3A_478 = arith.constant 6 : i32
        %swap3A_479 = arith.index_cast %swap3A_477 : i32 to index
        %swap3A_480 = arith.index_cast %swap3A_478 : i32 to index
        %swap3A_481 = arith.index_cast %add3A_476 : i32 to index
        %swap3A_482 = tpu.vector_load %arg12[%swap3A_479, %swap3A_480, %swap3A_481] {strides = array<i32>} : memref<1x32x256xf32, #tpu.memory_space<vmem>>, vector<16xf32>,
        tpu.vector_store %arg12[%swap3A_479, %swap3A_480, %swap3A_481], %gather3A_327 {strides = array<i32>} : memref<1x32x256xf32, #tpu.memory_space<vmem>>, vector<16xf32>,
        %add3A_483 = arith.constant 128 : i32
        %add3A_484 = arith.addi %add3A_483, %multiple_of3A_287 : i32
        %swap3A_485 = arith.constant 0 : i32
        %swap3A_486 = arith.constant 7 : i32
        %swap3A_487 = arith.index_cast %swap3A_485 : i32 to index
        %swap3A_488 = arith.index_cast %swap3A_486 : i32 to index
        %swap3A_489 = arith.index_cast %add3A_484 : i32 to index
        %swap3A_490 = tpu.vector_load %arg12[%swap3A_487, %swap3A_488, %swap3A_489] {strides = array<i32>} : memref<1x32x256xf32, #tpu.memory_space<vmem>>, vector<16xf32>,
        tpu.vector_store %arg12[%swap3A_487, %swap3A_488, %swap3A_489], %gather3A_331 {strides = array<i32>} : memref<1x32x256xf32, #tpu.memory_space<vmem>>, vector<16xf32>,
        %add3A_491 = arith.constant 128 : i32
        %add3A_492 = arith.addi %add3A_491, %multiple_of3A_287 : i32
        %swap3A_493 = arith.constant 0 : i32
        %swap3A_494 = arith.constant 8 : i32
        %swap3A_495 = arith.index_cast %swap3A_493 : i32 to index
        %swap3A_496 = arith.index_cast %swap3A_494 : i32 to index
        %swap3A_497 = arith.index_cast %add3A_492 : i32 to index
        %swap3A_498 = tpu.vector_load %arg12[%swap3A_495, %swap3A_496, %swap3A_497] {strides = array<i32>} : memref<1x32x256xf32, #tpu.memory_space<vmem>>, vector<16xf32>,
        tpu.vector_store %arg12[%swap3A_495, %swap3A_496, %swap3A_497], %gather3A_335 {strides = array<i32>} : memref<1x32x256xf32, #tpu.memory_space<vmem>>, vector<16xf32>,
        %add3A_499 = arith.constant 128 : i32
        %add3A_500 = arith.addi %add3A_499, %multiple_of3A_287 : i32
        %swap3A_501 = arith.constant 0 : i32
        %swap3A_502 = arith.constant 9 : i32
        %swap3A_503 = arith.index_cast %swap3A_501 : i32 to index
        %swap3A_504 = arith.index_cast %swap3A_502 : i32 to index
        %swap3A_505 = arith.index_cast %add3A_500 : i32 to index
        %swap3A_506 = tpu.vector_load %arg12[%swap3A_503, %swap3A_504, %swap3A_505] {strides = array<i32>} : memref<1x32x256xf32, #tpu.memory_space<vmem>>, vector<16xf32>,
        tpu.vector_store %arg12[%swap3A_503, %swap3A_504, %swap3A_505], %gather3A_339 {strides = array<i32>} : memref<1x32x256xf32, #tpu.memory_space<vmem>>, vector<16xf32>,
        %add3A_507 = arith.constant 128 : i32
        %add3A_508 = arith.addi %add3A_507, %multiple_of3A_287 : i32
        %swap3A_509 = arith.constant 0 : i32
        %swap3A_510 = arith.constant 10 : i32
        %swap3A_511 = arith.index_cast %swap3A_509 : i32 to index
        %swap3A_512 = arith.index_cast %swap3A_510 : i32 to index
        %swap3A_513 = arith.index_cast %add3A_508 : i32 to index
        %swap3A_514 = tpu.vector_load %arg12[%swap3A_511, %swap3A_512, %swap3A_513] {strides = array<i32>} : memref<1x32x256xf32, #tpu.memory_space<vmem>>, vector<16xf32>,
        tpu.vector_store %arg12[%swap3A_511, %swap3A_512, %swap3A_513], %gather3A_343 {strides = array<i32>} : memref<1x32x256xf32, #tpu.memory_space<vmem>>, vector<16xf32>,
        %add3A_515 = arith.constant 128 : i32
        %add3A_516 = arith.addi %add3A_515, %multiple_of3A_287 : i32
        %swap3A_517 = arith.constant 0 : i32
        %swap3A_518 = arith.constant 11 : i32
        %swap3A_519 = arith.index_cast %swap3A_517 : i32 to index
        %swap3A_520 = arith.index_cast %swap3A_518 : i32 to index
        %swap3A_521 = arith.index_cast %add3A_516 : i32 to index
        %swap3A_522 = tpu.vector_load %arg12[%swap3A_519, %swap3A_520, %swap3A_521] {strides = array<i32>} : memref<1x32x256xf32, #tpu.memory_space<vmem>>, vector<16xf32>,
        tpu.vector_store %arg12[%swap3A_519, %swap3A_520, %swap3A_521], %gather3A_347 {strides = array<i32>} : memref<1x32x256xf32, #tpu.memory_space<vmem>>, vector<16xf32>,
        %add3A_523 = arith.constant 128 : i32
        %add3A_524 = arith.addi %add3A_523, %multiple_of3A_287 : i32
        %swap3A_525 = arith.constant 0 : i32
        %swap3A_526 = arith.constant 12 : i32
        %swap3A_527 = arith.index_cast %swap3A_525 : i32 to index
        %swap3A_528 = arith.index_cast %swap3A_526 : i32 to index
        %swap3A_529 = arith.index_cast %add3A_524 : i32 to index
        %swap3A_530 = tpu.vector_load %arg12[%swap3A_527, %swap3A_528, %swap3A_529] {strides = array<i32>} : memref<1x32x256xf32, #tpu.memory_space<vmem>>, vector<16xf32>,
        tpu.vector_store %arg12[%swap3A_527, %swap3A_528, %swap3A_529], %gather3A_351 {strides = array<i32>} : memref<1x32x256xf32, #tpu.memory_space<vmem>>, vector<16xf32>,
        %add3A_531 = arith.constant 128 : i32
        %add3A_532 = arith.addi %add3A_531, %multiple_of3A_287 : i32
        %swap3A_533 = arith.constant 0 : i32
        %swap3A_534 = arith.constant 13 : i32
        %swap3A_535 = arith.index_cast %swap3A_533 : i32 to index
        %swap3A_536 = arith.index_cast %swap3A_534 : i32 to index
        %swap3A_537 = arith.index_cast %add3A_532 : i32 to index
        %swap3A_538 = tpu.vector_load %arg12[%swap3A_535, %swap3A_536, %swap3A_537] {strides = array<i32>} : memref<1x32x256xf32, #tpu.memory_space<vmem>>, vector<16xf32>,
        tpu.vector_store %arg12[%swap3A_535, %swap3A_536, %swap3A_537], %gather3A_355 {strides = array<i32>} : memref<1x32x256xf32, #tpu.memory_space<vmem>>, vector<16xf32>,
        %add3A_539 = arith.constant 128 : i32
        %add3A_540 = arith.addi %add3A_539, %multiple_of3A_287 : i32
        %swap3A_541 = arith.constant 0 : i32
        %swap3A_542 = arith.constant 14 : i32
        %swap3A_543 = arith.index_cast %swap3A_541 : i32 to index
        %swap3A_544 = arith.index_cast %swap3A_542 : i32 to index
        %swap3A_545 = arith.index_cast %add3A_540 : i32 to index
        %swap3A_546 = tpu.vector_load %arg12[%swap3A_543, %swap3A_544, %swap3A_545] {strides = array<i32>} : memref<1x32x256xf32, #tpu.memory_space<vmem>>, vector<16xf32>,
        tpu.vector_store %arg12[%swap3A_543, %swap3A_544, %swap3A_545], %gather3A_359 {strides = array<i32>} : memref<1x32x256xf32, #tpu.memory_space<vmem>>, vector<16xf32>,
        %add3A_547 = arith.constant 128 : i32
        %add3A_548 = arith.addi %add3A_547, %multiple_of3A_287 : i32
        %swap3A_549 = arith.constant 0 : i32
        %swap3A_550 = arith.constant 15 : i32
        %swap3A_551 = arith.index_cast %swap3A_549 : i32 to index
        %swap3A_552 = arith.index_cast %swap3A_550 : i32 to index
        %swap3A_553 = arith.index_cast %add3A_548 : i32 to index
        %swap3A_554 = tpu.vector_load %arg12[%swap3A_551, %swap3A_552, %swap3A_553] {strides = array<i32>} : memref<1x32x256xf32, #tpu.memory_space<vmem>>, vector<16xf32>,
        tpu.vector_store %arg12[%swap3A_551, %swap3A_552, %swap3A_553], %gather3A_363 {strides = array<i32>} : memref<1x32x256xf32, #tpu.memory_space<vmem>>, vector<16xf32>,
        %add3A_555 = arith.constant 128 : i32
        %add3A_556 = arith.addi %add3A_555, %multiple_of3A_287 : i32
        %swap3A_557 = arith.constant 0 : i32
        %swap3A_558 = arith.constant 16 : i32
        %swap3A_559 = arith.index_cast %swap3A_557 : i32 to index
        %swap3A_560 = arith.index_cast %swap3A_558 : i32 to index
        %swap3A_561 = arith.index_cast %add3A_556 : i32 to index
        %swap3A_562 = tpu.vector_load %arg12[%swap3A_559, %swap3A_560, %swap3A_561] {strides = array<i32>} : memref<1x32x256xf32, #tpu.memory_space<vmem>>, vector<16xf32>,
        tpu.vector_store %arg12[%swap3A_559, %swap3A_560, %swap3A_561], %gather3A_367 {strides = array<i32>} : memref<1x32x256xf32, #tpu.memory_space<vmem>>, vector<16xf32>,
        %add3A_563 = arith.constant 128 : i32
        %add3A_564 = arith.addi %add3A_563, %multiple_of3A_287 : i32
        %swap3A_565 = arith.constant 0 : i32
        %swap3A_566 = arith.constant 17 : i32
        %swap3A_567 = arith.index_cast %swap3A_565 : i32 to index
        %swap3A_568 = arith.index_cast %swap3A_566 : i32 to index
        %swap3A_569 = arith.index_cast %add3A_564 : i32 to index
        %swap3A_570 = tpu.vector_load %arg12[%swap3A_567, %swap3A_568, %swap3A_569] {strides = array<i32>} : memref<1x32x256xf32, #tpu.memory_space<vmem>>, vector<16xf32>,
        tpu.vector_store %arg12[%swap3A_567, %swap3A_568, %swap3A_569], %gather3A_371 {strides = array<i32>} : memref<1x32x256xf32, #tpu.memory_space<vmem>>, vector<16xf32>,
        %add3A_571 = arith.constant 128 : i32
        %add3A_572 = arith.addi %add3A_571, %multiple_of3A_287 : i32
        %swap3A_573 = arith.constant 0 : i32
        %swap3A_574 = arith.constant 18 : i32
        %swap3A_575 = arith.index_cast %swap3A_573 : i32 to index
        %swap3A_576 = arith.index_cast %swap3A_574 : i32 to index
        %swap3A_577 = arith.index_cast %add3A_572 : i32 to index
        %swap3A_578 = tpu.vector_load %arg12[%swap3A_575, %swap3A_576, %swap3A_577] {strides = array<i32>} : memref<1x32x256xf32, #tpu.memory_space<vmem>>, vector<16xf32>,
        tpu.vector_store %arg12[%swap3A_575, %swap3A_576, %swap3A_577], %gather3A_375 {strides = array<i32>} : memref<1x32x256xf32, #tpu.memory_space<vmem>>, vector<16xf32>,
        %add3A_579 = arith.constant 128 : i32
        %add3A_580 = arith.addi %add3A_579, %multiple_of3A_287 : i32
        %swap3A_581 = arith.constant 0 : i32
        %swap3A_582 = arith.constant 19 : i32
        %swap3A_583 = arith.index_cast %swap3A_581 : i32 to index
        %swap3A_584 = arith.index_cast %swap3A_582 : i32 to index
        %swap3A_585 = arith.index_cast %add3A_580 : i32 to index
        %swap3A_586 = tpu.vector_load %arg12[%swap3A_583, %swap3A_584, %swap3A_585] {strides = array<i32>} : memref<1x32x256xf32, #tpu.memory_space<vmem>>, vector<16xf32>,
        tpu.vector_store %arg12[%swap3A_583, %swap3A_584, %swap3A_585], %gather3A_379 {strides = array<i32>} : memref<1x32x256xf32, #tpu.memory_space<vmem>>, vector<16xf32>,
        %add3A_587 = arith.constant 128 : i32
        %add3A_588 = arith.addi %add3A_587, %multiple_of3A_287 : i32
        %swap3A_589 = arith.constant 0 : i32
        %swap3A_590 = arith.constant 20 : i32
        %swap3A_591 = arith.index_cast %swap3A_589 : i32 to index
        %swap3A_592 = arith.index_cast %swap3A_590 : i32 to index
        %swap3A_593 = arith.index_cast %add3A_588 : i32 to index
        %swap3A_594 = tpu.vector_load %arg12[%swap3A_591, %swap3A_592, %swap3A_593] {strides = array<i32>} : memref<1x32x256xf32, #tpu.memory_space<vmem>>, vector<16xf32>,
        tpu.vector_store %arg12[%swap3A_591, %swap3A_592, %swap3A_593], %gather3A_383 {strides = array<i32>} : memref<1x32x256xf32, #tpu.memory_space<vmem>>, vector<16xf32>,
        %add3A_595 = arith.constant 128 : i32
        %add3A_596 = arith.addi %add3A_595, %multiple_of3A_287 : i32
        %swap3A_597 = arith.constant 0 : i32
        %swap3A_598 = arith.constant 21 : i32
        %swap3A_599 = arith.index_cast %swap3A_597 : i32 to index
        %swap3A_600 = arith.index_cast %swap3A_598 : i32 to index
        %swap3A_601 = arith.index_cast %add3A_596 : i32 to index
        %swap3A_602 = tpu.vector_load %arg12[%swap3A_599, %swap3A_600, %swap3A_601] {strides = array<i32>} : memref<1x32x256xf32, #tpu.memory_space<vmem>>, vector<16xf32>,
        tpu.vector_store %arg12[%swap3A_599, %swap3A_600, %swap3A_601], %gather3A_387 {strides = array<i32>} : memref<1x32x256xf32, #tpu.memory_space<vmem>>, vector<16xf32>,
        %add3A_603 = arith.constant 128 : i32
        %add3A_604 = arith.addi %add3A_603, %multiple_of3A_287 : i32
        %swap3A_605 = arith.constant 0 : i32
        %swap3A_606 = arith.constant 22 : i32
        %swap3A_607 = arith.index_cast %swap3A_605 : i32 to index
        %swap3A_608 = arith.index_cast %swap3A_606 : i32 to index
        %swap3A_609 = arith.index_cast %add3A_604 : i32 to index
        %swap3A_610 = tpu.vector_load %arg12[%swap3A_607, %swap3A_608, %swap3A_609] {strides = array<i32>} : memref<1x32x256xf32, #tpu.memory_space<vmem>>, vector<16xf32>,
        tpu.vector_store %arg12[%swap3A_607, %swap3A_608, %swap3A_609], %gather3A_391 {strides = array<i32>} : memref<1x32x256xf32, #tpu.memory_space<vmem>>, vector<16xf32>,
        %add3A_611 = arith.constant 128 : i32
        %add3A_612 = arith.addi %add3A_611, %multiple_of3A_287 : i32
        %swap3A_613 = arith.constant 0 : i32
        %swap3A_614 = arith.constant 23 : i32
        %swap3A_615 = arith.index_cast %swap3A_613 : i32 to index
        %swap3A_616 = arith.index_cast %swap3A_614 : i32 to index
        %swap3A_617 = arith.index_cast %add3A_612 : i32 to index
        %swap3A_618 = tpu.vector_load %arg12[%swap3A_615, %swap3A_616, %swap3A_617] {strides = array<i32>} : memref<1x32x256xf32, #tpu.memory_space<vmem>>, vector<16xf32>,
        tpu.vector_store %arg12[%swap3A_615, %swap3A_616, %swap3A_617], %gather3A_395 {strides = array<i32>} : memref<1x32x256xf32, #tpu.memory_space<vmem>>, vector<16xf32>,
        %add3A_619 = arith.constant 128 : i32
        %add3A_620 = arith.addi %add3A_619, %multiple_of3A_287 : i32
        %swap3A_621 = arith.constant 0 : i32
        %swap3A_622 = arith.constant 24 : i32
        %swap3A_623 = arith.index_cast %swap3A_621 : i32 to index
        %swap3A_624 = arith.index_cast %swap3A_622 : i32 to index
        %swap3A_625 = arith.index_cast %add3A_620 : i32 to index
        %swap3A_626 = tpu.vector_load %arg12[%swap3A_623, %swap3A_624, %swap3A_625] {strides = array<i32>} : memref<1x32x256xf32, #tpu.memory_space<vmem>>, vector<16xf32>,
        tpu.vector_store %arg12[%swap3A_623, %swap3A_624, %swap3A_625], %gather3A_399 {strides = array<i32>} : memref<1x32x256xf32, #tpu.memory_space<vmem>>, vector<16xf32>,
        %add3A_627 = arith.constant 128 : i32
        %add3A_628 = arith.addi %add3A_627, %multiple_of3A_287 : i32
        %swap3A_629 = arith.constant 0 : i32
        %swap3A_630 = arith.constant 25 : i32
        %swap3A_631 = arith.index_cast %swap3A_629 : i32 to index
        %swap3A_632 = arith.index_cast %swap3A_630 : i32 to index
        %swap3A_633 = arith.index_cast %add3A_628 : i32 to index
        %swap3A_634 = tpu.vector_load %arg12[%swap3A_631, %swap3A_632, %swap3A_633] {strides = array<i32>} : memref<1x32x256xf32, #tpu.memory_space<vmem>>, vector<16xf32>,
        tpu.vector_store %arg12[%swap3A_631, %swap3A_632, %swap3A_633], %gather3A_403 {strides = array<i32>} : memref<1x32x256xf32, #tpu.memory_space<vmem>>, vector<16xf32>,
        %add3A_635 = arith.constant 128 : i32
        %add3A_636 = arith.addi %add3A_635, %multiple_of3A_287 : i32
        %swap3A_637 = arith.constant 0 : i32
        %swap3A_638 = arith.constant 26 : i32
        %swap3A_639 = arith.index_cast %swap3A_637 : i32 to index
        %swap3A_640 = arith.index_cast %swap3A_638 : i32 to index
        %swap3A_641 = arith.index_cast %add3A_636 : i32 to index
        %swap3A_642 = tpu.vector_load %arg12[%swap3A_639, %swap3A_640, %swap3A_641] {strides = array<i32>} : memref<1x32x256xf32, #tpu.memory_space<vmem>>, vector<16xf32>,
        tpu.vector_store %arg12[%swap3A_639, %swap3A_640, %swap3A_641], %gather3A_407 {strides = array<i32>} : memref<1x32x256xf32, #tpu.memory_space<vmem>>, vector<16xf32>,
        %add3A_643 = arith.constant 128 : i32
        %add3A_644 = arith.addi %add3A_643, %multiple_of3A_287 : i32
        %swap3A_645 = arith.constant 0 : i32
        %swap3A_646 = arith.constant 27 : i32
        %swap3A_647 = arith.index_cast %swap3A_645 : i32 to index
        %swap3A_648 = arith.index_cast %swap3A_646 : i32 to index
        %swap3A_649 = arith.index_cast %add3A_644 : i32 to index
        %swap3A_650 = tpu.vector_load %arg12[%swap3A_647, %swap3A_648, %swap3A_649] {strides = array<i32>} : memref<1x32x256xf32, #tpu.memory_space<vmem>>, vector<16xf32>,
        tpu.vector_store %arg12[%swap3A_647, %swap3A_648, %swap3A_649], %gather3A_411 {strides = array<i32>} : memref<1x32x256xf32, #tpu.memory_space<vmem>>, vector<16xf32>,
        %add3A_651 = arith.constant 128 : i32
        %add3A_652 = arith.addi %add3A_651, %multiple_of3A_287 : i32
        %swap3A_653 = arith.constant 0 : i32
        %swap3A_654 = arith.constant 28 : i32
        %swap3A_655 = arith.index_cast %swap3A_653 : i32 to index
        %swap3A_656 = arith.index_cast %swap3A_654 : i32 to index
        %swap3A_657 = arith.index_cast %add3A_652 : i32 to index
        %swap3A_658 = tpu.vector_load %arg12[%swap3A_655, %swap3A_656, %swap3A_657] {strides = array<i32>} : memref<1x32x256xf32, #tpu.memory_space<vmem>>, vector<16xf32>,
        tpu.vector_store %arg12[%swap3A_655, %swap3A_656, %swap3A_657], %gather3A_415 {strides = array<i32>} : memref<1x32x256xf32, #tpu.memory_space<vmem>>, vector<16xf32>,
        %add3A_659 = arith.constant 128 : i32
        %add3A_660 = arith.addi %add3A_659, %multiple_of3A_287 : i32
        %swap3A_661 = arith.constant 0 : i32
        %swap3A_662 = arith.constant 29 : i32
        %swap3A_663 = arith.index_cast %swap3A_661 : i32 to index
        %swap3A_664 = arith.index_cast %swap3A_662 : i32 to index
        %swap3A_665 = arith.index_cast %add3A_660 : i32 to index
        %swap3A_666 = tpu.vector_load %arg12[%swap3A_663, %swap3A_664, %swap3A_665] {strides = array<i32>} : memref<1x32x256xf32, #tpu.memory_space<vmem>>, vector<16xf32>,
        tpu.vector_store %arg12[%swap3A_663, %swap3A_664, %swap3A_665], %gather3A_419 {strides = array<i32>} : memref<1x32x256xf32, #tpu.memory_space<vmem>>, vector<16xf32>,
        %add3A_667 = arith.constant 128 : i32
        %add3A_668 = arith.addi %add3A_667, %multiple_of3A_287 : i32
        %swap3A_669 = arith.constant 0 : i32
        %swap3A_670 = arith.constant 30 : i32
        %swap3A_671 = arith.index_cast %swap3A_669 : i32 to index
        %swap3A_672 = arith.index_cast %swap3A_670 : i32 to index
        %swap3A_673 = arith.index_cast %add3A_668 : i32 to index
        %swap3A_674 = tpu.vector_load %arg12[%swap3A_671, %swap3A_672, %swap3A_673] {strides = array<i32>} : memref<1x32x256xf32, #tpu.memory_space<vmem>>, vector<16xf32>,
        tpu.vector_store %arg12[%swap3A_671, %swap3A_672, %swap3A_673], %gather3A_423 {strides = array<i32>} : memref<1x32x256xf32, #tpu.memory_space<vmem>>, vector<16xf32>,
        %add3A_675 = arith.constant 128 : i32
        %add3A_676 = arith.addi %add3A_675, %multiple_of3A_287 : i32
        %swap3A_677 = arith.constant 0 : i32
        %swap3A_678 = arith.constant 31 : i32
        %swap3A_679 = arith.index_cast %swap3A_677 : i32 to index
        %swap3A_680 = arith.index_cast %swap3A_678 : i32 to index
        %swap3A_681 = arith.index_cast %add3A_676 : i32 to index
        %swap3A_682 = tpu.vector_load %arg12[%swap3A_679, %swap3A_680, %swap3A_681] {strides = array<i32>} : memref<1x32x256xf32, #tpu.memory_space<vmem>>, vector<16xf32>,
        tpu.vector_store %arg12[%swap3A_679, %swap3A_680, %swap3A_681], %gather3A_427 {strides = array<i32>} : memref<1x32x256xf32, #tpu.memory_space<vmem>>, vector<16xf32>,
      }
      %scan3A_236 = arith.constant 8 : i32
      %add3A_237 = arith.addi %mul3A_4, %add3A_115 : i32
      %jit3A_238 = arith.constant 64 : i32
      %div3A_239 = arith.divsi %add3A_237, %jit3A_238 : i32
      %sign3A_240 = arith.constant 0 : i32
      %sign3A_241 = arith.cmpi sgt, %add3A_237, %sign3A_240 : i32
      %sign3A_242 = arith.extui %sign3A_241 : i1 to i32
      %sign3A_243 = arith.constant 0 : i32
      %sign3A_244 = arith.cmpi slt, %add3A_237, %sign3A_243 : i32
      %sign3A_245 = arith.extui %sign3A_244 : i1 to i32
      %sign3A_246 = arith.subi %sign3A_242, %sign3A_245 : i32
      %sign3A_247 = arith.constant 0 : i32
      %sign3A_248 = arith.cmpi sgt, %jit3A_238, %sign3A_247 : i32
      %sign3A_249 = arith.extui %sign3A_248 : i1 to i32
      %sign3A_250 = arith.constant 0 : i32
      %sign3A_251 = arith.cmpi slt, %jit3A_238, %sign3A_250 : i32
      %sign3A_252 = arith.extui %sign3A_251 : i1 to i32
      %sign3A_253 = arith.subi %sign3A_249, %sign3A_252 : i32
      %ne3A_254 = arith.cmpi ne, %sign3A_246, %sign3A_253 : i32
      %rem3A_255 = arith.remsi %add3A_237, %jit3A_238 : i32
      %ne3A_256 = arith.constant 0 : i32
      %ne3A_257 = arith.cmpi ne, %rem3A_255, %ne3A_256 : i32
      %and3A_258 = arith.andi %ne3A_254, %ne3A_257 : i1
      %sub3A_259 = arith.constant 1 : i32
      %sub3A_260 = arith.subi %div3A_239, %sub3A_259 : i32
      %select_n3A_261 = arith.select %and3A_258, %sub3A_260, %div3A_239 : i32
      %jit3A_262 = arith.constant 64 : i32
      %eq3A_263 = arith.constant 0 : i32
      %eq3A_264 = arith.cmpi eq, %jit3A_262, %eq3A_263 : i32
      %jit3A_265 = arith.constant 1 : i32
      %select_n3A_266 = arith.select %eq3A_264, %jit3A_265, %jit3A_262 : i32
      %rem3A_267 = arith.remsi %add3A_237, %select_n3A_266 : i32
      %ne3A_268 = arith.constant 0 : i32
      %ne3A_269 = arith.cmpi ne, %rem3A_267, %ne3A_268 : i32
      %lt3A_270 = arith.constant 0 : i32
      %lt3A_271 = arith.cmpi slt, %rem3A_267, %lt3A_270 : i32
      %lt3A_272 = arith.constant 0 : i32
      %lt3A_273 = arith.cmpi slt, %select_n3A_266, %lt3A_272 : i32
      %ne3A_274 = arith.xori %lt3A_271, %lt3A_273 : i1
      %and3A_275 = arith.andi %ne3A_274, %ne3A_269 : i1
      %add3A_276 = arith.addi %rem3A_267, %select_n3A_266 : i32
      %select_n3A_277 = arith.select %and3A_275, %add3A_276, %rem3A_267 : i32
      %mul3A_278 = arith.constant 256 : i32
      %mul3A_279 = arith.muli %select_n3A_277, %mul3A_278 : i32
      %dma_start3A_280 = arith.constant 0 : i32
      %dma_start3A_281 = tpu.memref_slice %arg4[%select_n3A_261, %dma_start3A_280, %mul3A_279] : memref<26x32x16384xf32, #tpu.memory_space<hbm>> -> memref<1x32x256xf32, #tpu.memory_space<hbm>>
      %dma_start3A_282 = arith.constant 0 : i32
      %dma_start3A_283 = tpu.memref_slice %arg4[%select_n3A_261, %dma_start3A_282, %mul3A_279] : memref<26x32x16384xf32, #tpu.memory_space<hbm>> -> memref<1x32x256xf32, #tpu.memory_space<hbm>>
      tpu.enqueue_dma source(%arg12 : memref<1x32x256xf32, #tpu.memory_space<vmem>>) target(%dma_start3A_283 : memref<1x32x256xf32, #tpu.memory_space<hbm>>) target_semaphore(%arg16 : memref<!tpu.dma_semaphore, #tpu.memory_space<semaphore_mem>>)
    }
    %scan3A_25 = arith.constant 26 : i32
    %add3A_26 = arith.constant 0 : i32
    %add3A_27 = arith.addi %mul3A_4, %add3A_26 : i32
    %jit3A = arith.constant 64 : i32
    %div3A = arith.divsi %add3A_27, %jit3A : i32
    %sign3A = arith.constant 0 : i32
    %sign3A_28 = arith.cmpi sgt, %add3A_27, %sign3A : i32
    %sign3A_29 = arith.extui %sign3A_28 : i1 to i32
    %sign3A_30 = arith.constant 0 : i32
    %sign3A_31 = arith.cmpi slt, %add3A_27, %sign3A_30 : i32
    %sign3A_32 = arith.extui %sign3A_31 : i1 to i32
    %sign3A_33 = arith.subi %sign3A_29, %sign3A_32 : i32
    %sign3A_34 = arith.constant 0 : i32
    %sign3A_35 = arith.cmpi sgt, %jit3A, %sign3A_34 : i32
    %sign3A_36 = arith.extui %sign3A_35 : i1 to i32
    %sign3A_37 = arith.constant 0 : i32
    %sign3A_38 = arith.cmpi slt, %jit3A, %sign3A_37 : i32
    %sign3A_39 = arith.extui %sign3A_38 : i1 to i32
    %sign3A_40 = arith.subi %sign3A_36, %sign3A_39 : i32
    %ne3A = arith.cmpi ne, %sign3A_33, %sign3A_40 : i32
    %rem3A = arith.remsi %add3A_27, %jit3A : i32
    %ne3A_41 = arith.constant 0 : i32
    %ne3A_42 = arith.cmpi ne, %rem3A, %ne3A_41 : i32
    %and3A = arith.andi %ne3A, %ne3A_42 : i1
    %sub3A = arith.constant 1 : i32
    %sub3A_43 = arith.subi %div3A, %sub3A : i32
    %select_n3A = arith.select %and3A, %sub3A_43, %div3A : i32
    %jit3A_44 = arith.constant 64 : i32
    %eq3A = arith.constant 0 : i32
    %eq3A_45 = arith.cmpi eq, %jit3A_44, %eq3A : i32
    %jit3A_46 = arith.constant 1 : i32
    %select_n3A_47 = arith.select %eq3A_45, %jit3A_46, %jit3A_44 : i32
    %rem3A_48 = arith.remsi %add3A_27, %select_n3A_47 : i32
    %ne3A_49 = arith.constant 0 : i32
    %ne3A_50 = arith.cmpi ne, %rem3A_48, %ne3A_49 : i32
    %lt3A = arith.constant 0 : i32
    %lt3A_51 = arith.cmpi slt, %rem3A_48, %lt3A : i32
    %lt3A_52 = arith.constant 0 : i32
    %lt3A_53 = arith.cmpi slt, %select_n3A_47, %lt3A_52 : i32
    %ne3A_54 = arith.xori %lt3A_51, %lt3A_53 : i1
    %and3A_55 = arith.andi %ne3A_54, %ne3A_50 : i1
    %add3A_56 = arith.addi %rem3A_48, %select_n3A_47 : i32
    %select_n3A_57 = arith.select %and3A_55, %add3A_56, %rem3A_48 : i32
    %mul3A_58 = arith.constant 256 : i32
    %mul3A_59 = arith.muli %select_n3A_57, %mul3A_58 : i32
    %dma_wait3A = arith.constant 0 : i32
    %dma_wait3A_60 = tpu.memref_slice %arg4[%select_n3A, %dma_wait3A, %mul3A_59] : memref<26x32x16384xf32, #tpu.memory_space<hbm>> -> memref<1x32x256xf32, #tpu.memory_space<hbm>>
    %dma_wait3A_61 = arith.constant 0 : i32
    %dma_wait3A_62 = tpu.memref_slice %arg4[%select_n3A, %dma_wait3A_61, %mul3A_59] : memref<26x32x16384xf32, #tpu.memory_space<hbm>> -> memref<1x32x256xf32, #tpu.memory_space<hbm>>
    tpu.wait_dma2 semaphore(%arg15 : memref<!tpu.dma_semaphore, #tpu.memory_space<semaphore_mem>>) src(%arg11 : memref<1x32x256xf32, #tpu.memory_space<vmem>>) dst(%dma_wait3A_62 : memref<1x32x256xf32, #tpu.memory_space<hbm>>)
    %add3A_63 = arith.constant 0 : i32
    %add3A_64 = arith.addi %mul3A_4, %add3A_63 : i32
    %jit3A_65 = arith.constant 64 : i32
    %div3A_66 = arith.divsi %add3A_64, %jit3A_65 : i32
    %sign3A_67 = arith.constant 0 : i32
    %sign3A_68 = arith.cmpi sgt, %add3A_64, %sign3A_67 : i32
    %sign3A_69 = arith.extui %sign3A_68 : i1 to i32
    %sign3A_70 = arith.constant 0 : i32
    %sign3A_71 = arith.cmpi slt, %add3A_64, %sign3A_70 : i32
    %sign3A_72 = arith.extui %sign3A_71 : i1 to i32
    %sign3A_73 = arith.subi %sign3A_69, %sign3A_72 : i32
    %sign3A_74 = arith.constant 0 : i32
    %sign3A_75 = arith.cmpi sgt, %jit3A_65, %sign3A_74 : i32
    %sign3A_76 = arith.extui %sign3A_75 : i1 to i32
    %sign3A_77 = arith.constant 0 : i32
    %sign3A_78 = arith.cmpi slt, %jit3A_65, %sign3A_77 : i32
    %sign3A_79 = arith.extui %sign3A_78 : i1 to i32
    %sign3A_80 = arith.subi %sign3A_76, %sign3A_79 : i32
    %ne3A_81 = arith.cmpi ne, %sign3A_73, %sign3A_80 : i32
    %rem3A_82 = arith.remsi %add3A_64, %jit3A_65 : i32
    %ne3A_83 = arith.constant 0 : i32
    %ne3A_84 = arith.cmpi ne, %rem3A_82, %ne3A_83 : i32
    %and3A_85 = arith.andi %ne3A_81, %ne3A_84 : i1
    %sub3A_86 = arith.constant 1 : i32
    %sub3A_87 = arith.subi %div3A_66, %sub3A_86 : i32
    %select_n3A_88 = arith.select %and3A_85, %sub3A_87, %div3A_66 : i32
    %jit3A_89 = arith.constant 64 : i32
    %eq3A_90 = arith.constant 0 : i32
    %eq3A_91 = arith.cmpi eq, %jit3A_89, %eq3A_90 : i32
    %jit3A_92 = arith.constant 1 : i32
    %select_n3A_93 = arith.select %eq3A_91, %jit3A_92, %jit3A_89 : i32
    %rem3A_94 = arith.remsi %add3A_64, %select_n3A_93 : i32
    %ne3A_95 = arith.constant 0 : i32
    %ne3A_96 = arith.cmpi ne, %rem3A_94, %ne3A_95 : i32
    %lt3A_97 = arith.constant 0 : i32
    %lt3A_98 = arith.cmpi slt, %rem3A_94, %lt3A_97 : i32
    %lt3A_99 = arith.constant 0 : i32
    %lt3A_100 = arith.cmpi slt, %select_n3A_93, %lt3A_99 : i32
    %ne3A_101 = arith.xori %lt3A_98, %lt3A_100 : i1
    %and3A_102 = arith.andi %ne3A_101, %ne3A_96 : i1
    %add3A_103 = arith.addi %rem3A_94, %select_n3A_93 : i32
    %select_n3A_104 = arith.select %and3A_102, %add3A_103, %rem3A_94 : i32
    %mul3A_105 = arith.constant 256 : i32
    %mul3A_106 = arith.muli %select_n3A_104, %mul3A_105 : i32
    %dma_wait3A_107 = arith.constant 0 : i32
    %dma_wait3A_108 = tpu.memref_slice %arg4[%select_n3A_88, %dma_wait3A_107, %mul3A_106] : memref<26x32x16384xf32, #tpu.memory_space<hbm>> -> memref<1x32x256xf32, #tpu.memory_space<hbm>>
    %dma_wait3A_109 = arith.constant 0 : i32
    %dma_wait3A_110 = tpu.memref_slice %arg4[%select_n3A_88, %dma_wait3A_109, %mul3A_106] : memref<26x32x16384xf32, #tpu.memory_space<hbm>> -> memref<1x32x256xf32, #tpu.memory_space<hbm>>
    tpu.wait_dma2 semaphore(%arg16 : memref<!tpu.dma_semaphore, #tpu.memory_space<semaphore_mem>>) src(%arg12 : memref<1x32x256xf32, #tpu.memory_space<vmem>>) dst(%dma_wait3A_110 : memref<1x32x256xf32, #tpu.memory_space<hbm>>)
    return
  }
}

</mosaic_0001>

<sc_bundles>
// kernel: kernel.3.cloned.1.call-start
scs
__scs_entry_jumppad:
0x0: {  	(pc) =	sbr.rel $0x88, $3  }
0x1: {  	(tag) =	ssettag $0x0;
	lr =	simm.s32 $0x1  }
0x2: {  	[smem:$0x3F9F] =	sst lr;
	_ =	strace $0xD0000000  }
0x3: {  	_ = 	snop  }
0x4: {  	_ = 	snop  }
0x5: {  	_ = 	snop  }
0x6: {  	_ = 	snop  }
0x7: {  	_ = 	snop  }
__scs_overlays_trampoline_lowered:
0x8: {  	[smem:$0x3FAE] =	sst s0  }
0x9: {  	[smem:$0x3FAF] =	sst s1  }
0xa: {  	[smem:$0x3FB0] =	sst s2  }
0xb: {  	[smem:$0x3FB1] =	sst s3  }
0xc: {  	[smem:$0x3FB2] =	sst s4  }
0xd: {  	[smem:$0x3FB3] =	sst s5  }
0xe: {  	[smem:$0x3FB4] =	sst s6  }
0xf: {  	[smem:$0x3FB5] =	sst s7  }
0x10: {  	[smem:$0x3FB6] =	sst s8  }
0x11: {  	[smem:$0x3FB7] =	sst s9;
	s0 =	simm.s32 @!p0 $0x0  }
0x12: {  	s1 =	sld [smem:$0x3F9D];
	s0 =	simm.s32 @p0 $0x1  }
0x13: {  	[smem:$0x3FB8] =	sst s0;
	s0 =	simm.s32 @!p1 $0x0  }
0x14: {  	s2 =	sld [smem:$0x3F9C];
	s0 =	simm.s32 @p1 $0x1  }
0x15: {  	[smem:$0x3FB9] =	sst s0;
	s0 =	simm.s32 @!p2 $0x0  }
0x16: {  	s3 =	sld [smem:$0x3FDB];
	s0 =	simm.s32 @p2 $0x1  }
0x17: {  	s4 =	simm.s32 $0x1BF5;
	[smem:$0x3FBB] =	sst s0  }
0x18: {  	s0 =	sld [smem:$0x3F9E];
	_ =	swait.ge [sflag:s4], $0x0  }
0x19: {  	s7 =	sld [smem:$0x3F9F]  }
0x1a: {  	s8 =	sadd.s32 $0xFFFFE003, lr  }
0x1b: {  	s9 =	sadd.s32 $0xFFFFFEF7, lr;
	s5 =	simm.s32 $0xFFFFFFFF;
	p2 =	slt.u32 s8, $0xFFFFF086  }
0x1c: {  	p1 =	slt.u32 s9, $0xF7A;
	s5 =	simm.s32 @!p2 $0x0  }
0x1d: {  	s5 =	simm.s32 @p1 $0x1;
	p0 =	seq.s32 s7, s2  }
0x1e: {  	s7 =	smul.u32 @!p0 $0xF7A, s2;
	p2 =	seq.s32 @!p0 s5, $0x0  }
0x1f: {  	s9 =	smul.u32 $0xF7A, s1;
	s8 =	simm.s32 @!p0 $0x1BF5;
	p2 =	por !p2, p0  }
0x20: {  	[sflag:s8] =	ssyncset.s32 @!p0 $0xFFFFF086;
	s6 =	sadd.s32 @!p0 s3, s7;
	s7 =	simm.s32 @!p0 $0x108  }
0x21: {  	s3 =	sadd.s32 s3, s9;
	s6 =	sadd.s32 @!p0 $0x88, s6;
	s7 =	simm.s32 @p2 $0x1082  }
0x22: {  	[simem:s7], [sflag:s8] =	dma.local @!p0 [hbm:s6], $0xF7A  }
0x23: {  	s9 =	sor.u32 $0xD0000000, s2;
	s6 =	simm.s32 $0x108;
	_ =	swait.ge @!p0 [sflag:s8], $0x0  }
0x24: {  	s3 =	sadd.s32 $0x88, s3;
	s6 =	simm.s32 @!p1 $0x1082;
	[sflag:s4] =	ssyncset.s32 $0xFFFFF086  }
0x25: {  	[simem:s6], [sflag:s4] =	dma.local [hbm:s3], $0xF7A  }
0x26: {  	[smem:$0x3F9F] =	sst s1;
	(tag) =	ssettag s2;
	_ =	strace s9  }
0x27: {  	s1 =	sld [smem:$0x3FAF]  }
0x28: {  	s2 =	sld [smem:$0x3FB0]  }
0x29: {  	s4 =	sld [smem:$0x3FB2]  }
0x2a: {  	p0 =	seq.s32 s5, $0x0;
	s5 =	sld [smem:$0x3FB3]  }
0x2b: {  	s6 =	sld [smem:$0x3FB4]  }
0x2c: {  	s7 =	sld [smem:$0x3FB5]  }
0x2d: {  	s3 =	simm.s32 $0x108;
	s8 =	sld [smem:$0x3FB6]  }
0x2e: {  	s3 =	simm.s32 @!p0 $0x1082;
	s9 =	sld [smem:$0x3FB7]  }
0x2f: {  	lr =	sadd.s32 s0, s3;
	s0 =	sld [smem:$0x3FAE]  }
0x30: {  	s3 =	sld [smem:$0x3FB1]  }
0x31: {  	[smem:$0x3FBA] =	sst s10  }
0x32: {  	s10 =	sld [smem:$0x3FB8];
	_ =	sdelay $0x3  }
0x33: {  	p0 =	seq.s32 s10, $0x1;
	s10 =	sld [smem:$0x3FBA];
	_ =	sdelay $0x3  }
0x34: {  	[smem:$0x3FBA] =	sst s10  }
0x35: {  	s10 =	sld [smem:$0x3FB9];
	_ =	sdelay $0x3  }
0x36: {  	p1 =	seq.s32 s10, $0x1;
	s10 =	sld [smem:$0x3FBA];
	_ =	sdelay $0x3  }
0x37: {  	[smem:$0x3FBA] =	sst s10  }
0x38: {  	s10 =	sld [smem:$0x3FBB]  }
0x39: {  	_ = 	snop;
	(pc) =	sbr.ind lr, $3  }
0x3a: {  	_ = 	snop  }
0x3b: {  	_ = 	snop  }
0x3c: {  	p2 =	seq.s32 s10, $0x1;
	s10 =	sld [smem:$0x3FBA]  }
0x3d: {  	_ =	shalt  }
0x3e: {  	_ =	shalt  }
0x3f: {  	_ =	shalt  }
0x40: {  	_ =	shalt  }
0x41: {  	_ =	shalt  }
0x42: {  	_ =	shalt  }
0x43: {  	_ =	shalt  }
0x44: {  	_ =	shalt  }
0x45: {  	_ =	shalt  }
0x46: {  	_ =	shalt  }
0x47: {  	_ =	shalt  }
0x48: {  	_ =	shalt  }
0x49: {  	_ =	shalt  }
0x4a: {  	_ =	shalt  }
0x4b: {  	_ =	shalt  }
0x4c: {  	_ =	shalt  }
0x4d: {  	_ =	shalt  }
0x4e: {  	_ =	shalt  }
0x4f: {  	_ =	shalt  }
0x50: {  	_ =	shalt  }
0x51: {  	_ =	shalt  }
0x52: {  	_ =	shalt  }
0x53: {  	_ =	shalt  }
0x54: {  	_ =	shalt  }
0x55: {  	_ =	shalt  }
0x56: {  	_ =	shalt  }
0x57: {  	_ =	shalt  }
0x58: {  	_ =	shalt  }
0x59: {  	_ =	shalt  }
0x5a: {  	_ =	shalt  }
0x5b: {  	_ =	shalt  }
0x5c: {  	_ =	shalt  }
0x5d: {  	_ =	shalt  }
0x5e: {  	_ =	shalt  }
0x5f: {  	_ =	shalt  }
0x60: {  	_ =	shalt  }
0x61: {  	_ =	shalt  }
0x62: {  	_ =	shalt  }
0x63: {  	_ =	shalt  }
0x64: {  	_ =	shalt  }
0x65: {  	_ =	shalt  }
0x66: {  	_ =	shalt  }
0x67: {  	_ =	shalt  }
0x68: {  	_ =	shalt  }
0x69: {  	_ =	shalt  }
0x6a: {  	_ =	shalt  }
0x6b: {  	_ =	shalt  }
0x6c: {  	_ =	shalt  }
0x6d: {  	_ =	shalt  }
0x6e: {  	_ =	shalt  }
0x6f: {  	_ =	shalt  }
0x70: {  	_ =	shalt  }
0x71: {  	_ =	shalt  }
0x72: {  	_ =	shalt  }
0x73: {  	_ =	shalt  }
0x74: {  	_ =	shalt  }
0x75: {  	_ =	shalt  }
0x76: {  	_ =	shalt  }
0x77: {  	_ =	shalt  }
0x78: {  	_ =	shalt  }
0x79: {  	_ =	shalt  }
0x7a: {  	_ =	shalt  }
0x7b: {  	_ =	shalt  }
0x7c: {  	_ =	shalt  }
0x7d: {  	_ =	shalt  }
0x7e: {  	_ =	shalt  }
0x7f: {  	_ =	shalt  }
0x80: {  	_ =	shalt  }
0x81: {  	_ =	shalt  }
0x82: {  	_ =	shalt  }
0x83: {  	_ =	shalt  }
0x84: {  	_ =	shalt  }
0x85: {  	_ =	shalt  }
0x86: {  	_ =	shalt  }
0x87: {  	_ =	shalt  }
.Lfunc_end0:
.L_simem_size_0:
called_computation_lowered:
.L_overlay_start_0:
0x88: {  	s2 =	sld [smem:$0x3FD9]  }
0x89: {  	s3 =	sld [smem:$0x3FFE];
	_ =	sdelay $0x1  }
0x8a: {  	s1 =	srdreg.scid  }
0x8b: {  	s0 =	sand.u32 $0x1, s1  }
0x8c: {  	s17 =	sshll.u32 s0, $0xA;
	s2 =	sadd.s32 s3, s2  }
0x8d: {  	s2 =	sadd.s32 s2, s17  }
0x8e: {  	[smem:$0x3FC6] =	sst s2  }
0x8f: {  	_ = 	snop  }
0x90: {  	s2 =	sld [smem:$0x3FD0];
	(tm) =	ssettm $0x1  }
0x91: {  	s18 =	sld [smem:$0x3FFB];
	_ =	sdelay $0x3  }
0x92: {  	_ =	strace s18  }
0x93: {  	s3 =	sld [smem:$0x3FFC];
	_ =	sdelay $0x3  }
0x94: {  	_ =	strace s3  }
0x95: {  	s3 =	sld [smem:$0x3FFD];
	_ =	sdelay $0x3  }
0x96: {  	_ =	strace s3  }
0x97: {  	_ =	strace $0x8FFFFFFF  }
0x98: {  	s19 =	sld [smem:$0x3FDB];
	_ =	sdelay $0x1  }
0x99: {  	s4 =	simm.s32 $_scs_section_size  }
0x9a: {  	s5 =	simm.s32 $_size__tile_overlayer_lowered;
	s6 =	simm.s32 $_tile_overlayer_lowered  }
0x9b: {  	s22 =	simm.s32 $0x1BFF;
	s21 =	sshll.u32 s6, $0x1;
	s3 =	sadd.s32 s4, s19  }
0x9c: {  	s7 =	simm.s32 $0x0;
	s20 =	sshll.u32 s5, $0x1;
	s5 =	sadd.s32 s21, s3  }
0x9d: {  	[timem:s7], [sflag:s22] =	dma.local [hbm:s5], s20  }
0x9e: {  	_ =	swait.ge [sflag:s22], s20  }
0x9f: {  	s4 =	ssub.s32 $0x0, s20;
	[sflag:s22] =	ssyncset.done $0x0  }
0xa0: {  	[sflag:s22] =	ssyncadd.s32 s4;
	_ =	sdelay $0x1  }
0xa1: {  	s23 =	simm.s32 $0x1B8B  }
0xa2: {  	_ =	swait.ge [sflag:s23], $0x1  }
0xa3: {  	[sflag:s23] =	ssyncset.done $0x0  }
0xa4: {  	s25 =	simm.s32 $0x1B8E;
	s24 =	sld [smem:$0x3FFE];
	[sflag:s23] =	ssyncadd.s32 $0xFFFFFFFF  }
0xa5: {  	s26 =	simm.s32 $execute0_lowered;
	[smem:$0x3FD2] =	sst s25  }
0xa6: {  	s5 =	sshll.u32 s26, $0x1;
	_ =	strace $0x80000046;
	[dreg:$0x1] =	wrdreg $0xFFFFFFFF  }
0xa7: {  	s28 =	simm.s32 $_size_execute0_lowered;
	s3 =	sadd.s32 s3, s5;
	[dreg:$0x0] =	wrdreg $0x0  }
0xa8: {  	s5 =	sshll.u32 s28, $0x1;
	[dreg:$0x2] =	wrdreg s3  }
0xa9: {  	[dreg:$0x3] =	wrdreg s5  }
0xaa: {  	[dreg:$0x4] =	wrdreg $0xC0  }
0xab: {  	_ =	task [dreg:s7], $0x5FFFF  }
0xac: {  	[dreg:$0x1] =	wrdreg $0xFFFFFFFF  }
0xad: {  	[dreg:$0x0] =	wrdreg $0x60  }
0xae: {  	[dreg:$0x2] =	wrdreg s24  }
0xaf: {  	[dreg:$0x3] =	wrdreg s2  }
0xb0: {  	[dreg:$0x4] =	wrdreg $0x9  }
0xb1: {  	_ =	task.clear_ibuf [dreg:s7], $0x5FFFF;
	_ =	strace $0x90000046  }
0xb2: {  	s29 =	simm.s32 $0x9;
	_ =	strace $0x80000048  }
0xb3: {  	_ =	swait.ge [sflag:s29], $0x1  }
0xb4: {  	[sflag:s29] =	ssyncadd.s32 $0xFFFFFFFF  }
0xb5: {  	_ =	strace $0x90000048  }
0xb6: {  	_ =	sfence  }
0xb7: {  	s30 =	sld [smem:$0x0];
	_ =	sdelay $0x2  }
0xb8: {  	s31 =	sshll.u32 s1, $0xD;
	s1 =	sshrl.u32 s1, $0x2  }
0xb9: {  	s3 =	sand.u32 $0x4000, s31;
	s1 =	sadd.s32 s1, s30  }
0xba: {  	s0 =	sor.u32 s3, s0;
	s1 =	sshll.u32 s1, $0x11  }
0xbb: {  	s0 =	sor.u32 s1, s0  }
0xbc: {  	s0 =	sadd.s32 $0x8F2B, s0  }
0xbd: {  	[sflag:s0] =	ssyncadd.remote.s32 $0x1  }
0xbe: {  	_ =	sfence.sel $0xFFFF  }
0xbf: {  	[dreg:$0x0] =	wrdreg $0xFFFFFFFF;
	(pc) =	sbr.abs _section_cstart, $3  }
0xc0: {  	[dreg:$0x1] =	wrdreg $0xFFFFFFFF  }
0xc1: {  	_ =	task.clear_ibuf [dreg:s7], $0x2FFFF;
	_ =	strace $0x9FFFFFFF  }
0xc2: {  	(tm) =	ssettm $0x7FFFFFFF  }
0xc3: {  	_ =	shalt  }
tec
execute0_lowered:
.L_overlay_start_1:
0x0: {  	(tag) =	ssettag $0x1  }
0x1: {  	s0 =	rddreg [dreg:$0x0];
	s1 =	srdreg.scid  }
0x2: {  	s3 =	stileid.u32;
	s2 =	rddreg [dreg:$0x1]  }
0x3: {  	s4 =	simm.s32 $0x0;
	s8 =	simm.s32 $0x5;
	s10 =	simm.s32 $0x6800  }
0x4: {  	s12 =	simm.s32 $0xA800;
	s13 =	simm.s32 $0x80;
	s14 =	simm.s32 $0xE800  }
0x5: {  	s15 =	simm.s32 $0x12800;
	s16 =	simm.s32 $0x1;
	s17 =	simm.s32 $0x800  }
0x6: {  	s18 =	simm.s32 $0x20000;
	s19 =	simm.s32 $0x16800;
	s20 =	simm.s32 $0x2  }
0x7: {  	s21 =	simm.s32 $0x18800;
	s1 =	sand.u32 $0x1, s1;
	s3 =	sshll.u32 s3, $0x1  }
0x8: {  	s22 =	simm.s32 $0x3;
	s23 =	simm.s32 $0x4;
	s3 =	sor.u32 s1, s3  }
0x9: {  	s24 =	simm.s32 $0x0;
	s1 =	ssub.s32 $0x2, s1;
	s30 =	smul.u32 $0x680, s3  }
0xa: {  	[smem:$0x7FF] =	sst s4;
	s4 =	sadd.s32 $0xF42A00, s0;
	s31 =	sshrl.u32 s1, $0x1  }
0xb: {  	v0 =	vlaneseq.u32;
	_ =	strace $0x80000047;
	s6 =	sadd.s32 s30, s0;
	s0 =	ssub.s32 s1, s31  }
0xc: {  	v0 =	vmul.u32 $0x80, v0;
	s5 =	smul.u32 $0x34, s3;
	s6 =	sadd.s32 $0x600, s6;
	s7 =	smax.u32 s0, $0x1  }
.LBB2_1:
0xd: {  	s0 =	simm.s32 $0x0  }
0xe: {  	[tilespmem:s0], [sflag:$0x5] =	stream.linear.gather [hbm4b:s6+s0], $0x3400, $0x38;
	[tilespmem:$0x1A800] =	vst v63  }
0xf: {  	_ =	swait.ge [sflag:s8], $0x3400  }
0x10: {  	[sflag:s8] =	ssyncset.done $0x0  }
0x11: {  	s0 =	simm.s32 $0x0;
	[sflag:s8] =	ssyncadd.s32 $0xFFFFCC00  }
0x12: {  	s1 =	simm.s32 $0x40;
	v1 =	vld [tilespmem:s0+$0x0]  }
.LBB2_2:
0x13: {  	p0 =	sne.s32 s1, $0xCFC0  }
.Ltmp0:
0x14: {  	_ = 	snop;
	(pc) =	sbr.rel @p0 .LBB2_2-.Ltmp0, $3  }
0x15: {  	_ =	sdelay $0x1  }
0x16: {  	s3 =	sshra.s32 s1, $0x2;
	s1 =	sadd.s32 $0x40, s1;
	v2 =	vshra.s32 v1, $0x2  }
0x17: {  	v1 =	vld [tilespmem:s3+$0x0];
	[tilespmem:s0+$0x3400] =	vst v2;
	s0 =	smov.u32 s3  }
0x18: {  	_ =	sdelay $0x3  }
0x19: {  	s25 =	simm.s32 $0x80;
	v1 =	vshra.s32 v1, $0x2  }
0x1a: {  	s26 =	simm.s32 $0x3400;
	s31 =	simm.s32 $0x3480;
	s28 =	simm.s32 $0x100;
	[tilespmem:s0+$0x3400] =	vst v1  }
0x1b: {  	[tilespmem:s10], [sflag:$0x1] =	stream.indirect.gather [hbm4b:s4+s25], $0x80, s26, s25, $0xb8;
	[tilespmem:$0x1A800] =	vst v63  }
0x1c: {  	s29 =	simm.s32 $0x180;
	s30 =	simm.s32 $0x0;
	s26 =	simm.s32 $0x0  }
0x1d: {  	[tilespmem:s12], [sflag:$0x1] =	stream.indirect.gather [hbm4b:s4+s25], $0x80, s31, s25, $0xb8;
	[tilespmem:$0x1A800] =	vst v63  }
.LBB2_4:
0x1e: {  	s31 =	sshllo.u32 s30, $0x1  }
0x1f: {  	s0 =	sshll.u32 s31, $0x8  }
0x20: {  	s1 =	sadd.s32 $0x3400, s0  }
0x21: {  	[tilespmem:s14], [sflag:$0x2] =	stream.indirect.gather [hbm4b:s4+s13], $0x80, s1, s13, $0xb8;
	[tilespmem:$0x1A800] =	vst v63  }
0x22: {  	s0 =	sadd.s32 $0x3480, s0  }
0x23: {  	[tilespmem:s15], [sflag:$0x2] =	stream.indirect.gather [hbm4b:s4+s13], $0x80, s0, s13, $0xb8;
	[tilespmem:$0x1A800] =	vst v63  }
0x24: {  	_ =	swait.ge [sflag:s16], $0x4000  }
0x25: {  	[sflag:s16] =	ssyncset.done $0x0  }
0x26: {  	[sflag:s16] =	ssyncadd.s32 $0xFFFFC000  }
0x27: {  	_ =	swait.ge [sflag:s16], $0x4000  }
0x28: {  	p0 =	seq.s32 s30, $0x0;
	[sflag:s16] =	ssyncset.done $0x0  }
0x29: {  	s1 =	simm.s32 @!p0 $0x3;
	[sflag:s16] =	ssyncadd.s32 $0xFFFFC000  }
0x2a: {  	s3 =	simm.s32 $0x17800;
	_ =	swait.ge @!p0 [sflag:s1], $0x2000  }
0x2b: {  	s9 =	smov.u32 s26;
	s11 =	simm.s32 $0x0;
	[sflag:s1] =	ssyncset.done @!p0 $0x0  }
0x2c: {  	s0 =	sshll.u32 s30, $0x1;
	[sflag:s1] =	ssyncadd.s32 @!p0 $0xFFFFE000;
	s1 =	sshll.u32 s30, $0xB  }
.LBB2_5:
0x2d: {  	v1 =	vld [tilespmem:s9+$0x0];
	_ =	sdelay $0x3  }
0x2e: {  	v2 =	vmov s11  }
0x2f: {  	v2 =	vshll.u32 v2, $0x7;
	v1 =	vshll.u32 v1, $0x5  }
0x30: {  	v2 =	vor.u32 v0, v2;
	v1 =	vand.u32 $0x60, v1  }
0x31: {  	v1 =	vor.u32 v2, v1  }
0x32: {  	v2 =	vor.u32 $0x1, v1  }
0x33: {  	v3 =	vor.u32 $0x2, v1  }
0x34: {  	v4 =	vor.u32 $0x3, v1  }
0x35: {  	v5 =	vor.u32 $0x4, v1  }
0x36: {  	v7 =	vor.u32 $0x5, v1;
	v6 =	vld.idx.msk [tilespmem:v1+s10+$0x0], $0xffff  }
0x37: {  	v8 =	vor.u32 $0x6, v1;
	v2 =	vld.idx.msk [tilespmem:v2+s10+$0x0], $0xffff  }
0x38: {  	v9 =	vor.u32 $0x7, v1;
	v3 =	vld.idx.msk [tilespmem:v3+s10+$0x0], $0xffff  }
0x39: {  	v10 =	vor.u32 $0x8, v1;
	v4 =	vld.idx.msk [tilespmem:v4+s10+$0x0], $0xffff  }
0x3a: {  	v11 =	vor.u32 $0x9, v1;
	v5 =	vld.idx.msk [tilespmem:v5+s10+$0x0], $0xffff  }
0x3b: {  	v12 =	vor.u32 $0xA, v1;
	v7 =	vld.idx.msk [tilespmem:v7+s10+$0x0], $0xffff  }
0x3c: {  	v13 =	vor.u32 $0xB, v1;
	v8 =	vld.idx.msk [tilespmem:v8+s10+$0x0], $0xffff  }
0x3d: {  	v14 =	vor.u32 $0xC, v1;
	v9 =	vld.idx.msk [tilespmem:v9+s10+$0x0], $0xffff  }
0x3e: {  	v15 =	vor.u32 $0xD, v1;
	v10 =	vld.idx.msk [tilespmem:v10+s10+$0x0], $0xffff  }
0x3f: {  	v16 =	vor.u32 $0xE, v1;
	v11 =	vld.idx.msk [tilespmem:v11+s10+$0x0], $0xffff  }
0x40: {  	v17 =	vor.u32 $0xF, v1;
	v12 =	vld.idx.msk [tilespmem:v12+s10+$0x0], $0xffff  }
0x41: {  	v18 =	vor.u32 $0x10, v1;
	v13 =	vld.idx.msk [tilespmem:v13+s10+$0x0], $0xffff  }
0x42: {  	v19 =	vor.u32 $0x11, v1;
	v14 =	vld.idx.msk [tilespmem:v14+s10+$0x0], $0xffff  }
0x43: {  	v20 =	vor.u32 $0x12, v1;
	v15 =	vld.idx.msk [tilespmem:v15+s10+$0x0], $0xffff  }
0x44: {  	v21 =	vor.u32 $0x13, v1;
	v16 =	vld.idx.msk [tilespmem:v16+s10+$0x0], $0xffff  }
0x45: {  	v22 =	vor.u32 $0x14, v1;
	v17 =	vld.idx.msk [tilespmem:v17+s10+$0x0], $0xffff  }
0x46: {  	v23 =	vor.u32 $0x15, v1;
	v18 =	vld.idx.msk [tilespmem:v18+s10+$0x0], $0xffff  }
0x47: {  	v24 =	vor.u32 $0x16, v1;
	v19 =	vld.idx.msk [tilespmem:v19+s10+$0x0], $0xffff  }
0x48: {  	v25 =	vor.u32 $0x17, v1;
	v20 =	vld.idx.msk [tilespmem:v20+s10+$0x0], $0xffff  }
0x49: {  	v26 =	vor.u32 $0x18, v1;
	v21 =	vld.idx.msk [tilespmem:v21+s10+$0x0], $0xffff  }
0x4a: {  	v27 =	vor.u32 $0x19, v1;
	v22 =	vld.idx.msk [tilespmem:v22+s10+$0x0], $0xffff  }
0x4b: {  	v28 =	vor.u32 $0x1A, v1;
	v23 =	vld.idx.msk [tilespmem:v23+s10+$0x0], $0xffff  }
0x4c: {  	v29 =	vor.u32 $0x1B, v1;
	v24 =	vld.idx.msk [tilespmem:v24+s10+$0x0], $0xffff  }
0x4d: {  	v30 =	vor.u32 $0x1C, v1;
	v25 =	vld.idx.msk [tilespmem:v25+s10+$0x0], $0xffff  }
0x4e: {  	v31 =	vor.u32 $0x1D, v1;
	v26 =	vld.idx.msk [tilespmem:v26+s10+$0x0], $0xffff  }
0x4f: {  	v32 =	vor.u32 $0x1E, v1;
	v27 =	vld.idx.msk [tilespmem:v27+s10+$0x0], $0xffff  }
0x50: {  	v1 =	vor.u32 $0x1F, v1;
	v28 =	vld.idx.msk [tilespmem:v28+s10+$0x0], $0xffff  }
0x51: {  	v29 =	vld.idx.msk [tilespmem:v29+s10+$0x0], $0xffff  }
0x52: {  	v30 =	vld.idx.msk [tilespmem:v30+s10+$0x0], $0xffff  }
0x53: {  	v31 =	vld.idx.msk [tilespmem:v31+s10+$0x0], $0xffff  }
0x54: {  	v32 =	vld.idx.msk [tilespmem:v32+s10+$0x0], $0xffff  }
0x55: {  	v1 =	vld.idx.msk [tilespmem:v1+s10+$0x0], $0xffff;
	[tilespmem:s3+$0xFFFFF000] =	vst v6  }
0x56: {  	[tilespmem:s3+$0xFFFFF080] =	vst v2  }
0x57: {  	[tilespmem:s3+$0xFFFFF100] =	vst v3  }
0x58: {  	[tilespmem:s3+$0xFFFFF180] =	vst v4  }
0x59: {  	[tilespmem:s3+$0xFFFFF200] =	vst v5  }
0x5a: {  	[tilespmem:s3+$0xFFFFF280] =	vst v7  }
0x5b: {  	[tilespmem:s3+$0xFFFFF300] =	vst v8  }
0x5c: {  	[tilespmem:s3+$0xFFFFF380] =	vst v9  }
0x5d: {  	[tilespmem:s3+$0xFFFFF800] =	vst v10  }
0x5e: {  	[tilespmem:s3+$0xFFFFF880] =	vst v11  }
0x5f: {  	[tilespmem:s3+$0xFFFFF900] =	vst v12  }
0x60: {  	[tilespmem:s3+$0xFFFFF980] =	vst v13  }
0x61: {  	[tilespmem:s3+$0xFFFFFA00] =	vst v14  }
0x62: {  	[tilespmem:s3+$0xFFFFFA80] =	vst v15  }
0x63: {  	[tilespmem:s3+$0xFFFFFB00] =	vst v16  }
0x64: {  	[tilespmem:s3+$0xFFFFFB80] =	vst v17  }
0x65: {  	[tilespmem:s3+$0x0] =	vst v18  }
0x66: {  	[tilespmem:s3+$0x80] =	vst v19  }
0x67: {  	[tilespmem:s3+$0x100] =	vst v20  }
0x68: {  	[tilespmem:s3+$0x180] =	vst v21  }
0x69: {  	[tilespmem:s3+$0x200] =	vst v22  }
0x6a: {  	[tilespmem:s3+$0x280] =	vst v23  }
0x6b: {  	[tilespmem:s3+$0x300] =	vst v24  }
0x6c: {  	[tilespmem:s3+$0x380] =	vst v25  }
0x6d: {  	[tilespmem:s3+$0x800] =	vst v26  }
0x6e: {  	[tilespmem:s3+$0x880] =	vst v27  }
0x6f: {  	p1 =	sne.s32 s11, $0x70;
	[tilespmem:s3+$0x900] =	vst v28  }
.Ltmp1:
0x70: {  	[tilespmem:s3+$0x980] =	vst v29;
	(pc) =	sbr.rel @p1 .LBB2_5-.Ltmp1, $4  }
0x71: {  	[tilespmem:s3+$0xA00] =	vst v30  }
0x72: {  	[tilespmem:s3+$0xA80] =	vst v31  }
0x73: {  	[tilespmem:s3+$0xB00] =	vst v32  }
0x74: {  	s9 =	sadd.s32 $0x10, s9;
	s11 =	sadd.s32 $0x10, s11;
	[tilespmem:s3+$0xB80] =	vst v1;
	s3 =	sadd.s32 $0x10, s3  }
0x75: {  	v1 =	vld [tilespmem:s25+$0x0];
	_ =	sdelay $0x2  }
0x76: {  	s3 =	simm.s32 $0x0  }
0x77: {  	v2 =	vmov s3  }
0x78: {  	v2 =	vshll.u32 v2, $0x7;
	v1 =	vshll.u32 v1, $0x5  }
0x79: {  	v2 =	vor.u32 v0, v2;
	v1 =	vand.u32 $0x60, v1  }
0x7a: {  	v1 =	vor.u32 v2, v1  }
0x7b: {  	v2 =	vor.u32 $0x1, v1  }
0x7c: {  	v3 =	vor.u32 $0x2, v1  }
0x7d: {  	v4 =	vor.u32 $0x3, v1  }
0x7e: {  	v5 =	vor.u32 $0x4, v1  }
0x7f: {  	v7 =	vor.u32 $0x5, v1;
	v6 =	vld.idx.msk [tilespmem:v1+s12+$0x0], $0xffff  }
0x80: {  	v8 =	vor.u32 $0x6, v1;
	v2 =	vld.idx.msk [tilespmem:v2+s12+$0x0], $0xffff  }
0x81: {  	v9 =	vor.u32 $0x7, v1;
	v3 =	vld.idx.msk [tilespmem:v3+s12+$0x0], $0xffff  }
0x82: {  	v10 =	vor.u32 $0x8, v1;
	v4 =	vld.idx.msk [tilespmem:v4+s12+$0x0], $0xffff  }
0x83: {  	v11 =	vor.u32 $0x9, v1;
	v5 =	vld.idx.msk [tilespmem:v5+s12+$0x0], $0xffff  }
0x84: {  	v12 =	vor.u32 $0xA, v1;
	v7 =	vld.idx.msk [tilespmem:v7+s12+$0x0], $0xffff  }
0x85: {  	v13 =	vor.u32 $0xB, v1;
	v8 =	vld.idx.msk [tilespmem:v8+s12+$0x0], $0xffff  }
0x86: {  	v14 =	vor.u32 $0xC, v1;
	v9 =	vld.idx.msk [tilespmem:v9+s12+$0x0], $0xffff  }
0x87: {  	v15 =	vor.u32 $0xD, v1;
	v10 =	vld.idx.msk [tilespmem:v10+s12+$0x0], $0xffff  }
0x88: {  	v16 =	vor.u32 $0xE, v1;
	v11 =	vld.idx.msk [tilespmem:v11+s12+$0x0], $0xffff  }
0x89: {  	v17 =	vor.u32 $0xF, v1;
	v12 =	vld.idx.msk [tilespmem:v12+s12+$0x0], $0xffff  }
0x8a: {  	v18 =	vor.u32 $0x10, v1;
	v13 =	vld.idx.msk [tilespmem:v13+s12+$0x0], $0xffff  }
0x8b: {  	v19 =	vor.u32 $0x11, v1;
	v14 =	vld.idx.msk [tilespmem:v14+s12+$0x0], $0xffff  }
0x8c: {  	v20 =	vor.u32 $0x12, v1;
	v15 =	vld.idx.msk [tilespmem:v15+s12+$0x0], $0xffff  }
0x8d: {  	v21 =	vor.u32 $0x13, v1;
	v16 =	vld.idx.msk [tilespmem:v16+s12+$0x0], $0xffff  }
0x8e: {  	v22 =	vor.u32 $0x14, v1;
	v17 =	vld.idx.msk [tilespmem:v17+s12+$0x0], $0xffff  }
0x8f: {  	v23 =	vor.u32 $0x15, v1;
	v18 =	vld.idx.msk [tilespmem:v18+s12+$0x0], $0xffff  }
0x90: {  	v24 =	vor.u32 $0x16, v1;
	v19 =	vld.idx.msk [tilespmem:v19+s12+$0x0], $0xffff  }
0x91: {  	v25 =	vor.u32 $0x17, v1;
	v20 =	vld.idx.msk [tilespmem:v20+s12+$0x0], $0xffff  }
0x92: {  	v26 =	vor.u32 $0x18, v1;
	v21 =	vld.idx.msk [tilespmem:v21+s12+$0x0], $0xffff  }
0x93: {  	v27 =	vor.u32 $0x19, v1;
	v22 =	vld.idx.msk [tilespmem:v22+s12+$0x0], $0xffff  }
0x94: {  	v28 =	vor.u32 $0x1A, v1;
	v23 =	vld.idx.msk [tilespmem:v23+s12+$0x0], $0xffff  }
0x95: {  	v29 =	vor.u32 $0x1B, v1;
	v24 =	vld.idx.msk [tilespmem:v24+s12+$0x0], $0xffff  }
0x96: {  	v30 =	vor.u32 $0x1C, v1;
	v25 =	vld.idx.msk [tilespmem:v25+s12+$0x0], $0xffff  }
0x97: {  	v31 =	vor.u32 $0x1D, v1;
	v26 =	vld.idx.msk [tilespmem:v26+s12+$0x0], $0xffff  }
0x98: {  	v32 =	vor.u32 $0x1E, v1;
	v27 =	vld.idx.msk [tilespmem:v27+s12+$0x0], $0xffff  }
0x99: {  	v1 =	vor.u32 $0x1F, v1;
	v28 =	vld.idx.msk [tilespmem:v28+s12+$0x0], $0xffff  }
0x9a: {  	v29 =	vld.idx.msk [tilespmem:v29+s12+$0x0], $0xffff  }
0x9b: {  	v30 =	vld.idx.msk [tilespmem:v30+s12+$0x0], $0xffff  }
0x9c: {  	v31 =	vld.idx.msk [tilespmem:v31+s12+$0x0], $0xffff  }
0x9d: {  	s9 =	simm.s32 $0x17C00;
	v32 =	vld.idx.msk [tilespmem:v32+s12+$0x0], $0xffff  }
0x9e: {  	v1 =	vld.idx.msk [tilespmem:v1+s12+$0x0], $0xffff;
	[tilespmem:s9+$0xFFFFF000] =	vst v6  }
0x9f: {  	[tilespmem:s9+$0x0] =	vst v18  }
0xa0: {  	[tilespmem:s9+$0x80] =	vst v19  }
0xa1: {  	[tilespmem:s9+$0x100] =	vst v20  }
0xa2: {  	[tilespmem:s9+$0x180] =	vst v21  }
0xa3: {  	[tilespmem:s9+$0x200] =	vst v22  }
0xa4: {  	[tilespmem:s9+$0x280] =	vst v23  }
0xa5: {  	[tilespmem:s9+$0x300] =	vst v24  }
0xa6: {  	[tilespmem:s9+$0x380] =	vst v25  }
0xa7: {  	[tilespmem:s9+$0x800] =	vst v26  }
0xa8: {  	[tilespmem:s9+$0x880] =	vst v27  }
0xa9: {  	[tilespmem:s9+$0x900] =	vst v28  }
0xaa: {  	[tilespmem:s9+$0x980] =	vst v29  }
0xab: {  	[tilespmem:s9+$0xA00] =	vst v30  }
0xac: {  	[tilespmem:s9+$0xA80] =	vst v31  }
0xad: {  	[tilespmem:s9+$0xB00] =	vst v32  }
0xae: {  	[tilespmem:s9+$0xFFFFFB80] =	vst v17  }
0xaf: {  	[tilespmem:s9+$0xFFFFF080] =	vst v2  }
0xb0: {  	[tilespmem:s9+$0xFFFFF100] =	vst v3  }
0xb1: {  	[tilespmem:s9+$0xFFFFF180] =	vst v4  }
0xb2: {  	[tilespmem:s9+$0xFFFFF200] =	vst v5  }
0xb3: {  	[tilespmem:s9+$0xFFFFF280] =	vst v7  }
0xb4: {  	[tilespmem:s9+$0xFFFFF300] =	vst v8  }
0xb5: {  	[tilespmem:s9+$0xFFFFF380] =	vst v9  }
0xb6: {  	[tilespmem:s9+$0xFFFFF800] =	vst v10  }
0xb7: {  	[tilespmem:s9+$0xFFFFF880] =	vst v11  }
0xb8: {  	[tilespmem:s9+$0xFFFFF900] =	vst v12  }
0xb9: {  	[tilespmem:s9+$0xFFFFF980] =	vst v13  }
0xba: {  	[tilespmem:s9+$0xFFFFFA00] =	vst v14  }
0xbb: {  	[tilespmem:s9+$0xFFFFFA80] =	vst v15  }
0xbc: {  	[tilespmem:s9+$0xFFFFFB00] =	vst v16  }
0xbd: {  	s11 =	sadd.s32 $0x10, s25;
	[tilespmem:s9+$0xB80] =	vst v1  }
0xbe: {  	v1 =	vld [tilespmem:s11+$0x0];
	_ =	sdelay $0x2  }
0xbf: {  	s3 =	simm.s32 $0x10  }
0xc0: {  	v2 =	vmov s3  }
0xc1: {  	v2 =	vshll.u32 v2, $0x7;
	v1 =	vshll.u32 v1, $0x5  }
0xc2: {  	v2 =	vor.u32 v0, v2;
	v1 =	vand.u32 $0x60, v1  }
0xc3: {  	v14 =	vor.u32 v2, v1  }
0xc4: {  	v2 =	vor.u32 $0x1, v14  }
0xc5: {  	v3 =	vor.u32 $0x2, v14  }
0xc6: {  	v4 =	vor.u32 $0x3, v14  }
0xc7: {  	v5 =	vor.u32 $0x4, v14  }
0xc8: {  	v6 =	vor.u32 $0x5, v14;
	v1 =	vld.idx.msk [tilespmem:v14+s12+$0x0], $0xffff  }
0xc9: {  	v7 =	vor.u32 $0x6, v14;
	v2 =	vld.idx.msk [tilespmem:v2+s12+$0x0], $0xffff  }
0xca: {  	v8 =	vor.u32 $0x7, v14;
	v3 =	vld.idx.msk [tilespmem:v3+s12+$0x0], $0xffff  }
0xcb: {  	v9 =	vor.u32 $0x8, v14;
	v4 =	vld.idx.msk [tilespmem:v4+s12+$0x0], $0xffff  }
0xcc: {  	v10 =	vor.u32 $0x9, v14;
	v5 =	vld.idx.msk [tilespmem:v5+s12+$0x0], $0xffff  }
0xcd: {  	v11 =	vor.u32 $0xA, v14;
	v6 =	vld.idx.msk [tilespmem:v6+s12+$0x0], $0xffff  }
0xce: {  	v12 =	vor.u32 $0xB, v14;
	v7 =	vld.idx.msk [tilespmem:v7+s12+$0x0], $0xffff  }
0xcf: {  	v13 =	vor.u32 $0xC, v14;
	v8 =	vld.idx.msk [tilespmem:v8+s12+$0x0], $0xffff  }
0xd0: {  	v19 =	vor.u32 $0xD, v14;
	v9 =	vld.idx.msk [tilespmem:v9+s12+$0x0], $0xffff  }
0xd1: {  	v17 =	vor.u32 $0xE, v14;
	v10 =	vld.idx.msk [tilespmem:v10+s12+$0x0], $0xffff  }
0xd2: {  	v18 =	vor.u32 $0xF, v14;
	v11 =	vld.idx.msk [tilespmem:v11+s12+$0x0], $0xffff  }
0xd3: {  	v15 =	vor.u32 $0x10, v14;
	v12 =	vld.idx.msk [tilespmem:v12+s12+$0x0], $0xffff  }
0xd4: {  	s3 =	simm.s32 $0x20;
	v16 =	vor.u32 $0x11, v14;
	v13 =	vld.idx.msk [tilespmem:v13+s12+$0x0], $0xffff  }
.LBB2_7:
0xd5: {  	p1 =	sne.s32 s3, $0x70;
	v19 =	vld.idx.msk [tilespmem:v19+s12+$0x0], $0xffff;
	v20 =	vor.u32 $0x12, v14  }
0xd6: {  	v21 =	vor.u32 $0x13, v14;
	v17 =	vld.idx.msk [tilespmem:v17+s12+$0x0], $0xffff  }
0xd7: {  	v22 =	vor.u32 $0x14, v14;
	v18 =	vld.idx.msk [tilespmem:v18+s12+$0x0], $0xffff  }
0xd8: {  	v23 =	vor.u32 $0x15, v14;
	v15 =	vld.idx.msk [tilespmem:v15+s12+$0x0], $0xffff  }
0xd9: {  	v24 =	vor.u32 $0x16, v14;
	v16 =	vld.idx.msk [tilespmem:v16+s12+$0x0], $0xffff  }
0xda: {  	v25 =	vor.u32 $0x17, v14;
	v20 =	vld.idx.msk [tilespmem:v20+s12+$0x0], $0xffff  }
0xdb: {  	v26 =	vor.u32 $0x18, v14;
	v21 =	vld.idx.msk [tilespmem:v21+s12+$0x0], $0xffff  }
0xdc: {  	v27 =	vor.u32 $0x19, v14;
	v22 =	vld.idx.msk [tilespmem:v22+s12+$0x0], $0xffff  }
0xdd: {  	v28 =	vor.u32 $0x1A, v14;
	v23 =	vld.idx.msk [tilespmem:v23+s12+$0x0], $0xffff  }
0xde: {  	v29 =	vor.u32 $0x1B, v14;
	v24 =	vld.idx.msk [tilespmem:v24+s12+$0x0], $0xffff  }
0xdf: {  	v30 =	vor.u32 $0x1C, v14;
	v25 =	vld.idx.msk [tilespmem:v25+s12+$0x0], $0xffff  }
0xe0: {  	v31 =	vor.u32 $0x1D, v14;
	v26 =	vld.idx.msk [tilespmem:v26+s12+$0x0], $0xffff  }
0xe1: {  	v32 =	vor.u32 $0x1E, v14;
	v27 =	vld.idx.msk [tilespmem:v27+s12+$0x0], $0xffff  }
0xe2: {  	v14 =	vor.u32 $0x1F, v14;
	v28 =	vld.idx.msk [tilespmem:v28+s12+$0x0], $0xffff  }
0xe3: {  	v29 =	vld.idx.msk [tilespmem:v29+s12+$0x0], $0xffff  }
0xe4: {  	v30 =	vld.idx.msk [tilespmem:v30+s12+$0x0], $0xffff  }
0xe5: {  	v31 =	vld.idx.msk [tilespmem:v31+s12+$0x0], $0xffff  }
0xe6: {  	s9 =	sadd.s32 $0x10, s9;
	v32 =	vld.idx.msk [tilespmem:v32+s12+$0x0], $0xffff  }
0xe7: {  	v14 =	vld.idx.msk [tilespmem:v14+s12+$0x0], $0xffff;
	[tilespmem:s9+$0x0] =	vst v15  }
0xe8: {  	[tilespmem:s9+$0x80] =	vst v16  }
0xe9: {  	[tilespmem:s9+$0x100] =	vst v20  }
0xea: {  	[tilespmem:s9+$0x180] =	vst v21  }
0xeb: {  	[tilespmem:s9+$0x200] =	vst v22  }
0xec: {  	[tilespmem:s9+$0x280] =	vst v23  }
0xed: {  	[tilespmem:s9+$0x300] =	vst v24  }
0xee: {  	[tilespmem:s9+$0x380] =	vst v25  }
0xef: {  	[tilespmem:s9+$0x800] =	vst v26  }
0xf0: {  	[tilespmem:s9+$0x880] =	vst v27  }
0xf1: {  	[tilespmem:s9+$0x900] =	vst v28  }
0xf2: {  	[tilespmem:s9+$0x980] =	vst v29  }
0xf3: {  	[tilespmem:s9+$0xA00] =	vst v30  }
0xf4: {  	[tilespmem:s9+$0xA80] =	vst v31  }
0xf5: {  	[tilespmem:s9+$0xB00] =	vst v32  }
0xf6: {  	[tilespmem:s9+$0xB80] =	vst v14  }
0xf7: {  	[tilespmem:s9+$0xFFFFFB80] =	vst v18  }
0xf8: {  	[tilespmem:s9+$0xFFFFF080] =	vst v2  }
0xf9: {  	[tilespmem:s9+$0xFFFFF100] =	vst v3  }
0xfa: {  	[tilespmem:s9+$0xFFFFF180] =	vst v4  }
0xfb: {  	[tilespmem:s9+$0xFFFFF200] =	vst v5  }
0xfc: {  	[tilespmem:s9+$0xFFFFF280] =	vst v6  }
0xfd: {  	[tilespmem:s9+$0xFFFFF300] =	vst v7  }
0xfe: {  	[tilespmem:s9+$0xFFFFF380] =	vst v8  }
0xff: {  	[tilespmem:s9+$0xFFFFF800] =	vst v9  }
0x100: {  	[tilespmem:s9+$0xFFFFF880] =	vst v10  }
0x101: {  	[tilespmem:s9+$0xFFFFF900] =	vst v11  }
0x102: {  	[tilespmem:s9+$0xFFFFF980] =	vst v12  }
0x103: {  	[tilespmem:s9+$0xFFFFFA00] =	vst v13  }
0x104: {  	[tilespmem:s9+$0xFFFFFA80] =	vst v19  }
0x105: {  	[tilespmem:s9+$0xFFFFFB00] =	vst v17  }
0x106: {  	s11 =	sadd.s32 $0x10, s11;
	[tilespmem:s9+$0xFFFFF000] =	vst v1  }
0x107: {  	v1 =	vld [tilespmem:s11+$0x0];
	_ =	sdelay $0x3  }
0x108: {  	v2 =	vmov s3  }
0x109: {  	v2 =	vshll.u32 v2, $0x7;
	v1 =	vshll.u32 v1, $0x5  }
0x10a: {  	v2 =	vor.u32 v0, v2;
	v1 =	vand.u32 $0x60, v1  }
0x10b: {  	v14 =	vor.u32 v2, v1  }
0x10c: {  	v2 =	vor.u32 $0x1, v14  }
0x10d: {  	v3 =	vor.u32 $0x2, v14  }
0x10e: {  	v4 =	vor.u32 $0x3, v14  }
0x10f: {  	v5 =	vor.u32 $0x4, v14  }
0x110: {  	v6 =	vor.u32 $0x5, v14;
	v1 =	vld.idx.msk [tilespmem:v14+s12+$0x0], $0xffff  }
0x111: {  	v7 =	vor.u32 $0x6, v14;
	v2 =	vld.idx.msk [tilespmem:v2+s12+$0x0], $0xffff  }
0x112: {  	v8 =	vor.u32 $0x7, v14;
	v3 =	vld.idx.msk [tilespmem:v3+s12+$0x0], $0xffff  }
0x113: {  	v9 =	vor.u32 $0x8, v14;
	v4 =	vld.idx.msk [tilespmem:v4+s12+$0x0], $0xffff  }
0x114: {  	v10 =	vor.u32 $0x9, v14;
	v5 =	vld.idx.msk [tilespmem:v5+s12+$0x0], $0xffff  }
0x115: {  	v11 =	vor.u32 $0xA, v14;
	v6 =	vld.idx.msk [tilespmem:v6+s12+$0x0], $0xffff  }
0x116: {  	v12 =	vor.u32 $0xB, v14;
	v7 =	vld.idx.msk [tilespmem:v7+s12+$0x0], $0xffff  }
0x117: {  	v13 =	vor.u32 $0xC, v14;
	v8 =	vld.idx.msk [tilespmem:v8+s12+$0x0], $0xffff  }
.Ltmp2:
0x118: {  	v19 =	vor.u32 $0xD, v14;
	v9 =	vld.idx.msk [tilespmem:v9+s12+$0x0], $0xffff;
	(pc) =	sbr.rel @p1 .LBB2_7-.Ltmp2, $4  }
0x119: {  	v17 =	vor.u32 $0xE, v14;
	v10 =	vld.idx.msk [tilespmem:v10+s12+$0x0], $0xffff  }
0x11a: {  	v18 =	vor.u32 $0xF, v14;
	v11 =	vld.idx.msk [tilespmem:v11+s12+$0x0], $0xffff  }
0x11b: {  	v15 =	vor.u32 $0x10, v14;
	v12 =	vld.idx.msk [tilespmem:v12+s12+$0x0], $0xffff  }
0x11c: {  	s3 =	sadd.s32 $0x10, s3;
	v16 =	vor.u32 $0x11, v14;
	v13 =	vld.idx.msk [tilespmem:v13+s12+$0x0], $0xffff  }
0x11d: {  	_ =	sdelay $0x3  }
0x11e: {  	v19 =	vld.idx.msk [tilespmem:v19+s12+$0x0], $0xffff;
	v20 =	vor.u32 $0x12, v14  }
0x11f: {  	v17 =	vld.idx.msk [tilespmem:v17+s12+$0x0], $0xffff;
	v21 =	vor.u32 $0x13, v14  }
0x120: {  	v18 =	vld.idx.msk [tilespmem:v18+s12+$0x0], $0xffff;
	v22 =	vor.u32 $0x14, v14  }
0x121: {  	v15 =	vld.idx.msk [tilespmem:v15+s12+$0x0], $0xffff;
	v23 =	vor.u32 $0x15, v14  }
0x122: {  	v16 =	vld.idx.msk [tilespmem:v16+s12+$0x0], $0xffff;
	v24 =	vor.u32 $0x16, v14  }
0x123: {  	v25 =	vor.u32 $0x17, v14;
	v20 =	vld.idx.msk [tilespmem:v20+s12+$0x0], $0xffff  }
0x124: {  	v26 =	vor.u32 $0x18, v14;
	v21 =	vld.idx.msk [tilespmem:v21+s12+$0x0], $0xffff  }
0x125: {  	v27 =	vor.u32 $0x19, v14;
	v22 =	vld.idx.msk [tilespmem:v22+s12+$0x0], $0xffff  }
0x126: {  	v28 =	vor.u32 $0x1A, v14;
	v23 =	vld.idx.msk [tilespmem:v23+s12+$0x0], $0xffff  }
0x127: {  	v29 =	vor.u32 $0x1B, v14;
	v24 =	vld.idx.msk [tilespmem:v24+s12+$0x0], $0xffff  }
0x128: {  	v30 =	vor.u32 $0x1C, v14;
	v25 =	vld.idx.msk [tilespmem:v25+s12+$0x0], $0xffff  }
0x129: {  	v31 =	vor.u32 $0x1D, v14;
	v26 =	vld.idx.msk [tilespmem:v26+s12+$0x0], $0xffff  }
0x12a: {  	v32 =	vor.u32 $0x1E, v14;
	v27 =	vld.idx.msk [tilespmem:v27+s12+$0x0], $0xffff  }
0x12b: {  	v63 =	vor.u32 $0x1F, v14;
	v28 =	vld.idx.msk [tilespmem:v28+s12+$0x0], $0xffff  }
0x12c: {  	v29 =	vld.idx.msk [tilespmem:v29+s12+$0x0], $0xffff  }
0x12d: {  	v30 =	vld.idx.msk [tilespmem:v30+s12+$0x0], $0xffff  }
0x12e: {  	v31 =	vld.idx.msk [tilespmem:v31+s12+$0x0], $0xffff  }
0x12f: {  	s3 =	sadd.s32 $0x10, s9;
	v32 =	vld.idx.msk [tilespmem:v32+s12+$0x0], $0xffff  }
0x130: {  	v14 =	vld.idx.msk [tilespmem:v63+s12+$0x0], $0xffff;
	[tilespmem:s3+$0x0] =	vst v15  }
0x131: {  	[tilespmem:s3+$0x80] =	vst v16  }
0x132: {  	[tilespmem:s3+$0xFFFFFB80] =	vst v18  }
0x133: {  	[tilespmem:s3+$0xFFFFF080] =	vst v2  }
0x134: {  	[tilespmem:s3+$0xFFFFF100] =	vst v3  }
0x135: {  	[tilespmem:s3+$0xFFFFF180] =	vst v4  }
0x136: {  	[tilespmem:s3+$0xFFFFF200] =	vst v5  }
0x137: {  	[tilespmem:s3+$0xFFFFF280] =	vst v6  }
0x138: {  	[tilespmem:s3+$0xFFFFF300] =	vst v7  }
0x139: {  	[tilespmem:s3+$0xFFFFF380] =	vst v8  }
0x13a: {  	[tilespmem:s3+$0xFFFFF800] =	vst v9  }
0x13b: {  	[tilespmem:s3+$0xFFFFF880] =	vst v10  }
0x13c: {  	[tilespmem:s3+$0xFFFFF900] =	vst v11  }
0x13d: {  	[tilespmem:s3+$0xFFFFF980] =	vst v12  }
0x13e: {  	[tilespmem:s3+$0xFFFFFA00] =	vst v13  }
0x13f: {  	[tilespmem:s3+$0xFFFFFA80] =	vst v19  }
0x140: {  	[tilespmem:s3+$0xFFFFFB00] =	vst v17  }
0x141: {  	[tilespmem:s3+$0xFFFFF000] =	vst v1  }
0x142: {  	[tilespmem:s3+$0x100] =	vst v20  }
0x143: {  	[tilespmem:s3+$0x180] =	vst v21  }
0x144: {  	[tilespmem:s3+$0x200] =	vst v22  }
0x145: {  	[tilespmem:s3+$0x280] =	vst v23  }
0x146: {  	[tilespmem:s3+$0x300] =	vst v24  }
0x147: {  	[tilespmem:s3+$0x380] =	vst v25  }
0x148: {  	[tilespmem:s3+$0x800] =	vst v26  }
0x149: {  	[tilespmem:s3+$0x880] =	vst v27  }
0x14a: {  	[tilespmem:s3+$0x900] =	vst v28  }
0x14b: {  	s0 =	sadd.s32 s5, s0;
	[tilespmem:s3+$0x980] =	vst v29  }
0x14c: {  	s11 =	sshll.u32 s0, $0x8;
	[tilespmem:s3+$0xA00] =	vst v30  }
0x14d: {  	s0 =	sshll.u32 s0, $0xA;
	s9 =	sand.u32 $0x3E00, s11;
	[tilespmem:s3+$0xA80] =	vst v31  }
0x14e: {  	s0 =	sand.u32 $0xFFF0000, s0;
	s9 =	sadd.s32 s2, s9;
	[tilespmem:s3+$0xB00] =	vst v32  }
0x14f: {  	p1 =	seq.s32 s30, $0x19;
	s0 =	sadd.s32 s0, s9;
	[tilespmem:s3+$0xB80] =	vst v14  }
0x150: {  	[hbm4b:s0+s17] =	stream.strided.scatter [tilespmem:s19], [sflag:$0x3], $0x2000, s18, s17, $0x38;
	[tilespmem:$0x1A800] =	vst v63  }
0x151: {  	s0 =	sshrl.u32 @!p1 s1, $0x2  }
0x152: {  	s9 =	simm.s32 @!p1 $0x6800;
	s3 =	simm.s32 @!p1 $0x80;
	s1 =	sadd.s32 @!p1 $0x3600, s0  }
0x153: {  	[tilespmem:s9], [sflag:$0x1] =	stream.indirect.gather @!p1 [hbm4b:s4+s3], $0x80, s1, s3, $0xb8;
	[tilespmem:$0x1A800] =	vst v63  }
0x154: {  	s0 =	sadd.s32 @!p1 $0x3680, s0;
	s1 =	simm.s32 @!p1 $0xA800  }
0x155: {  	[tilespmem:s1], [sflag:$0x1] =	stream.indirect.gather @!p1 [hbm4b:s4+s3], $0x80, s0, s3, $0xb8;
	[tilespmem:$0x1A800] =	vst v63  }
0x156: {  	_ =	swait.ge [sflag:s20], $0x4000  }
0x157: {  	[sflag:s20] =	ssyncset.done $0x0  }
0x158: {  	[sflag:s20] =	ssyncadd.s32 $0xFFFFC000  }
0x159: {  	_ =	swait.ge [sflag:s20], $0x4000  }
0x15a: {  	[sflag:s20] =	ssyncset.done $0x0  }
0x15b: {  	s0 =	simm.s32 @!p0 $0x4;
	[sflag:s20] =	ssyncadd.s32 $0xFFFFC000  }
0x15c: {  	_ =	swait.ge @!p0 [sflag:s0], $0x2000  }
0x15d: {  	s9 =	simm.s32 $0x0;
	s1 =	simm.s32 $0x19800;
	[sflag:s0] =	ssyncset.done @!p0 $0x0  }
0x15e: {  	s3 =	smov.u32 s28;
	[sflag:s0] =	ssyncadd.s32 @!p0 $0xFFFFE000;
	s0 =	simm.s32 $0x0  }
.LBB2_9:
0x15f: {  	v1 =	vld [tilespmem:s3+$0x0];
	_ =	sdelay $0x3  }
0x160: {  	v2 =	vmov s9  }
0x161: {  	v2 =	vshll.u32 v2, $0x7;
	v1 =	vshll.u32 v1, $0x5  }
0x162: {  	v2 =	vor.u32 v0, v2;
	v1 =	vand.u32 $0x60, v1  }
0x163: {  	v1 =	vor.u32 v2, v1  }
0x164: {  	v2 =	vor.u32 $0x1, v1  }
0x165: {  	v3 =	vor.u32 $0x2, v1  }
0x166: {  	v4 =	vor.u32 $0x3, v1  }
0x167: {  	v5 =	vor.u32 $0x4, v1  }
0x168: {  	v7 =	vor.u32 $0x5, v1;
	v6 =	vld.idx.msk [tilespmem:v1+s14+$0x0], $0xffff  }
0x169: {  	v8 =	vor.u32 $0x6, v1;
	v2 =	vld.idx.msk [tilespmem:v2+s14+$0x0], $0xffff  }
0x16a: {  	v9 =	vor.u32 $0x7, v1;
	v3 =	vld.idx.msk [tilespmem:v3+s14+$0x0], $0xffff  }
0x16b: {  	v10 =	vor.u32 $0x8, v1;
	v4 =	vld.idx.msk [tilespmem:v4+s14+$0x0], $0xffff  }
0x16c: {  	v11 =	vor.u32 $0x9, v1;
	v5 =	vld.idx.msk [tilespmem:v5+s14+$0x0], $0xffff  }
0x16d: {  	v12 =	vor.u32 $0xA, v1;
	v7 =	vld.idx.msk [tilespmem:v7+s14+$0x0], $0xffff  }
0x16e: {  	v13 =	vor.u32 $0xB, v1;
	v8 =	vld.idx.msk [tilespmem:v8+s14+$0x0], $0xffff  }
0x16f: {  	v14 =	vor.u32 $0xC, v1;
	v9 =	vld.idx.msk [tilespmem:v9+s14+$0x0], $0xffff  }
0x170: {  	v15 =	vor.u32 $0xD, v1;
	v10 =	vld.idx.msk [tilespmem:v10+s14+$0x0], $0xffff  }
0x171: {  	v16 =	vor.u32 $0xE, v1;
	v11 =	vld.idx.msk [tilespmem:v11+s14+$0x0], $0xffff  }
0x172: {  	v17 =	vor.u32 $0xF, v1;
	v12 =	vld.idx.msk [tilespmem:v12+s14+$0x0], $0xffff  }
0x173: {  	v18 =	vor.u32 $0x10, v1;
	v13 =	vld.idx.msk [tilespmem:v13+s14+$0x0], $0xffff  }
0x174: {  	v19 =	vor.u32 $0x11, v1;
	v14 =	vld.idx.msk [tilespmem:v14+s14+$0x0], $0xffff  }
0x175: {  	v20 =	vor.u32 $0x12, v1;
	v15 =	vld.idx.msk [tilespmem:v15+s14+$0x0], $0xffff  }
0x176: {  	v21 =	vor.u32 $0x13, v1;
	v16 =	vld.idx.msk [tilespmem:v16+s14+$0x0], $0xffff  }
0x177: {  	v22 =	vor.u32 $0x14, v1;
	v17 =	vld.idx.msk [tilespmem:v17+s14+$0x0], $0xffff  }
0x178: {  	v23 =	vor.u32 $0x15, v1;
	v18 =	vld.idx.msk [tilespmem:v18+s14+$0x0], $0xffff  }
0x179: {  	v24 =	vor.u32 $0x16, v1;
	v19 =	vld.idx.msk [tilespmem:v19+s14+$0x0], $0xffff  }
0x17a: {  	v25 =	vor.u32 $0x17, v1;
	v20 =	vld.idx.msk [tilespmem:v20+s14+$0x0], $0xffff  }
0x17b: {  	v26 =	vor.u32 $0x18, v1;
	v21 =	vld.idx.msk [tilespmem:v21+s14+$0x0], $0xffff  }
0x17c: {  	v27 =	vor.u32 $0x19, v1;
	v22 =	vld.idx.msk [tilespmem:v22+s14+$0x0], $0xffff  }
0x17d: {  	v28 =	vor.u32 $0x1A, v1;
	v23 =	vld.idx.msk [tilespmem:v23+s14+$0x0], $0xffff  }
0x17e: {  	v29 =	vor.u32 $0x1B, v1;
	v24 =	vld.idx.msk [tilespmem:v24+s14+$0x0], $0xffff  }
0x17f: {  	v30 =	vor.u32 $0x1C, v1;
	v25 =	vld.idx.msk [tilespmem:v25+s14+$0x0], $0xffff  }
0x180: {  	v31 =	vor.u32 $0x1D, v1;
	v26 =	vld.idx.msk [tilespmem:v26+s14+$0x0], $0xffff  }
0x181: {  	v32 =	vor.u32 $0x1E, v1;
	v27 =	vld.idx.msk [tilespmem:v27+s14+$0x0], $0xffff  }
0x182: {  	v1 =	vor.u32 $0x1F, v1;
	v28 =	vld.idx.msk [tilespmem:v28+s14+$0x0], $0xffff  }
0x183: {  	v29 =	vld.idx.msk [tilespmem:v29+s14+$0x0], $0xffff  }
0x184: {  	v30 =	vld.idx.msk [tilespmem:v30+s14+$0x0], $0xffff  }
0x185: {  	v31 =	vld.idx.msk [tilespmem:v31+s14+$0x0], $0xffff  }
0x186: {  	v32 =	vld.idx.msk [tilespmem:v32+s14+$0x0], $0xffff  }
0x187: {  	v1 =	vld.idx.msk [tilespmem:v1+s14+$0x0], $0xffff;
	[tilespmem:s1+$0xFFFFF000] =	vst v6  }
0x188: {  	[tilespmem:s1+$0xFFFFF080] =	vst v2  }
0x189: {  	[tilespmem:s1+$0xFFFFF100] =	vst v3  }
0x18a: {  	[tilespmem:s1+$0xFFFFF180] =	vst v4  }
0x18b: {  	[tilespmem:s1+$0xFFFFF200] =	vst v5  }
0x18c: {  	[tilespmem:s1+$0xFFFFF280] =	vst v7  }
0x18d: {  	[tilespmem:s1+$0xFFFFF300] =	vst v8  }
0x18e: {  	[tilespmem:s1+$0xFFFFF380] =	vst v9  }
0x18f: {  	[tilespmem:s1+$0xFFFFF800] =	vst v10  }
0x190: {  	[tilespmem:s1+$0xFFFFF880] =	vst v11  }
0x191: {  	[tilespmem:s1+$0xFFFFF900] =	vst v12  }
0x192: {  	[tilespmem:s1+$0xFFFFF980] =	vst v13  }
0x193: {  	[tilespmem:s1+$0xFFFFFA00] =	vst v14  }
0x194: {  	[tilespmem:s1+$0xFFFFFA80] =	vst v15  }
0x195: {  	[tilespmem:s1+$0xFFFFFB00] =	vst v16  }
0x196: {  	[tilespmem:s1+$0xFFFFFB80] =	vst v17  }
0x197: {  	[tilespmem:s1+$0x0] =	vst v18  }
0x198: {  	[tilespmem:s1+$0x80] =	vst v19  }
0x199: {  	[tilespmem:s1+$0x100] =	vst v20  }
0x19a: {  	[tilespmem:s1+$0x180] =	vst v21  }
0x19b: {  	[tilespmem:s1+$0x200] =	vst v22  }
0x19c: {  	[tilespmem:s1+$0x280] =	vst v23  }
0x19d: {  	[tilespmem:s1+$0x300] =	vst v24  }
0x19e: {  	[tilespmem:s1+$0x380] =	vst v25  }
0x19f: {  	[tilespmem:s1+$0x800] =	vst v26  }
0x1a0: {  	[tilespmem:s1+$0x880] =	vst v27  }
0x1a1: {  	p0 =	sne.s32 s9, $0x70;
	[tilespmem:s1+$0x900] =	vst v28  }
.Ltmp3:
0x1a2: {  	[tilespmem:s1+$0x980] =	vst v29;
	(pc) =	sbr.rel @p0 .LBB2_9-.Ltmp3, $4  }
0x1a3: {  	[tilespmem:s1+$0xA00] =	vst v30  }
0x1a4: {  	[tilespmem:s1+$0xA80] =	vst v31  }
0x1a5: {  	[tilespmem:s1+$0xB00] =	vst v32  }
0x1a6: {  	s3 =	sadd.s32 $0x10, s3;
	s9 =	sadd.s32 $0x10, s9;
	[tilespmem:s1+$0xB80] =	vst v1;
	s1 =	sadd.s32 $0x10, s1  }
0x1a7: {  	v1 =	vld [tilespmem:s29+$0x0];
	_ =	sdelay $0x3  }
0x1a8: {  	v2 =	vmov s0  }
0x1a9: {  	v2 =	vshll.u32 v2, $0x7;
	v1 =	vshll.u32 v1, $0x5  }
0x1aa: {  	v2 =	vor.u32 v0, v2;
	v1 =	vand.u32 $0x60, v1  }
0x1ab: {  	v1 =	vor.u32 v2, v1  }
0x1ac: {  	v2 =	vor.u32 $0x1, v1  }
0x1ad: {  	v3 =	vor.u32 $0x2, v1  }
0x1ae: {  	v4 =	vor.u32 $0x3, v1  }
0x1af: {  	v5 =	vor.u32 $0x4, v1  }
0x1b0: {  	v7 =	vor.u32 $0x5, v1;
	v6 =	vld.idx.msk [tilespmem:v1+s15+$0x0], $0xffff  }
0x1b1: {  	v8 =	vor.u32 $0x6, v1;
	v2 =	vld.idx.msk [tilespmem:v2+s15+$0x0], $0xffff  }
0x1b2: {  	v9 =	vor.u32 $0x7, v1;
	v3 =	vld.idx.msk [tilespmem:v3+s15+$0x0], $0xffff  }
0x1b3: {  	v10 =	vor.u32 $0x8, v1;
	v4 =	vld.idx.msk [tilespmem:v4+s15+$0x0], $0xffff  }
0x1b4: {  	v11 =	vor.u32 $0x9, v1;
	v5 =	vld.idx.msk [tilespmem:v5+s15+$0x0], $0xffff  }
0x1b5: {  	v12 =	vor.u32 $0xA, v1;
	v7 =	vld.idx.msk [tilespmem:v7+s15+$0x0], $0xffff  }
0x1b6: {  	v13 =	vor.u32 $0xB, v1;
	v8 =	vld.idx.msk [tilespmem:v8+s15+$0x0], $0xffff  }
0x1b7: {  	v14 =	vor.u32 $0xC, v1;
	v9 =	vld.idx.msk [tilespmem:v9+s15+$0x0], $0xffff  }
0x1b8: {  	v15 =	vor.u32 $0xD, v1;
	v10 =	vld.idx.msk [tilespmem:v10+s15+$0x0], $0xffff  }
0x1b9: {  	v16 =	vor.u32 $0xE, v1;
	v11 =	vld.idx.msk [tilespmem:v11+s15+$0x0], $0xffff  }
0x1ba: {  	v17 =	vor.u32 $0xF, v1;
	v12 =	vld.idx.msk [tilespmem:v12+s15+$0x0], $0xffff  }
0x1bb: {  	v18 =	vor.u32 $0x10, v1;
	v13 =	vld.idx.msk [tilespmem:v13+s15+$0x0], $0xffff  }
0x1bc: {  	v19 =	vor.u32 $0x11, v1;
	v14 =	vld.idx.msk [tilespmem:v14+s15+$0x0], $0xffff  }
0x1bd: {  	v20 =	vor.u32 $0x12, v1;
	v15 =	vld.idx.msk [tilespmem:v15+s15+$0x0], $0xffff  }
0x1be: {  	v21 =	vor.u32 $0x13, v1;
	v16 =	vld.idx.msk [tilespmem:v16+s15+$0x0], $0xffff  }
0x1bf: {  	v22 =	vor.u32 $0x14, v1;
	v17 =	vld.idx.msk [tilespmem:v17+s15+$0x0], $0xffff  }
0x1c0: {  	v23 =	vor.u32 $0x15, v1;
	v18 =	vld.idx.msk [tilespmem:v18+s15+$0x0], $0xffff  }
0x1c1: {  	v24 =	vor.u32 $0x16, v1;
	v19 =	vld.idx.msk [tilespmem:v19+s15+$0x0], $0xffff  }
0x1c2: {  	v25 =	vor.u32 $0x17, v1;
	v20 =	vld.idx.msk [tilespmem:v20+s15+$0x0], $0xffff  }
0x1c3: {  	v26 =	vor.u32 $0x18, v1;
	v21 =	vld.idx.msk [tilespmem:v21+s15+$0x0], $0xffff  }
0x1c4: {  	v27 =	vor.u32 $0x19, v1;
	v22 =	vld.idx.msk [tilespmem:v22+s15+$0x0], $0xffff  }
0x1c5: {  	v28 =	vor.u32 $0x1A, v1;
	v23 =	vld.idx.msk [tilespmem:v23+s15+$0x0], $0xffff  }
0x1c6: {  	v29 =	vor.u32 $0x1B, v1;
	v24 =	vld.idx.msk [tilespmem:v24+s15+$0x0], $0xffff  }
0x1c7: {  	v30 =	vor.u32 $0x1C, v1;
	v25 =	vld.idx.msk [tilespmem:v25+s15+$0x0], $0xffff  }
0x1c8: {  	v31 =	vor.u32 $0x1D, v1;
	v26 =	vld.idx.msk [tilespmem:v26+s15+$0x0], $0xffff  }
0x1c9: {  	v32 =	vor.u32 $0x1E, v1;
	v27 =	vld.idx.msk [tilespmem:v27+s15+$0x0], $0xffff  }
0x1ca: {  	v1 =	vor.u32 $0x1F, v1;
	v28 =	vld.idx.msk [tilespmem:v28+s15+$0x0], $0xffff  }
0x1cb: {  	v29 =	vld.idx.msk [tilespmem:v29+s15+$0x0], $0xffff  }
0x1cc: {  	v30 =	vld.idx.msk [tilespmem:v30+s15+$0x0], $0xffff  }
0x1cd: {  	v31 =	vld.idx.msk [tilespmem:v31+s15+$0x0], $0xffff  }
0x1ce: {  	s0 =	simm.s32 $0x19C00;
	v32 =	vld.idx.msk [tilespmem:v32+s15+$0x0], $0xffff  }
0x1cf: {  	v1 =	vld.idx.msk [tilespmem:v1+s15+$0x0], $0xffff;
	[tilespmem:s0+$0xFFFFF000] =	vst v6  }
0x1d0: {  	[tilespmem:s0+$0x0] =	vst v18  }
0x1d1: {  	[tilespmem:s0+$0x80] =	vst v19  }
0x1d2: {  	[tilespmem:s0+$0x100] =	vst v20  }
0x1d3: {  	[tilespmem:s0+$0x180] =	vst v21  }
0x1d4: {  	[tilespmem:s0+$0x200] =	vst v22  }
0x1d5: {  	[tilespmem:s0+$0x280] =	vst v23  }
0x1d6: {  	[tilespmem:s0+$0x300] =	vst v24  }
0x1d7: {  	[tilespmem:s0+$0x380] =	vst v25  }
0x1d8: {  	[tilespmem:s0+$0x800] =	vst v26  }
0x1d9: {  	[tilespmem:s0+$0x880] =	vst v27  }
0x1da: {  	[tilespmem:s0+$0x900] =	vst v28  }
0x1db: {  	[tilespmem:s0+$0x980] =	vst v29  }
0x1dc: {  	[tilespmem:s0+$0xA00] =	vst v30  }
0x1dd: {  	[tilespmem:s0+$0xA80] =	vst v31  }
0x1de: {  	[tilespmem:s0+$0xB00] =	vst v32  }
0x1df: {  	[tilespmem:s0+$0xFFFFFB80] =	vst v17  }
0x1e0: {  	[tilespmem:s0+$0xFFFFF080] =	vst v2  }
0x1e1: {  	[tilespmem:s0+$0xFFFFF100] =	vst v3  }
0x1e2: {  	[tilespmem:s0+$0xFFFFF180] =	vst v4  }
0x1e3: {  	[tilespmem:s0+$0xFFFFF200] =	vst v5  }
0x1e4: {  	[tilespmem:s0+$0xFFFFF280] =	vst v7  }
0x1e5: {  	[tilespmem:s0+$0xFFFFF300] =	vst v8  }
0x1e6: {  	[tilespmem:s0+$0xFFFFF380] =	vst v9  }
0x1e7: {  	[tilespmem:s0+$0xFFFFF800] =	vst v10  }
0x1e8: {  	[tilespmem:s0+$0xFFFFF880] =	vst v11  }
0x1e9: {  	[tilespmem:s0+$0xFFFFF900] =	vst v12  }
0x1ea: {  	[tilespmem:s0+$0xFFFFF980] =	vst v13  }
0x1eb: {  	[tilespmem:s0+$0xFFFFFA00] =	vst v14  }
0x1ec: {  	[tilespmem:s0+$0xFFFFFA80] =	vst v15  }
0x1ed: {  	[tilespmem:s0+$0xFFFFFB00] =	vst v16  }
0x1ee: {  	s1 =	sadd.s32 $0x10, s29;
	[tilespmem:s0+$0xB80] =	vst v1  }
0x1ef: {  	v1 =	vld [tilespmem:s1+$0x0];
	_ =	sdelay $0x2  }
0x1f0: {  	s3 =	simm.s32 $0x10  }
0x1f1: {  	v2 =	vmov s3  }
0x1f2: {  	v2 =	vshll.u32 v2, $0x7;
	v1 =	vshll.u32 v1, $0x5  }
0x1f3: {  	v2 =	vor.u32 v0, v2;
	v1 =	vand.u32 $0x60, v1  }
0x1f4: {  	v14 =	vor.u32 v2, v1  }
0x1f5: {  	v2 =	vor.u32 $0x1, v14  }
0x1f6: {  	v3 =	vor.u32 $0x2, v14  }
0x1f7: {  	v4 =	vor.u32 $0x3, v14  }
0x1f8: {  	v5 =	vor.u32 $0x4, v14  }
0x1f9: {  	v6 =	vor.u32 $0x5, v14;
	v1 =	vld.idx.msk [tilespmem:v14+s15+$0x0], $0xffff  }
0x1fa: {  	v7 =	vor.u32 $0x6, v14;
	v2 =	vld.idx.msk [tilespmem:v2+s15+$0x0], $0xffff  }
0x1fb: {  	v8 =	vor.u32 $0x7, v14;
	v3 =	vld.idx.msk [tilespmem:v3+s15+$0x0], $0xffff  }
0x1fc: {  	v9 =	vor.u32 $0x8, v14;
	v4 =	vld.idx.msk [tilespmem:v4+s15+$0x0], $0xffff  }
0x1fd: {  	v10 =	vor.u32 $0x9, v14;
	v5 =	vld.idx.msk [tilespmem:v5+s15+$0x0], $0xffff  }
0x1fe: {  	v11 =	vor.u32 $0xA, v14;
	v6 =	vld.idx.msk [tilespmem:v6+s15+$0x0], $0xffff  }
0x1ff: {  	v12 =	vor.u32 $0xB, v14;
	v7 =	vld.idx.msk [tilespmem:v7+s15+$0x0], $0xffff  }
0x200: {  	v13 =	vor.u32 $0xC, v14;
	v8 =	vld.idx.msk [tilespmem:v8+s15+$0x0], $0xffff  }
0x201: {  	v19 =	vor.u32 $0xD, v14;
	v9 =	vld.idx.msk [tilespmem:v9+s15+$0x0], $0xffff  }
0x202: {  	v17 =	vor.u32 $0xE, v14;
	v10 =	vld.idx.msk [tilespmem:v10+s15+$0x0], $0xffff  }
0x203: {  	v18 =	vor.u32 $0xF, v14;
	v11 =	vld.idx.msk [tilespmem:v11+s15+$0x0], $0xffff  }
0x204: {  	v15 =	vor.u32 $0x10, v14;
	v12 =	vld.idx.msk [tilespmem:v12+s15+$0x0], $0xffff  }
0x205: {  	s3 =	simm.s32 $0x20;
	v16 =	vor.u32 $0x11, v14;
	v13 =	vld.idx.msk [tilespmem:v13+s15+$0x0], $0xffff  }
.LBB2_11:
0x206: {  	p0 =	sne.s32 s3, $0x70;
	v19 =	vld.idx.msk [tilespmem:v19+s15+$0x0], $0xffff;
	v20 =	vor.u32 $0x12, v14  }
0x207: {  	v21 =	vor.u32 $0x13, v14;
	v17 =	vld.idx.msk [tilespmem:v17+s15+$0x0], $0xffff  }
0x208: {  	v22 =	vor.u32 $0x14, v14;
	v18 =	vld.idx.msk [tilespmem:v18+s15+$0x0], $0xffff  }
0x209: {  	v23 =	vor.u32 $0x15, v14;
	v15 =	vld.idx.msk [tilespmem:v15+s15+$0x0], $0xffff  }
0x20a: {  	v24 =	vor.u32 $0x16, v14;
	v16 =	vld.idx.msk [tilespmem:v16+s15+$0x0], $0xffff  }
0x20b: {  	v25 =	vor.u32 $0x17, v14;
	v20 =	vld.idx.msk [tilespmem:v20+s15+$0x0], $0xffff  }
0x20c: {  	v26 =	vor.u32 $0x18, v14;
	v21 =	vld.idx.msk [tilespmem:v21+s15+$0x0], $0xffff  }
0x20d: {  	v27 =	vor.u32 $0x19, v14;
	v22 =	vld.idx.msk [tilespmem:v22+s15+$0x0], $0xffff  }
0x20e: {  	v28 =	vor.u32 $0x1A, v14;
	v23 =	vld.idx.msk [tilespmem:v23+s15+$0x0], $0xffff  }
0x20f: {  	v29 =	vor.u32 $0x1B, v14;
	v24 =	vld.idx.msk [tilespmem:v24+s15+$0x0], $0xffff  }
0x210: {  	v30 =	vor.u32 $0x1C, v14;
	v25 =	vld.idx.msk [tilespmem:v25+s15+$0x0], $0xffff  }
0x211: {  	v31 =	vor.u32 $0x1D, v14;
	v26 =	vld.idx.msk [tilespmem:v26+s15+$0x0], $0xffff  }
0x212: {  	v32 =	vor.u32 $0x1E, v14;
	v27 =	vld.idx.msk [tilespmem:v27+s15+$0x0], $0xffff  }
0x213: {  	v14 =	vor.u32 $0x1F, v14;
	v28 =	vld.idx.msk [tilespmem:v28+s15+$0x0], $0xffff  }
0x214: {  	v29 =	vld.idx.msk [tilespmem:v29+s15+$0x0], $0xffff  }
0x215: {  	v30 =	vld.idx.msk [tilespmem:v30+s15+$0x0], $0xffff  }
0x216: {  	v31 =	vld.idx.msk [tilespmem:v31+s15+$0x0], $0xffff  }
0x217: {  	s0 =	sadd.s32 $0x10, s0;
	v32 =	vld.idx.msk [tilespmem:v32+s15+$0x0], $0xffff  }
0x218: {  	v14 =	vld.idx.msk [tilespmem:v14+s15+$0x0], $0xffff;
	[tilespmem:s0+$0x0] =	vst v15  }
0x219: {  	[tilespmem:s0+$0x80] =	vst v16  }
0x21a: {  	[tilespmem:s0+$0x100] =	vst v20  }
0x21b: {  	[tilespmem:s0+$0x180] =	vst v21  }
0x21c: {  	[tilespmem:s0+$0x200] =	vst v22  }
0x21d: {  	[tilespmem:s0+$0x280] =	vst v23  }
0x21e: {  	[tilespmem:s0+$0x300] =	vst v24  }
0x21f: {  	[tilespmem:s0+$0x380] =	vst v25  }
0x220: {  	[tilespmem:s0+$0x800] =	vst v26  }
0x221: {  	[tilespmem:s0+$0x880] =	vst v27  }
0x222: {  	[tilespmem:s0+$0x900] =	vst v28  }
0x223: {  	[tilespmem:s0+$0x980] =	vst v29  }
0x224: {  	[tilespmem:s0+$0xA00] =	vst v30  }
0x225: {  	[tilespmem:s0+$0xA80] =	vst v31  }
0x226: {  	[tilespmem:s0+$0xB00] =	vst v32  }
0x227: {  	[tilespmem:s0+$0xB80] =	vst v14  }
0x228: {  	[tilespmem:s0+$0xFFFFFB80] =	vst v18  }
0x229: {  	[tilespmem:s0+$0xFFFFF080] =	vst v2  }
0x22a: {  	[tilespmem:s0+$0xFFFFF100] =	vst v3  }
0x22b: {  	[tilespmem:s0+$0xFFFFF180] =	vst v4  }
0x22c: {  	[tilespmem:s0+$0xFFFFF200] =	vst v5  }
0x22d: {  	[tilespmem:s0+$0xFFFFF280] =	vst v6  }
0x22e: {  	[tilespmem:s0+$0xFFFFF300] =	vst v7  }
0x22f: {  	[tilespmem:s0+$0xFFFFF380] =	vst v8  }
0x230: {  	[tilespmem:s0+$0xFFFFF800] =	vst v9  }
0x231: {  	[tilespmem:s0+$0xFFFFF880] =	vst v10  }
0x232: {  	[tilespmem:s0+$0xFFFFF900] =	vst v11  }
0x233: {  	[tilespmem:s0+$0xFFFFF980] =	vst v12  }
0x234: {  	[tilespmem:s0+$0xFFFFFA00] =	vst v13  }
0x235: {  	[tilespmem:s0+$0xFFFFFA80] =	vst v19  }
0x236: {  	[tilespmem:s0+$0xFFFFFB00] =	vst v17  }
0x237: {  	s1 =	sadd.s32 $0x10, s1;
	[tilespmem:s0+$0xFFFFF000] =	vst v1  }
0x238: {  	v1 =	vld [tilespmem:s1+$0x0];
	_ =	sdelay $0x3  }
0x239: {  	v2 =	vmov s3  }
0x23a: {  	v2 =	vshll.u32 v2, $0x7;
	v1 =	vshll.u32 v1, $0x5  }
0x23b: {  	v2 =	vor.u32 v0, v2;
	v1 =	vand.u32 $0x60, v1  }
0x23c: {  	v14 =	vor.u32 v2, v1  }
0x23d: {  	v2 =	vor.u32 $0x1, v14  }
0x23e: {  	v3 =	vor.u32 $0x2, v14  }
0x23f: {  	v4 =	vor.u32 $0x3, v14  }
0x240: {  	v5 =	vor.u32 $0x4, v14  }
0x241: {  	v6 =	vor.u32 $0x5, v14;
	v1 =	vld.idx.msk [tilespmem:v14+s15+$0x0], $0xffff  }
0x242: {  	v7 =	vor.u32 $0x6, v14;
	v2 =	vld.idx.msk [tilespmem:v2+s15+$0x0], $0xffff  }
0x243: {  	v8 =	vor.u32 $0x7, v14;
	v3 =	vld.idx.msk [tilespmem:v3+s15+$0x0], $0xffff  }
0x244: {  	v9 =	vor.u32 $0x8, v14;
	v4 =	vld.idx.msk [tilespmem:v4+s15+$0x0], $0xffff  }
0x245: {  	v10 =	vor.u32 $0x9, v14;
	v5 =	vld.idx.msk [tilespmem:v5+s15+$0x0], $0xffff  }
0x246: {  	v11 =	vor.u32 $0xA, v14;
	v6 =	vld.idx.msk [tilespmem:v6+s15+$0x0], $0xffff  }
0x247: {  	v12 =	vor.u32 $0xB, v14;
	v7 =	vld.idx.msk [tilespmem:v7+s15+$0x0], $0xffff  }
0x248: {  	v13 =	vor.u32 $0xC, v14;
	v8 =	vld.idx.msk [tilespmem:v8+s15+$0x0], $0xffff  }
.Ltmp4:
0x249: {  	v19 =	vor.u32 $0xD, v14;
	v9 =	vld.idx.msk [tilespmem:v9+s15+$0x0], $0xffff;
	(pc) =	sbr.rel @p0 .LBB2_11-.Ltmp4, $4  }
0x24a: {  	v17 =	vor.u32 $0xE, v14;
	v10 =	vld.idx.msk [tilespmem:v10+s15+$0x0], $0xffff  }
0x24b: {  	v18 =	vor.u32 $0xF, v14;
	v11 =	vld.idx.msk [tilespmem:v11+s15+$0x0], $0xffff  }
0x24c: {  	v15 =	vor.u32 $0x10, v14;
	v12 =	vld.idx.msk [tilespmem:v12+s15+$0x0], $0xffff  }
0x24d: {  	s3 =	sadd.s32 $0x10, s3;
	v16 =	vor.u32 $0x11, v14;
	v13 =	vld.idx.msk [tilespmem:v13+s15+$0x0], $0xffff  }
0x24e: {  	_ =	sdelay $0x3  }
0x24f: {  	v19 =	vld.idx.msk [tilespmem:v19+s15+$0x0], $0xffff;
	v20 =	vor.u32 $0x12, v14  }
0x250: {  	v17 =	vld.idx.msk [tilespmem:v17+s15+$0x0], $0xffff;
	v21 =	vor.u32 $0x13, v14  }
0x251: {  	v18 =	vld.idx.msk [tilespmem:v18+s15+$0x0], $0xffff;
	v22 =	vor.u32 $0x14, v14  }
0x252: {  	v15 =	vld.idx.msk [tilespmem:v15+s15+$0x0], $0xffff;
	v23 =	vor.u32 $0x15, v14  }
0x253: {  	v16 =	vld.idx.msk [tilespmem:v16+s15+$0x0], $0xffff;
	v24 =	vor.u32 $0x16, v14  }
0x254: {  	v25 =	vor.u32 $0x17, v14;
	v20 =	vld.idx.msk [tilespmem:v20+s15+$0x0], $0xffff  }
0x255: {  	v26 =	vor.u32 $0x18, v14;
	v21 =	vld.idx.msk [tilespmem:v21+s15+$0x0], $0xffff  }
0x256: {  	v27 =	vor.u32 $0x19, v14;
	v22 =	vld.idx.msk [tilespmem:v22+s15+$0x0], $0xffff  }
0x257: {  	v28 =	vor.u32 $0x1A, v14;
	v23 =	vld.idx.msk [tilespmem:v23+s15+$0x0], $0xffff  }
0x258: {  	v29 =	vor.u32 $0x1B, v14;
	v24 =	vld.idx.msk [tilespmem:v24+s15+$0x0], $0xffff  }
0x259: {  	v30 =	vor.u32 $0x1C, v14;
	v25 =	vld.idx.msk [tilespmem:v25+s15+$0x0], $0xffff  }
0x25a: {  	v31 =	vor.u32 $0x1D, v14;
	v26 =	vld.idx.msk [tilespmem:v26+s15+$0x0], $0xffff  }
0x25b: {  	v32 =	vor.u32 $0x1E, v14;
	v27 =	vld.idx.msk [tilespmem:v27+s15+$0x0], $0xffff  }
0x25c: {  	v63 =	vor.u32 $0x1F, v14;
	v28 =	vld.idx.msk [tilespmem:v28+s15+$0x0], $0xffff  }
0x25d: {  	v29 =	vld.idx.msk [tilespmem:v29+s15+$0x0], $0xffff  }
0x25e: {  	v30 =	vld.idx.msk [tilespmem:v30+s15+$0x0], $0xffff  }
0x25f: {  	v31 =	vld.idx.msk [tilespmem:v31+s15+$0x0], $0xffff  }
0x260: {  	s0 =	sadd.s32 $0x10, s0;
	v32 =	vld.idx.msk [tilespmem:v32+s15+$0x0], $0xffff  }
0x261: {  	v14 =	vld.idx.msk [tilespmem:v63+s15+$0x0], $0xffff;
	[tilespmem:s0+$0x0] =	vst v15  }
0x262: {  	[tilespmem:s0+$0x80] =	vst v16  }
0x263: {  	[tilespmem:s0+$0xFFFFFB80] =	vst v18  }
0x264: {  	[tilespmem:s0+$0xFFFFF080] =	vst v2  }
0x265: {  	[tilespmem:s0+$0xFFFFF100] =	vst v3  }
0x266: {  	[tilespmem:s0+$0xFFFFF180] =	vst v4  }
0x267: {  	[tilespmem:s0+$0xFFFFF200] =	vst v5  }
0x268: {  	[tilespmem:s0+$0xFFFFF280] =	vst v6  }
0x269: {  	[tilespmem:s0+$0xFFFFF300] =	vst v7  }
0x26a: {  	[tilespmem:s0+$0xFFFFF380] =	vst v8  }
0x26b: {  	[tilespmem:s0+$0xFFFFF800] =	vst v9  }
0x26c: {  	[tilespmem:s0+$0xFFFFF880] =	vst v10  }
0x26d: {  	[tilespmem:s0+$0xFFFFF900] =	vst v11  }
0x26e: {  	[tilespmem:s0+$0xFFFFF980] =	vst v12  }
0x26f: {  	[tilespmem:s0+$0xFFFFFA00] =	vst v13  }
0x270: {  	[tilespmem:s0+$0xFFFFFA80] =	vst v19  }
0x271: {  	[tilespmem:s0+$0xFFFFFB00] =	vst v17  }
0x272: {  	[tilespmem:s0+$0xFFFFF000] =	vst v1  }
0x273: {  	[tilespmem:s0+$0x100] =	vst v20  }
0x274: {  	[tilespmem:s0+$0x180] =	vst v21  }
0x275: {  	[tilespmem:s0+$0x200] =	vst v22  }
0x276: {  	[tilespmem:s0+$0x280] =	vst v23  }
0x277: {  	[tilespmem:s0+$0x300] =	vst v24  }
0x278: {  	[tilespmem:s0+$0x380] =	vst v25  }
0x279: {  	[tilespmem:s0+$0x800] =	vst v26  }
0x27a: {  	[tilespmem:s0+$0x880] =	vst v27  }
0x27b: {  	s30 =	sadd.s32 $0x1, s30;
	[tilespmem:s0+$0x900] =	vst v28  }
0x27c: {  	s1 =	sadd.s32 s5, s31;
	p0 =	sne.s32 s30, $0x1A;
	[tilespmem:s0+$0x980] =	vst v29  }
.Ltmp5:
0x27d: {  	s3 =	sshll.u32 s1, $0x8;
	[tilespmem:s0+$0xA00] =	vst v30;
	(pc) =	sbr.rel @p0 .LBB2_4-.Ltmp5, $4  }
0x27e: {  	s26 =	sadd.s32 $0x200, s26;
	s1 =	sshll.u32 s1, $0xA;
	s3 =	sand.u32 $0x3F00, s3;
	[tilespmem:s0+$0xA80] =	vst v31  }
0x27f: {  	s25 =	sadd.s32 $0x200, s25;
	s1 =	sand.u32 $0xFFF0000, s1;
	s3 =	sadd.s32 s2, s3;
	[tilespmem:s0+$0xB00] =	vst v32  }
0x280: {  	s28 =	sadd.s32 $0x200, s28;
	s29 =	sadd.s32 $0x200, s29;
	s31 =	sadd.s32 s1, s3;
	[tilespmem:s0+$0xB80] =	vst v14  }
0x281: {  	[hbm4b:s31+s17] =	stream.strided.scatter [tilespmem:s21], [sflag:$0x4], $0x2000, s18, s17, $0x38;
	[tilespmem:$0x1A800] =	vst v63  }
0x282: {  	s24 =	sadd.s32 $0x1, s24  }
0x283: {  	_ =	swait.ge [sflag:s22], $0x2000;
	p0 =	sne.s32 s24, s7  }
.Ltmp6:
0x284: {  	[sflag:s22] =	ssyncset.done $0x0;
	(pc) =	sbr.rel @p0 .LBB2_1-.Ltmp6, $4  }
0x285: {  	[sflag:s22] =	ssyncadd.s32 $0xFFFFE000  }
0x286: {  	_ =	swait.ge [sflag:s23], $0x2000  }
0x287: {  	[sflag:s23] =	ssyncset.done $0x0  }
0x288: {  	[sflag:s23] =	ssyncadd.s32 $0xFFFFE000  }
0x289: {  	_ =	sfence.sel $0x180000  }
0x28a: {  	[bflag:$0x0] =	sbarrier.arrive $0xFFFF  }
0x28b: {  	_ =	strace $0x90000047  }
0x28c: {  	s0 =	stileid.u32;
	[bflag:$0x2] =	sbarrier.arrive $0xFFFF  }
0x28d: {  	p0 =	sne.s32 s0, $0x0;
	s0 =	rddreg [dreg:$0x2]  }
0x28e: {  	s0 =	sadd.s32 @!p0 $0x100000, s0  }
0x28f: {  	[sflag:s0] =	ssyncadd.tile.s32 @!p0 $0x1;
	_ =	shalt  }
.Lfunc_end2:
_tile_overlayer_lowered:
.L_overlay_start_2:
0x290: {  	(tag) =	ssettag $0x2  }
0x291: {  	s0 =	rddreg [dreg:$0x0];
	s2 =	stileid.u32  }
0x292: {  	s1 =	rddreg [dreg:$0x1];
	p0 =	sne.s32 s2, $0x0  }
0x293: {  	s3 =	rddreg [dreg:$0x2];
	[bflag:$0x3] =	sbarrier.arrive $0xFFFF;
	s2 =	simm.s32 @!p0 $0x1C05  }
0x294: {  	[timem:s3], [sflag:s2] =	dma.local @!p0 [hbm:s0], s1  }
0x295: {  	s0 =	simm.s32 @!p0 $0x5  }
0x296: {  	_ =	swait.ge @!p0 [sflag:s0], s1  }
0x297: {  	s1 =	ssub.s32 @!p0 $0x0, s1;
	[sflag:s0] =	ssyncset.done @!p0 $0x0  }
0x298: {  	[sflag:s0] =	ssyncadd.s32 @!p0 s1  }
0x299: {  	[bflag:$0x3] =	sbarrier.arrive $0xFFFF  }
0x29a: {  	_ =	shalt  }

</sc_bundles>
